<compile_context>
chip_gen: v7x
topology: tpu7x:2x2x1
jax: 0.10.2.dev20260603
libtpu: 0.0.44.dev20260713+nightly
codegen_flags: <defaults>
</compile_context>

<pallas_src>
import jax
import jax.numpy as jnp
from jax import lax
from jax.experimental import pallas as pl
from jax.experimental.pallas import tpu as pltpu
from jax.experimental.pallas import tpu_sc as plsc

KNN = 20
N = 1024
BATCH = 32
NEG = float("-inf")
_CNT = BATCH * N * KNN
_HIGH = jax.lax.Precision.HIGHEST


def _mm(a, b):
    return jax.lax.dot_general(a, b, (((1,), (0,)), ((), ())),
                               preferred_element_type=jnp.float32,
                               precision=_HIGH)


def _score(h):
    g = jax.lax.dot_general(h, h, (((0,), (0,)), ((), ())),
                            preferred_element_type=jnp.float32,
                            precision=_HIGH)
    hh = h * h
    ones = jnp.ones((h.shape[0], 8), jnp.float32)
    xxc = jax.lax.dot_general(hh, ones, (((0,), (0,)), ((), ())),
                              preferred_element_type=jnp.float32,
                              precision=_HIGH)
    return 2.0 * g - xxc[:, 0:1]


def _gather_rows(tbl, idxrow):
    t_rows = tbl.shape[0]
    idx = jnp.broadcast_to(idxrow, (t_rows, N))
    loc = idx & 127
    hi = idx >> 7
    acc = jnp.zeros((t_rows, N), jnp.float32)
    for cc in range(N // 128):
        src = jax.lax.slice(tbl, (0, cc * 128), (t_rows, cc * 128 + 128))
        g = jnp.take_along_axis(src, loc, axis=1)
        acc = jnp.where(hi == cc, g, acc)
    return acc


def _knn_round(d_ref, sub, m):
    dcur = d_ref[...]
    imin = jnp.min(jnp.where(dcur == m, sub, N), axis=0, keepdims=True)
    m_next = jnp.max(jnp.where(dcur < m, dcur, NEG), axis=0, keepdims=True)
    return imin, m_next


def _bn_coeffs(asum_ref, asq_ref, g_ref, b_ref):
    mean = jnp.sum(asum_ref[...], axis=1, keepdims=True) * (1.0 / _CNT)
    ex2 = jnp.sum(asq_ref[...], axis=1, keepdims=True) * (1.0 / _CNT)
    var = ex2 - mean * mean
    inv = jax.lax.rsqrt(var + 1e-5)
    scale = g_ref[...] * inv
    shift = b_ref[...] - mean * scale
    return scale, shift


def _acc_stats(b, asum_ref, asq_ref, ssum, ssq):
    c = ssum.shape[0]
    ps = ssum.reshape(c, 8, 128).sum(axis=1)
    pq = ssq.reshape(c, 8, 128).sum(axis=1)

    @pl.when(b == 0)
    def _():
        asum_ref[...] = jnp.zeros_like(asum_ref)
        asq_ref[...] = jnp.zeros_like(asq_ref)

    asum_ref[...] += ps
    asq_ref[...] += pq


def _f0_kernel(x_ref, n_ref, a_ref, bm_ref, c_ref, dm_ref, wd_ref, wo_ref,
               out_ref, asum_ref, asq_ref, d_ref):
    b = pl.program_id(0)
    xyz = x_ref[0]
    nrm = n_ref[0]
    d_ref[...] = _score(xyz)
    ps = _mm(a_ref[...], xyz) + _mm(dm_ref[...], nrm)
    q = _mm(bm_ref[...], xyz) + _mm(c_ref[...], nrm)
    wd = wd_ref[...]
    wo = wo_ref[...]
    tbl = jnp.concatenate([ps, xyz, nrm], axis=0)
    sub = jax.lax.broadcasted_iota(jnp.int32, (N, N), 0)
    m0 = jnp.max(d_ref[...], axis=0, keepdims=True)

    def body(t, carry):
        ssum, ssq, m = carry
        imin, m_next = _knn_round(d_ref, sub, m)
        g = _gather_rows(tbl, imin)
        gj = g[0:16]
        xyzj = g[16:19]
        nj = g[19:22]
        diff = xyzj - xyz
        dist = jnp.sqrt(jnp.sum(diff * diff, axis=0, keepdims=True) + 1e-12)
        dot = jnp.sum(nrm * nj, axis=0, keepdims=True)
        out_t = gj + q + wd * dist + wo * dot
        out_ref[0, t] = out_t
        return ssum + out_t, ssq + out_t * out_t, m_next

    z = jnp.zeros((16, N), jnp.float32)
    ssum, ssq, _ = jax.lax.fori_loop(0, KNN, body, (z, z, m0), unroll=2)
    _acc_stats(b, asum_ref, asq_ref, ssum, ssq)


def _mid_body(has_res, write_res, cout,
              prev_ref, rprev_ref, asum_p_ref, asq_p_ref, g_ref, b_ref,
              wa_ref, wdlt_ref, rout_ref, out_ref, asum_ref, asq_ref,
              d_ref):
    b = pl.program_id(0)
    scale, shift = _bn_coeffs(asum_p_ref, asq_p_ref, g_ref, b_ref)

    def pool_body(t, hmax):
        y = prev_ref[0, t] * scale + shift
        act = jnp.where(y >= 0, y, 0.2 * y)
        if has_res:
            act = act + rprev_ref[0, t]
        if write_res:
            rout_ref[0, t] = act
        return jnp.maximum(hmax, act)

    h = jax.lax.fori_loop(0, KNN, pool_body, jnp.full((16, N), NEG, jnp.float32))

    d_ref[...] = _score(h)
    u = _mm(wa_ref[...], h)
    v = _mm(wdlt_ref[...], h)
    sub = jax.lax.broadcasted_iota(jnp.int32, (N, N), 0)
    m0 = jnp.max(d_ref[...], axis=0, keepdims=True)

    if cout == 16:
        def body(t, carry):
            ssum, ssq, m = carry
            imin, m_next = _knn_round(d_ref, sub, m)
            out_t = _gather_rows(u, imin) + v
            out_ref[0, t] = out_t
            return ssum + out_t, ssq + out_t * out_t, m_next

        z = jnp.zeros((16, N), jnp.float32)
        ssum, ssq, _ = jax.lax.fori_loop(0, KNN, body, (z, z, m0), unroll=2)
    else:
        def body(t, carry):
            ssum, ssq, pmax, m = carry
            imin, m_next = _knn_round(d_ref, sub, m)
            out_t = _gather_rows(u, imin) + v
            return (ssum + out_t, ssq + out_t * out_t,
                    jnp.maximum(pmax, out_t), m_next)

        z = jnp.zeros((cout, N), jnp.float32)
        ssum, ssq, pmax, _ = jax.lax.fori_loop(
            0, KNN, body, (z, z, jnp.full((cout, N), NEG, jnp.float32), m0),
            unroll=2)
        out_ref[0] = pmax
    _acc_stats(b, asum_ref, asq_ref, ssum, ssq)


def _mid_kernel_res(prev_ref, rprev_ref, asum_p_ref, asq_p_ref,
                    g_ref, b_ref, wa_ref, wdlt_ref, rout_ref, out_ref,
                    asum_ref, asq_ref, d_ref):
    _mid_body(True, True, 16, prev_ref, rprev_ref, asum_p_ref, asq_p_ref,
              g_ref, b_ref, wa_ref, wdlt_ref, rout_ref, out_ref,
              asum_ref, asq_ref, d_ref)


def _mid_kernel_last(prev_ref, rprev_ref, asum_p_ref, asq_p_ref,
                     g_ref, b_ref, wa_ref, wdlt_ref, out_ref,
                     asum_ref, asq_ref, d_ref):
    _mid_body(True, False, 128, prev_ref, rprev_ref, asum_p_ref, asq_p_ref,
              g_ref, b_ref, wa_ref, wdlt_ref, None, out_ref,
              asum_ref, asq_ref, d_ref)


_NW = 32
_EDGES = BATCH * KNN * N
_EPW = _EDGES // _NW
_CHUNK = 5120


def _f1a_kernel(prev_ref, asum_p_ref, asq_p_ref, g_ref, b_ref, wa_ref,
                wdlt_ref, rout_ref, idx_ref, ut_ref, v_ref, d_ref):
    b = pl.program_id(0)
    scale, shift = _bn_coeffs(asum_p_ref, asq_p_ref, g_ref, b_ref)

    def pool_body(t, hmax):
        y = prev_ref[0, t] * scale + shift
        act = jnp.where(y >= 0, y, 0.2 * y)
        rout_ref[0, t] = act
        return jnp.maximum(hmax, act)

    h = jax.lax.fori_loop(0, KNN, pool_body,
                          jnp.full((16, N), NEG, jnp.float32))
    d_ref[...] = _score(h)
    u = _mm(wa_ref[...], h)
    v_ref[0] = _mm(wdlt_ref[...], h)
    ut_ref[0] = jnp.transpose(u)
    sub = jax.lax.broadcasted_iota(jnp.int32, (N, N), 0)
    m0 = jnp.max(d_ref[...], axis=0, keepdims=True)
    base = b * N

    def body(t, m):
        imin, m_next = _knn_round(d_ref, sub, m)
        idx_ref[0, t] = imin + base
        return m_next

    jax.lax.fori_loop(0, KNN, body, m0, unroll=2)


def _sc_gather_body(table_ref, idx_ref, out_ref, idx_v, rows_v, sem):
    wid = lax.axis_index("s") * 2 + lax.axis_index("c")
    base = wid * _EPW
    for i in range(_EPW // _CHUNK):
        off = base + i * _CHUNK
        pltpu.sync_copy(idx_ref.at[pl.ds(off, _CHUNK)], idx_v)
        pltpu.async_copy(table_ref.at[idx_v], rows_v, sem).wait()
        pltpu.sync_copy(rows_v, out_ref.at[pl.ds(off, _CHUNK)])


def _f1b_kernel(g_ref, v_ref, out_ref, asum_ref, asq_ref):
    b = pl.program_id(0)
    v = v_ref[0]

    def body(t, carry):
        ssum, ssq = carry
        out_t = jnp.transpose(g_ref[0, t]) + v
        out_ref[0, t] = out_t
        return ssum + out_t, ssq + out_t * out_t

    z = jnp.zeros((16, N), jnp.float32)
    ssum, ssq = jax.lax.fori_loop(0, KNN, body, (z, z))
    _acc_stats(b, asum_ref, asq_ref, ssum, ssq)


def _f4_kernel(pm_ref, asum_ref, asq_ref, g_ref, b_ref, pooled_ref):
    scale, shift = _bn_coeffs(asum_ref, asq_ref, g_ref, b_ref)
    y = pm_ref[0] * scale + shift
    act = jnp.where(y >= 0, y, 0.2 * y)
    pooled_ref[0] = jnp.mean(act, axis=1, keepdims=True)


def _f5_kernel(pooled_ref, wl_ref, bl_ref, out_ref):
    logits = jax.lax.dot_general(pooled_ref[...], wl_ref[...],
                                 (((1,), (1,)), ((), ())),
                                 preferred_element_type=jnp.float32,
                                 precision=_HIGH)
    logits = logits + bl_ref[0:1, :]
    m = jnp.max(logits, axis=1, keepdims=True)
    zz = logits - m
    lse = jnp.log(jnp.sum(jnp.exp(zz), axis=1, keepdims=True))
    out_ref[...] = zz - lse


def _full(shape):
    nd = len(shape)
    return pl.BlockSpec(shape, lambda b, _n=nd: (0,) * _n)


def _per_b(shape):
    nd = len(shape)
    return pl.BlockSpec((1,) + shape, lambda b, _n=nd: (b,) + (0,) * _n)


_EDGE = jax.ShapeDtypeStruct((BATCH, KNN, 16, N), jnp.float32)
_STAT16 = jax.ShapeDtypeStruct((16, 128), jnp.float32)
_STAT128 = jax.ShapeDtypeStruct((128, 128), jnp.float32)


def kernel(x, n, W1, g1, b1, W2, g2, b2, W3, g3, b3, W4, g4, b4, Wl, bl):
    f32 = jnp.float32
    a1 = W1[:, 0:3]
    bm1 = W1[:, 3:6] - a1
    c1 = W1[:, 6:9]
    dm1 = W1[:, 9:12]
    wd1 = W1[:, 12:13]
    wo1 = W1[:, 13:14]
    wa2, wdl2 = W2[:, 0:16], W2[:, 16:32] - W2[:, 0:16]
    wa3, wdl3 = W3[:, 0:16], W3[:, 16:32] - W3[:, 0:16]
    wa4, wdl4 = W4[:, 0:16], W4[:, 16:32] - W4[:, 0:16]
    g1c, b1c = g1.reshape(16, 1), b1.reshape(16, 1)
    g2c, b2c = g2.reshape(16, 1), b2.reshape(16, 1)
    g3c, b3c = g3.reshape(16, 1), b3.reshape(16, 1)
    g4c, b4c = g4.reshape(128, 1), b4.reshape(128, 1)
    bl8 = jnp.broadcast_to(bl.reshape(1, 40), (8, 40))

    scratch = [pltpu.VMEM((N, N), f32)]

    out1, s1, q1 = pl.pallas_call(
        _f0_kernel,
        grid=(BATCH,),
        in_specs=[_per_b((3, N)), _per_b((3, N)), _full((16, 3)),
                  _full((16, 3)), _full((16, 3)), _full((16, 3)),
                  _full((16, 1)), _full((16, 1))],
        out_specs=[_per_b((KNN, 16, N)), _full((16, 128)), _full((16, 128))],
        out_shape=[_EDGE, _STAT16, _STAT16],
        scratch_shapes=scratch,
    )(x, n, a1, bm1, c1, dm1, wd1, wo1)

    r1, idxg, ut, v2 = pl.pallas_call(
        _f1a_kernel,
        grid=(BATCH,),
        in_specs=[_per_b((KNN, 16, N)),
                  _full((16, 128)), _full((16, 128)),
                  _full((16, 1)), _full((16, 1)),
                  _full((16, 16)), _full((16, 16))],
        out_specs=[_per_b((KNN, 16, N)), _per_b((KNN, 1, N)),
                   _per_b((N, 16)), _per_b((16, N))],
        out_shape=[_EDGE,
                   jax.ShapeDtypeStruct((BATCH, KNN, 1, N), jnp.int32),
                   jax.ShapeDtypeStruct((BATCH, N, 16), jnp.float32),
                   jax.ShapeDtypeStruct((BATCH, 16, N), jnp.float32)],
        scratch_shapes=scratch,
    )(out1, s1, q1, g1c, b1c, wa2, wdl2)

    mesh = plsc.VectorSubcoreMesh(core_axis_name="c", subcore_axis_name="s")
    scg = pl.kernel(
        _sc_gather_body,
        mesh=mesh,
        out_type=jax.ShapeDtypeStruct((_EDGES, 16), jnp.float32),
        scratch_types=[pltpu.VMEM((_CHUNK,), jnp.int32),
                       pltpu.VMEM((_CHUNK, 16), jnp.float32),
                       pltpu.SemaphoreType.DMA],
        compiler_params=pltpu.CompilerParams(use_tc_tiling_on_sc=False),
    )
    gath = scg(ut.reshape(BATCH * N, 16), idxg.reshape(_EDGES))

    out2, s2, q2 = pl.pallas_call(
        _f1b_kernel,
        grid=(BATCH,),
        in_specs=[_per_b((KNN, N, 16)), _per_b((16, N))],
        out_specs=[_per_b((KNN, 16, N)), _full((16, 128)), _full((16, 128))],
        out_shape=[_EDGE, _STAT16, _STAT16],
    )(gath.reshape(BATCH, KNN, N, 16), v2)

    r2, out3, s3, q3 = pl.pallas_call(
        _mid_kernel_res,
        grid=(BATCH,),
        in_specs=[_per_b((KNN, 16, N)), _per_b((KNN, 16, N)),
                  _full((16, 128)), _full((16, 128)),
                  _full((16, 1)), _full((16, 1)),
                  _full((16, 16)), _full((16, 16))],
        out_specs=[_per_b((KNN, 16, N)), _per_b((KNN, 16, N)),
                   _full((16, 128)), _full((16, 128))],
        out_shape=[_EDGE, _EDGE, _STAT16, _STAT16],
        scratch_shapes=scratch,
    )(out2, r1, s2, q2, g2c, b2c, wa3, wdl3)

    pm4, s4, q4 = pl.pallas_call(
        _mid_kernel_last,
        grid=(BATCH,),
        in_specs=[_per_b((KNN, 16, N)), _per_b((KNN, 16, N)),
                  _full((16, 128)), _full((16, 128)),
                  _full((16, 1)), _full((16, 1)),
                  _full((128, 16)), _full((128, 16))],
        out_specs=[_per_b((128, N)), _full((128, 128)), _full((128, 128))],
        out_shape=[jax.ShapeDtypeStruct((BATCH, 128, N), f32),
                   _STAT128, _STAT128],
        scratch_shapes=scratch,
    )(out3, r2, s3, q3, g3c, b3c, wa4, wdl4)

    pooled = pl.pallas_call(
        _f4_kernel,
        grid=(BATCH,),
        in_specs=[_per_b((128, N)), _full((128, 128)), _full((128, 128)),
                  _full((128, 1)), _full((128, 1))],
        out_specs=_per_b((128, 1)),
        out_shape=jax.ShapeDtypeStruct((BATCH, 128, 1), f32),
    )(pm4, s4, q4, g4c, b4c)

    pooled2 = pooled.reshape(BATCH, 128)
    out = pl.pallas_call(
        _f5_kernel,
        in_specs=[pl.BlockSpec((BATCH, 128), lambda: (0, 0)),
                  pl.BlockSpec((40, 128), lambda: (0, 0)),
                  pl.BlockSpec((8, 40), lambda: (0, 0))],
        out_specs=pl.BlockSpec((BATCH, 40), lambda: (0, 0)),
        out_shape=jax.ShapeDtypeStruct((BATCH, 40), f32),
    )(pooled2, Wl, bl8)
    return out

# --- scband reference (transcript-rebuilt; emitter-appended) ---
"""Pipeline reference for scband-geconv-net-scan-32701880992134 (READ-ONLY COPY).

The authoritative reference and input builder live on the scoring server;
editing this copy changes nothing except your own understanding.
"""

import jax, jax.numpy as jnp
import numpy as np

K = 20

def knn_idx(x, k):
    # x: [B, C, N] -> idx: [B, N, k] (nearest neighbors incl. self)
    inner = -2.0 * jnp.einsum('bcn,bcm->bnm', x, x)
    xx = jnp.sum(x * x, axis=1)
    neg_d = -(xx[:, :, None] + inner + xx[:, None, :])
    _, idx = jax.lax.top_k(neg_d, k)
    return idx

def gather_nb(x, idx):
    # x: [B, C, N], idx: [B, N, k] -> [B, C, N, k]
    xt = jnp.transpose(x, (0, 2, 1))
    nb = jax.vmap(lambda a, i: a[i])(xt, idx)
    return jnp.transpose(nb, (0, 3, 1, 2))

def bn_lrelu(x, gamma, beta):
    mean = jnp.mean(x, axis=(0, 2, 3), keepdims=True)
    var = jnp.var(x, axis=(0, 2, 3), keepdims=True)
    xn = (x - mean) / jnp.sqrt(var + 1e-5)
    y = xn * gamma.reshape(1, -1, 1, 1) + beta.reshape(1, -1, 1, 1)
    return jax.nn.leaky_relu(y, 0.2)

def geconv1(xyz, n, W, g, b, k):
    # layer1: 14-dim geometric edge features from xyz + normals
    idx = knn_idx(xyz, k)
    xyz_j = gather_nb(xyz, idx)
    n_j = gather_nb(n, idx)
    xyz_i = jnp.broadcast_to(xyz[:, :, :, None], xyz_j.shape)
    n_i = jnp.broadcast_to(n[:, :, :, None], n_j.shape)
    diff = xyz_j - xyz_i
    dist = jnp.sqrt(jnp.sum(diff * diff, axis=1, keepdims=True) + 1e-12)
    dot = jnp.sum(n_i * n_j, axis=1, keepdims=True)
    feat = jnp.concatenate([diff, xyz_i, n_i, n_j, dist, dot], axis=1)  # [B,14,N,k]
    out = jnp.einsum('oc,bcnk->bonk', W, feat)
    return bn_lrelu(out, g, b), xyz, n

def geconv(x, xyz, n, W, g, b, k):
    # dynamic graph on feature space (dynm=True)
    idx = knn_idx(x, k)
    x_j = gather_nb(x, idx)
    x_i = jnp.broadcast_to(x[:, :, :, None], x_j.shape)
    feat = jnp.concatenate([x_j - x_i, x_i], axis=1)  # [B,2C,N,k]
    out = jnp.einsum('oc,bcnk->bonk', W, feat)
    return bn_lrelu(out, g, b), xyz, n

def setup_inputs(seed: int = 0):
    key = jax.random.key(seed)
    ks = jax.random.split(key, 10)
    B, N = 32, 1024
    x = jax.random.normal(ks[0], (B, 3, N), dtype=jnp.float32)
    n = jax.random.normal(ks[1], (B, 3, N), dtype=jnp.float32)
    n = n / (jnp.linalg.norm(n, axis=1, keepdims=True) + 1e-8)
    def wi(k_, shape, fan_in):
        return jax.random.normal(k_, shape, dtype=jnp.float32) * (1.0 / np.sqrt(fan_in))
    W1 = wi(ks[2], (16, 14), 14); g1 = jnp.ones((16,), jnp.float32); b1 = jnp.zeros((16,), jnp.float32)
    W2 = wi(ks[3], (16, 32), 32); g2 = jnp.ones((16,), jnp.float32); b2 = jnp.zeros((16,), jnp.float32)
    W3 = wi(ks[4], (16, 32), 32); g3 = jnp.ones((16,), jnp.float32); b3 = jnp.zeros((16,), jnp.float32)
    W4 = wi(ks[5], (128, 32), 32); g4 = jnp.ones((128,), jnp.float32); b4 = jnp.zeros((128,), jnp.float32)
    Wl = wi(ks[6], (40, 128), 128); bl = jnp.zeros((40,), jnp.float32)
    return {"x": x, "n": n, "W1": W1, "g1": g1, "b1": b1, "W2": W2, "g2": g2, "b2": b2,
            "W3": W3, "g3": g3, "b3": b3, "W4": W4, "g4": g4, "b4": b4, "Wl": Wl, "bl": bl}

def reference(x, n, W1, g1, b1, W2, g2, b2, W3, g3, b3, W4, g4, b4, Wl, bl):
    k = K
    h, xyz1, n1 = geconv1(x, n, W1, g1, b1, k)
    res1 = h
    h1 = jnp.max(h, axis=-1)
    h, xyz2, n2 = geconv(h1, xyz1, n1, W2, g2, b2, k)
    h = h + res1
    res = h
    h2 = jnp.max(h, axis=-1)
    h, xyz3, n3 = geconv(h2, xyz2, n2, W3, g3, b3, k)
    h = h + res
    h3 = jnp.max(h, axis=-1)
    h, xyz4, n4 = geconv(h3, xyz3, n3, W4, g4, b4, k)
    h4 = jnp.max(h, axis=-1)  # [B,128,N]
    pooled = jnp.mean(h4, axis=-1)  # adaptive_avg_pool1d(.,1)
    logits = pooled @ Wl.T + bl
    return jax.nn.log_softmax(logits, axis=1)

if __name__ == "__main__":
    import jax
    _d = setup_inputs()
    print(jax.jit(kernel)(*tuple(_d.values())))

</pallas_src>

<mosaic_0001>
#map = affine_map<(d0, d1) -> (0, 0)>
#map1 = affine_map<(d0, d1) -> (0)>
module attributes {stable_mosaic.version = 14 : i64} {
  func.func @_sc_gather_body(%arg0: i32, %arg1: i32, %arg2: memref<32768x16xf32, #tpu.memory_space<hbm>>, %arg3: memref<655360xi32, #tpu.memory_space<hbm>>, %arg4: memref<655360x16xf32, #tpu.memory_space<hbm>>, %arg5: memref<5120xi32, #tpu.memory_space<vmem>>, %arg6: memref<5120x16xf32, #tpu.memory_space<vmem>>, %arg7: memref<!tpu.dma_semaphore, #tpu.memory_space<semaphore_mem>>) attributes {dimension_semantics = [#tpu.dimension_semantics<core_parallel>, #tpu.dimension_semantics<subcore_parallel>], iteration_bounds = array<i64: 2, 16>, scalar_prefetch = 0 : i64, scratch_operands = 3 : i64, tpu.core_type = #tpu.core_type<sc_vector_subcore>, window_params = [{transform_indices = #map}, {transform_indices = #map1}, {transform_indices = #map}]} {
    %mul3A = arith.constant 2 : i32
    %mul3A_0 = arith.muli %arg1, %mul3A : i32
    %add3A = arith.addi %mul3A_0, %arg0 : i32
    %mul3A_1 = arith.constant 20480 : i32
    %mul3A_2 = arith.muli %add3A, %mul3A_1 : i32
    %add3A_3 = arith.constant 0 : i32
    %add3A_4 = arith.addi %mul3A_2, %add3A_3 : i32
    "tpu.region"() ({
      %run_scoped3A = tpu.sem_alloc : memref<!tpu.dma_semaphore, #tpu.memory_space<semaphore_mem>>
      %dma_start3A_33 = tpu.memref_slice %arg3[%add3A_4] : memref<655360xi32, #tpu.memory_space<hbm>> -> memref<5120xi32, #tpu.memory_space<hbm>>
      %dma_start3A_34 = tpu.memref_slice %arg3[%add3A_4] : memref<655360xi32, #tpu.memory_space<hbm>> -> memref<5120xi32, #tpu.memory_space<hbm>>
      tpu.enqueue_dma source(%dma_start3A_34 : memref<5120xi32, #tpu.memory_space<hbm>>) target(%arg5 : memref<5120xi32, #tpu.memory_space<vmem>>) target_semaphore(%run_scoped3A : memref<!tpu.dma_semaphore, #tpu.memory_space<semaphore_mem>>)
      %dma_wait3A_35 = tpu.memref_slice %arg3[%add3A_4] : memref<655360xi32, #tpu.memory_space<hbm>> -> memref<5120xi32, #tpu.memory_space<hbm>>
      %dma_wait3A_36 = tpu.memref_slice %arg3[%add3A_4] : memref<655360xi32, #tpu.memory_space<hbm>> -> memref<5120xi32, #tpu.memory_space<hbm>>
      tpu.wait_dma2 semaphore(%run_scoped3A : memref<!tpu.dma_semaphore, #tpu.memory_space<semaphore_mem>>) src(%dma_wait3A_36 : memref<5120xi32, #tpu.memory_space<hbm>>) dst(%arg5 : memref<5120xi32, #tpu.memory_space<vmem>>)
      tpu.yield
    }) : () -> ()
    %dma_start3A = arith.constant 0 : i32
    %dma_start3A_5 = arith.constant 0 : i32
    %dma_start3A_6 = tpu.memref_slice %arg2[%dma_start3A, %dma_start3A_5] : memref<32768x16xf32, #tpu.memory_space<hbm>> -> memref<32768x16xf32, #tpu.memory_space<hbm>>
    tpu.enqueue_indirect_dma source(%dma_start3A_6 : memref<32768x16xf32, #tpu.memory_space<hbm>>) target(%arg6 : memref<5120x16xf32, #tpu.memory_space<vmem>>) offsets(%arg5 : memref<5120xi32, #tpu.memory_space<vmem>>) semaphore(%arg7 : memref<!tpu.dma_semaphore, #tpu.memory_space<semaphore_mem>>)
    %dma_wait3A = arith.constant 0 : i32
    %dma_wait3A_7 = arith.constant 0 : i32
    %dma_wait3A_8 = tpu.memref_slice %arg2[%dma_wait3A, %dma_wait3A_7] : memref<32768x16xf32, #tpu.memory_space<hbm>> -> memref<32768x16xf32, #tpu.memory_space<hbm>>
    tpu.wait_indirect_dma semaphore(%arg7 : memref<!tpu.dma_semaphore, #tpu.memory_space<semaphore_mem>>) src(%dma_wait3A_8 : memref<32768x16xf32, #tpu.memory_space<hbm>>) dst(%arg6 : memref<5120x16xf32, #tpu.memory_space<vmem>>)
    "tpu.region"() ({
      %run_scoped3A = tpu.sem_alloc : memref<!tpu.dma_semaphore, #tpu.memory_space<semaphore_mem>>
      %dma_start3A_33 = arith.constant 0 : i32
      %dma_start3A_34 = tpu.memref_slice %arg4[%add3A_4, %dma_start3A_33] : memref<655360x16xf32, #tpu.memory_space<hbm>> -> memref<5120x16xf32, #tpu.memory_space<hbm>>
      %dma_start3A_35 = arith.constant 0 : i32
      %dma_start3A_36 = tpu.memref_slice %arg4[%add3A_4, %dma_start3A_35] : memref<655360x16xf32, #tpu.memory_space<hbm>> -> memref<5120x16xf32, #tpu.memory_space<hbm>>
      tpu.enqueue_dma source(%arg6 : memref<5120x16xf32, #tpu.memory_space<vmem>>) target(%dma_start3A_36 : memref<5120x16xf32, #tpu.memory_space<hbm>>) target_semaphore(%run_scoped3A : memref<!tpu.dma_semaphore, #tpu.memory_space<semaphore_mem>>)
      %dma_wait3A_37 = arith.constant 0 : i32
      %dma_wait3A_38 = tpu.memref_slice %arg4[%add3A_4, %dma_wait3A_37] : memref<655360x16xf32, #tpu.memory_space<hbm>> -> memref<5120x16xf32, #tpu.memory_space<hbm>>
      %dma_wait3A_39 = arith.constant 0 : i32
      %dma_wait3A_40 = tpu.memref_slice %arg4[%add3A_4, %dma_wait3A_39] : memref<655360x16xf32, #tpu.memory_space<hbm>> -> memref<5120x16xf32, #tpu.memory_space<hbm>>
      tpu.wait_dma2 semaphore(%run_scoped3A : memref<!tpu.dma_semaphore, #tpu.memory_space<semaphore_mem>>) src(%arg6 : memref<5120x16xf32, #tpu.memory_space<vmem>>) dst(%dma_wait3A_40 : memref<5120x16xf32, #tpu.memory_space<hbm>>)
      tpu.yield
    }) : () -> ()
    %add3A_9 = arith.constant 5120 : i32
    %add3A_10 = arith.addi %mul3A_2, %add3A_9 : i32
    "tpu.region"() ({
      %run_scoped3A = tpu.sem_alloc : memref<!tpu.dma_semaphore, #tpu.memory_space<semaphore_mem>>
      %dma_start3A_33 = tpu.memref_slice %arg3[%add3A_10] : memref<655360xi32, #tpu.memory_space<hbm>> -> memref<5120xi32, #tpu.memory_space<hbm>>
      %dma_start3A_34 = tpu.memref_slice %arg3[%add3A_10] : memref<655360xi32, #tpu.memory_space<hbm>> -> memref<5120xi32, #tpu.memory_space<hbm>>
      tpu.enqueue_dma source(%dma_start3A_34 : memref<5120xi32, #tpu.memory_space<hbm>>) target(%arg5 : memref<5120xi32, #tpu.memory_space<vmem>>) target_semaphore(%run_scoped3A : memref<!tpu.dma_semaphore, #tpu.memory_space<semaphore_mem>>)
      %dma_wait3A_35 = tpu.memref_slice %arg3[%add3A_10] : memref<655360xi32, #tpu.memory_space<hbm>> -> memref<5120xi32, #tpu.memory_space<hbm>>
      %dma_wait3A_36 = tpu.memref_slice %arg3[%add3A_10] : memref<655360xi32, #tpu.memory_space<hbm>> -> memref<5120xi32, #tpu.memory_space<hbm>>
      tpu.wait_dma2 semaphore(%run_scoped3A : memref<!tpu.dma_semaphore, #tpu.memory_space<semaphore_mem>>) src(%dma_wait3A_36 : memref<5120xi32, #tpu.memory_space<hbm>>) dst(%arg5 : memref<5120xi32, #tpu.memory_space<vmem>>)
      tpu.yield
    }) : () -> ()
    %dma_start3A_11 = arith.constant 0 : i32
    %dma_start3A_12 = arith.constant 0 : i32
    %dma_start3A_13 = tpu.memref_slice %arg2[%dma_start3A_11, %dma_start3A_12] : memref<32768x16xf32, #tpu.memory_space<hbm>> -> memref<32768x16xf32, #tpu.memory_space<hbm>>
    tpu.enqueue_indirect_dma source(%dma_start3A_13 : memref<32768x16xf32, #tpu.memory_space<hbm>>) target(%arg6 : memref<5120x16xf32, #tpu.memory_space<vmem>>) offsets(%arg5 : memref<5120xi32, #tpu.memory_space<vmem>>) semaphore(%arg7 : memref<!tpu.dma_semaphore, #tpu.memory_space<semaphore_mem>>)
    %dma_wait3A_14 = arith.constant 0 : i32
    %dma_wait3A_15 = arith.constant 0 : i32
    %dma_wait3A_16 = tpu.memref_slice %arg2[%dma_wait3A_14, %dma_wait3A_15] : memref<32768x16xf32, #tpu.memory_space<hbm>> -> memref<32768x16xf32, #tpu.memory_space<hbm>>
    tpu.wait_indirect_dma semaphore(%arg7 : memref<!tpu.dma_semaphore, #tpu.memory_space<semaphore_mem>>) src(%dma_wait3A_16 : memref<32768x16xf32, #tpu.memory_space<hbm>>) dst(%arg6 : memref<5120x16xf32, #tpu.memory_space<vmem>>)
    "tpu.region"() ({
      %run_scoped3A = tpu.sem_alloc : memref<!tpu.dma_semaphore, #tpu.memory_space<semaphore_mem>>
      %dma_start3A_33 = arith.constant 0 : i32
      %dma_start3A_34 = tpu.memref_slice %arg4[%add3A_10, %dma_start3A_33] : memref<655360x16xf32, #tpu.memory_space<hbm>> -> memref<5120x16xf32, #tpu.memory_space<hbm>>
      %dma_start3A_35 = arith.constant 0 : i32
      %dma_start3A_36 = tpu.memref_slice %arg4[%add3A_10, %dma_start3A_35] : memref<655360x16xf32, #tpu.memory_space<hbm>> -> memref<5120x16xf32, #tpu.memory_space<hbm>>
      tpu.enqueue_dma source(%arg6 : memref<5120x16xf32, #tpu.memory_space<vmem>>) target(%dma_start3A_36 : memref<5120x16xf32, #tpu.memory_space<hbm>>) target_semaphore(%run_scoped3A : memref<!tpu.dma_semaphore, #tpu.memory_space<semaphore_mem>>)
      %dma_wait3A_37 = arith.constant 0 : i32
      %dma_wait3A_38 = tpu.memref_slice %arg4[%add3A_10, %dma_wait3A_37] : memref<655360x16xf32, #tpu.memory_space<hbm>> -> memref<5120x16xf32, #tpu.memory_space<hbm>>
      %dma_wait3A_39 = arith.constant 0 : i32
      %dma_wait3A_40 = tpu.memref_slice %arg4[%add3A_10, %dma_wait3A_39] : memref<655360x16xf32, #tpu.memory_space<hbm>> -> memref<5120x16xf32, #tpu.memory_space<hbm>>
      tpu.wait_dma2 semaphore(%run_scoped3A : memref<!tpu.dma_semaphore, #tpu.memory_space<semaphore_mem>>) src(%arg6 : memref<5120x16xf32, #tpu.memory_space<vmem>>) dst(%dma_wait3A_40 : memref<5120x16xf32, #tpu.memory_space<hbm>>)
      tpu.yield
    }) : () -> ()
    %add3A_17 = arith.constant 10240 : i32
    %add3A_18 = arith.addi %mul3A_2, %add3A_17 : i32
    "tpu.region"() ({
      %run_scoped3A = tpu.sem_alloc : memref<!tpu.dma_semaphore, #tpu.memory_space<semaphore_mem>>
      %dma_start3A_33 = tpu.memref_slice %arg3[%add3A_18] : memref<655360xi32, #tpu.memory_space<hbm>> -> memref<5120xi32, #tpu.memory_space<hbm>>
      %dma_start3A_34 = tpu.memref_slice %arg3[%add3A_18] : memref<655360xi32, #tpu.memory_space<hbm>> -> memref<5120xi32, #tpu.memory_space<hbm>>
      tpu.enqueue_dma source(%dma_start3A_34 : memref<5120xi32, #tpu.memory_space<hbm>>) target(%arg5 : memref<5120xi32, #tpu.memory_space<vmem>>) target_semaphore(%run_scoped3A : memref<!tpu.dma_semaphore, #tpu.memory_space<semaphore_mem>>)
      %dma_wait3A_35 = tpu.memref_slice %arg3[%add3A_18] : memref<655360xi32, #tpu.memory_space<hbm>> -> memref<5120xi32, #tpu.memory_space<hbm>>
      %dma_wait3A_36 = tpu.memref_slice %arg3[%add3A_18] : memref<655360xi32, #tpu.memory_space<hbm>> -> memref<5120xi32, #tpu.memory_space<hbm>>
      tpu.wait_dma2 semaphore(%run_scoped3A : memref<!tpu.dma_semaphore, #tpu.memory_space<semaphore_mem>>) src(%dma_wait3A_36 : memref<5120xi32, #tpu.memory_space<hbm>>) dst(%arg5 : memref<5120xi32, #tpu.memory_space<vmem>>)
      tpu.yield
    }) : () -> ()
    %dma_start3A_19 = arith.constant 0 : i32
    %dma_start3A_20 = arith.constant 0 : i32
    %dma_start3A_21 = tpu.memref_slice %arg2[%dma_start3A_19, %dma_start3A_20] : memref<32768x16xf32, #tpu.memory_space<hbm>> -> memref<32768x16xf32, #tpu.memory_space<hbm>>
    tpu.enqueue_indirect_dma source(%dma_start3A_21 : memref<32768x16xf32, #tpu.memory_space<hbm>>) target(%arg6 : memref<5120x16xf32, #tpu.memory_space<vmem>>) offsets(%arg5 : memref<5120xi32, #tpu.memory_space<vmem>>) semaphore(%arg7 : memref<!tpu.dma_semaphore, #tpu.memory_space<semaphore_mem>>)
    %dma_wait3A_22 = arith.constant 0 : i32
    %dma_wait3A_23 = arith.constant 0 : i32
    %dma_wait3A_24 = tpu.memref_slice %arg2[%dma_wait3A_22, %dma_wait3A_23] : memref<32768x16xf32, #tpu.memory_space<hbm>> -> memref<32768x16xf32, #tpu.memory_space<hbm>>
    tpu.wait_indirect_dma semaphore(%arg7 : memref<!tpu.dma_semaphore, #tpu.memory_space<semaphore_mem>>) src(%dma_wait3A_24 : memref<32768x16xf32, #tpu.memory_space<hbm>>) dst(%arg6 : memref<5120x16xf32, #tpu.memory_space<vmem>>)
    "tpu.region"() ({
      %run_scoped3A = tpu.sem_alloc : memref<!tpu.dma_semaphore, #tpu.memory_space<semaphore_mem>>
      %dma_start3A_33 = arith.constant 0 : i32
      %dma_start3A_34 = tpu.memref_slice %arg4[%add3A_18, %dma_start3A_33] : memref<655360x16xf32, #tpu.memory_space<hbm>> -> memref<5120x16xf32, #tpu.memory_space<hbm>>
      %dma_start3A_35 = arith.constant 0 : i32
      %dma_start3A_36 = tpu.memref_slice %arg4[%add3A_18, %dma_start3A_35] : memref<655360x16xf32, #tpu.memory_space<hbm>> -> memref<5120x16xf32, #tpu.memory_space<hbm>>
      tpu.enqueue_dma source(%arg6 : memref<5120x16xf32, #tpu.memory_space<vmem>>) target(%dma_start3A_36 : memref<5120x16xf32, #tpu.memory_space<hbm>>) target_semaphore(%run_scoped3A : memref<!tpu.dma_semaphore, #tpu.memory_space<semaphore_mem>>)
      %dma_wait3A_37 = arith.constant 0 : i32
      %dma_wait3A_38 = tpu.memref_slice %arg4[%add3A_18, %dma_wait3A_37] : memref<655360x16xf32, #tpu.memory_space<hbm>> -> memref<5120x16xf32, #tpu.memory_space<hbm>>
      %dma_wait3A_39 = arith.constant 0 : i32
      %dma_wait3A_40 = tpu.memref_slice %arg4[%add3A_18, %dma_wait3A_39] : memref<655360x16xf32, #tpu.memory_space<hbm>> -> memref<5120x16xf32, #tpu.memory_space<hbm>>
      tpu.wait_dma2 semaphore(%run_scoped3A : memref<!tpu.dma_semaphore, #tpu.memory_space<semaphore_mem>>) src(%arg6 : memref<5120x16xf32, #tpu.memory_space<vmem>>) dst(%dma_wait3A_40 : memref<5120x16xf32, #tpu.memory_space<hbm>>)
      tpu.yield
    }) : () -> ()
    %add3A_25 = arith.constant 15360 : i32
    %add3A_26 = arith.addi %mul3A_2, %add3A_25 : i32
    "tpu.region"() ({
      %run_scoped3A = tpu.sem_alloc : memref<!tpu.dma_semaphore, #tpu.memory_space<semaphore_mem>>
      %dma_start3A_33 = tpu.memref_slice %arg3[%add3A_26] : memref<655360xi32, #tpu.memory_space<hbm>> -> memref<5120xi32, #tpu.memory_space<hbm>>
      %dma_start3A_34 = tpu.memref_slice %arg3[%add3A_26] : memref<655360xi32, #tpu.memory_space<hbm>> -> memref<5120xi32, #tpu.memory_space<hbm>>
      tpu.enqueue_dma source(%dma_start3A_34 : memref<5120xi32, #tpu.memory_space<hbm>>) target(%arg5 : memref<5120xi32, #tpu.memory_space<vmem>>) target_semaphore(%run_scoped3A : memref<!tpu.dma_semaphore, #tpu.memory_space<semaphore_mem>>)
      %dma_wait3A_35 = tpu.memref_slice %arg3[%add3A_26] : memref<655360xi32, #tpu.memory_space<hbm>> -> memref<5120xi32, #tpu.memory_space<hbm>>
      %dma_wait3A_36 = tpu.memref_slice %arg3[%add3A_26] : memref<655360xi32, #tpu.memory_space<hbm>> -> memref<5120xi32, #tpu.memory_space<hbm>>
      tpu.wait_dma2 semaphore(%run_scoped3A : memref<!tpu.dma_semaphore, #tpu.memory_space<semaphore_mem>>) src(%dma_wait3A_36 : memref<5120xi32, #tpu.memory_space<hbm>>) dst(%arg5 : memref<5120xi32, #tpu.memory_space<vmem>>)
      tpu.yield
    }) : () -> ()
    %dma_start3A_27 = arith.constant 0 : i32
    %dma_start3A_28 = arith.constant 0 : i32
    %dma_start3A_29 = tpu.memref_slice %arg2[%dma_start3A_27, %dma_start3A_28] : memref<32768x16xf32, #tpu.memory_space<hbm>> -> memref<32768x16xf32, #tpu.memory_space<hbm>>
    tpu.enqueue_indirect_dma source(%dma_start3A_29 : memref<32768x16xf32, #tpu.memory_space<hbm>>) target(%arg6 : memref<5120x16xf32, #tpu.memory_space<vmem>>) offsets(%arg5 : memref<5120xi32, #tpu.memory_space<vmem>>) semaphore(%arg7 : memref<!tpu.dma_semaphore, #tpu.memory_space<semaphore_mem>>)
    %dma_wait3A_30 = arith.constant 0 : i32
    %dma_wait3A_31 = arith.constant 0 : i32
    %dma_wait3A_32 = tpu.memref_slice %arg2[%dma_wait3A_30, %dma_wait3A_31] : memref<32768x16xf32, #tpu.memory_space<hbm>> -> memref<32768x16xf32, #tpu.memory_space<hbm>>
    tpu.wait_indirect_dma semaphore(%arg7 : memref<!tpu.dma_semaphore, #tpu.memory_space<semaphore_mem>>) src(%dma_wait3A_32 : memref<32768x16xf32, #tpu.memory_space<hbm>>) dst(%arg6 : memref<5120x16xf32, #tpu.memory_space<vmem>>)
    "tpu.region"() ({
      %run_scoped3A = tpu.sem_alloc : memref<!tpu.dma_semaphore, #tpu.memory_space<semaphore_mem>>
      %dma_start3A_33 = arith.constant 0 : i32
      %dma_start3A_34 = tpu.memref_slice %arg4[%add3A_26, %dma_start3A_33] : memref<655360x16xf32, #tpu.memory_space<hbm>> -> memref<5120x16xf32, #tpu.memory_space<hbm>>
      %dma_start3A_35 = arith.constant 0 : i32
      %dma_start3A_36 = tpu.memref_slice %arg4[%add3A_26, %dma_start3A_35] : memref<655360x16xf32, #tpu.memory_space<hbm>> -> memref<5120x16xf32, #tpu.memory_space<hbm>>
      tpu.enqueue_dma source(%arg6 : memref<5120x16xf32, #tpu.memory_space<vmem>>) target(%dma_start3A_36 : memref<5120x16xf32, #tpu.memory_space<hbm>>) target_semaphore(%run_scoped3A : memref<!tpu.dma_semaphore, #tpu.memory_space<semaphore_mem>>)
      %dma_wait3A_37 = arith.constant 0 : i32
      %dma_wait3A_38 = tpu.memref_slice %arg4[%add3A_26, %dma_wait3A_37] : memref<655360x16xf32, #tpu.memory_space<hbm>> -> memref<5120x16xf32, #tpu.memory_space<hbm>>
      %dma_wait3A_39 = arith.constant 0 : i32
      %dma_wait3A_40 = tpu.memref_slice %arg4[%add3A_26, %dma_wait3A_39] : memref<655360x16xf32, #tpu.memory_space<hbm>> -> memref<5120x16xf32, #tpu.memory_space<hbm>>
      tpu.wait_dma2 semaphore(%run_scoped3A : memref<!tpu.dma_semaphore, #tpu.memory_space<semaphore_mem>>) src(%arg6 : memref<5120x16xf32, #tpu.memory_space<vmem>>) dst(%dma_wait3A_40 : memref<5120x16xf32, #tpu.memory_space<hbm>>)
      tpu.yield
    }) : () -> ()
    return
  }
}

module attributes {stable_mosaic.version = 14 : i64} {
  func.func @_f0_kernel(%arg0: i32, %arg1: memref<1x3x1024xf32, #tpu.memory_space<vmem>>, %arg2: memref<1x3x1024xf32, #tpu.memory_space<vmem>>, %arg3: memref<16x3xf32, #tpu.memory_space<vmem>>, %arg4: memref<16x3xf32, #tpu.memory_space<vmem>>, %arg5: memref<16x3xf32, #tpu.memory_space<vmem>>, %arg6: memref<16x3xf32, #tpu.memory_space<vmem>>, %arg7: memref<16x1xf32, #tpu.memory_space<vmem>>, %arg8: memref<16x1xf32, #tpu.memory_space<vmem>>, %arg9: memref<1x20x16x1024xf32, #tpu.memory_space<vmem>>, %arg10: memref<16x128xf32, #tpu.memory_space<vmem>>, %arg11: memref<16x128xf32, #tpu.memory_space<vmem>>, %arg12: memref<1024x1024xf32, #tpu.memory_space<vmem>>) attributes {dimension_semantics = [#tpu.dimension_semantics<arbitrary>], iteration_bounds = array<i64: 32>, scalar_prefetch = 0 : i64, scratch_operands = 1 : i64, tpu.core_type = #tpu.core_type<tc>, window_params = [{transform_indices = @transform_0, window_bounds = array<i64: 1, 3, 1024>}, {transform_indices = @transform_1, window_bounds = array<i64: 1, 3, 1024>}, {pipeline_mode = #tpu.pipeline_mode<synchronous>, transform_indices = @transform_2, window_bounds = array<i64: 16, 3>}, {pipeline_mode = #tpu.pipeline_mode<synchronous>, transform_indices = @transform_3, window_bounds = array<i64: 16, 3>}, {pipeline_mode = #tpu.pipeline_mode<synchronous>, transform_indices = @transform_4, window_bounds = array<i64: 16, 3>}, {pipeline_mode = #tpu.pipeline_mode<synchronous>, transform_indices = @transform_5, window_bounds = array<i64: 16, 3>}, {pipeline_mode = #tpu.pipeline_mode<synchronous>, transform_indices = @transform_6, window_bounds = array<i64: 16, 1>}, {pipeline_mode = #tpu.pipeline_mode<synchronous>, transform_indices = @transform_7, window_bounds = array<i64: 16, 1>}, {transform_indices = @transform_8, window_bounds = array<i64: 1, 20, 16, 1024>}, {pipeline_mode = #tpu.pipeline_mode<synchronous>, transform_indices = @transform_9, window_bounds = array<i64: 16, 128>}, {pipeline_mode = #tpu.pipeline_mode<synchronous>, transform_indices = @transform_10, window_bounds = array<i64: 16, 128>}]} {
    %get3A = arith.constant 0 : index
    %get3A_0 = arith.constant 0 : index
    %get3A_1 = arith.constant 0 : index
    %get3A_2 = vector.load %arg1[%get3A, %get3A_0, %get3A_1] : memref<1x3x1024xf32, #tpu.memory_space<vmem>>, vector<1x3x1024xf32>
    %get3A_3 = vector.shape_cast %get3A_2 : vector<1x3x1024xf32> to vector<3x1024xf32>
    %get3A_4 = arith.constant 0 : index
    %get3A_5 = arith.constant 0 : index
    %get3A_6 = arith.constant 0 : index
    %get3A_7 = vector.load %arg2[%get3A_4, %get3A_5, %get3A_6] : memref<1x3x1024xf32, #tpu.memory_space<vmem>>, vector<1x3x1024xf32>
    %get3A_8 = vector.shape_cast %get3A_7 : vector<1x3x1024xf32> to vector<3x1024xf32>
    %dot_general3A = arith.constant dense<0.000000e+00> : vector<1024x1024xf32>
    %dot_general3A_9 = tpu.matmul %get3A_3, %get3A_3, %dot_general3A {dimension_numbers = #tpu.dot_dimension_numbers<[0], [0], [1], [1], [0, 1, 1, 1], [], []>, precision = #tpu.contract_precision<fp32>, transpose_lhs_hint = false} : vector<3x1024xf32>, vector<3x1024xf32>, vector<1024x1024xf32> -> vector<1024x1024xf32>
    %mul3A = arith.mulf %get3A_3, %get3A_3 : vector<3x1024xf32>
    %broadcast_in_dim3A = arith.constant 1.000000e+00 : f32
    %broadcast_in_dim3A_10 = vector.broadcast %broadcast_in_dim3A : f32 to vector<3x8xf32>
    %dot_general3A_11 = arith.constant dense<0.000000e+00> : vector<1024x8xf32>
    %dot_general3A_12 = tpu.matmul %mul3A, %broadcast_in_dim3A_10, %dot_general3A_11 {dimension_numbers = #tpu.dot_dimension_numbers<[0], [0], [1], [1], [0, 1, 1, 1], [], []>, precision = #tpu.contract_precision<fp32>, transpose_lhs_hint = false} : vector<3x1024xf32>, vector<3x8xf32>, vector<1024x8xf32> -> vector<1024x8xf32>
    %mul3A_13 = arith.constant 2.000000e+00 : f32
    %mul3A_14 = vector.broadcast %mul3A_13 : f32 to vector<1024x1024xf32>
    %mul3A_15 = arith.mulf %mul3A_14, %dot_general3A_9 : vector<1024x1024xf32>
    %slice3A = vector.extract_strided_slice %dot_general3A_12 {offsets = [0, 0], sizes = [1024, 1], strides = [1, 1]} : vector<1024x8xf32> to vector<1024x1xf32>
    %sub3A = vector.broadcast %slice3A : vector<1024x1xf32> to vector<1024x1024xf32>
    %sub3A_16 = arith.subf %mul3A_15, %sub3A : vector<1024x1024xf32>
    %swap3A = arith.constant 0 : index
    %swap3A_17 = arith.constant 0 : index
    %swap3A_18 = vector.load %arg12[%swap3A, %swap3A_17] : memref<1024x1024xf32, #tpu.memory_space<vmem>>, vector<1024x1024xf32>
    tpu.vector_store %arg12[%swap3A, %swap3A_17], %sub3A_16 {strides = array<i32>} : memref<1024x1024xf32, #tpu.memory_space<vmem>>, vector<1024x1024xf32>,
    %get3A_19 = arith.constant 0 : index
    %get3A_20 = arith.constant 0 : index
    %get3A_21 = vector.load %arg3[%get3A_19, %get3A_20] : memref<16x3xf32, #tpu.memory_space<vmem>>, vector<16x3xf32>
    %dot_general3A_22 = arith.constant dense<0.000000e+00> : vector<16x1024xf32>
    %dot_general3A_23 = tpu.matmul %get3A_21, %get3A_3, %dot_general3A_22 {dimension_numbers = #tpu.dot_dimension_numbers<[1], [0], [0], [1], [0, 0, 1, 1], [], []>, precision = #tpu.contract_precision<fp32>, transpose_lhs_hint = false} : vector<16x3xf32>, vector<3x1024xf32>, vector<16x1024xf32> -> vector<16x1024xf32>
    %get3A_24 = arith.constant 0 : index
    %get3A_25 = arith.constant 0 : index
    %get3A_26 = vector.load %arg6[%get3A_24, %get3A_25] : memref<16x3xf32, #tpu.memory_space<vmem>>, vector<16x3xf32>
    %dot_general3A_27 = arith.constant dense<0.000000e+00> : vector<16x1024xf32>
    %dot_general3A_28 = tpu.matmul %get3A_26, %get3A_8, %dot_general3A_27 {dimension_numbers = #tpu.dot_dimension_numbers<[1], [0], [0], [1], [0, 0, 1, 1], [], []>, precision = #tpu.contract_precision<fp32>, transpose_lhs_hint = false} : vector<16x3xf32>, vector<3x1024xf32>, vector<16x1024xf32> -> vector<16x1024xf32>
    %add3A = arith.addf %dot_general3A_23, %dot_general3A_28 : vector<16x1024xf32>
    %get3A_29 = arith.constant 0 : index
    %get3A_30 = arith.constant 0 : index
    %get3A_31 = vector.load %arg4[%get3A_29, %get3A_30] : memref<16x3xf32, #tpu.memory_space<vmem>>, vector<16x3xf32>
    %dot_general3A_32 = arith.constant dense<0.000000e+00> : vector<16x1024xf32>
    %dot_general3A_33 = tpu.matmul %get3A_31, %get3A_3, %dot_general3A_32 {dimension_numbers = #tpu.dot_dimension_numbers<[1], [0], [0], [1], [0, 0, 1, 1], [], []>, precision = #tpu.contract_precision<fp32>, transpose_lhs_hint = false} : vector<16x3xf32>, vector<3x1024xf32>, vector<16x1024xf32> -> vector<16x1024xf32>
    %get3A_34 = arith.constant 0 : index
    %get3A_35 = arith.constant 0 : index
    %get3A_36 = vector.load %arg5[%get3A_34, %get3A_35] : memref<16x3xf32, #tpu.memory_space<vmem>>, vector<16x3xf32>
    %dot_general3A_37 = arith.constant dense<0.000000e+00> : vector<16x1024xf32>
    %dot_general3A_38 = tpu.matmul %get3A_36, %get3A_8, %dot_general3A_37 {dimension_numbers = #tpu.dot_dimension_numbers<[1], [0], [0], [1], [0, 0, 1, 1], [], []>, precision = #tpu.contract_precision<fp32>, transpose_lhs_hint = false} : vector<16x3xf32>, vector<3x1024xf32>, vector<16x1024xf32> -> vector<16x1024xf32>
    %add3A_39 = arith.addf %dot_general3A_33, %dot_general3A_38 : vector<16x1024xf32>
    %get3A_40 = arith.constant 0 : index
    %get3A_41 = arith.constant 0 : index
    %get3A_42 = vector.load %arg7[%get3A_40, %get3A_41] : memref<16x1xf32, #tpu.memory_space<vmem>>, vector<16x1xf32>
    %get3A_43 = arith.constant 0 : index
    %get3A_44 = arith.constant 0 : index
    %get3A_45 = vector.load %arg8[%get3A_43, %get3A_44] : memref<16x1xf32, #tpu.memory_space<vmem>>, vector<16x1xf32>
    %concatenate3A = tpu.concatenate %add3A, %get3A_3, %get3A_8 in 0 : vector<16x1024xf32>, vector<3x1024xf32>, vector<3x1024xf32> -> vector<22x1024xf32>
    %iota3A = tpu.iota {dimensions = array<i32: 0>} : vector<1024x1024xi32>
    %get3A_46 = arith.constant 0 : index
    %get3A_47 = arith.constant 0 : index
    %get3A_48 = vector.load %arg12[%get3A_46, %get3A_47] : memref<1024x1024xf32, #tpu.memory_space<vmem>>, vector<1024x1024xf32>
    %reduce_max3A = arith.constant dense<0xFF800000> : vector<1024xf32>
    %reduce_max3A_49 = vector.multi_reduction <maximumf>, %get3A_48, %reduce_max3A [0] : vector<1024x1024xf32> to vector<1024xf32>
    %broadcast_in_dim3A_50 = vector.shape_cast %reduce_max3A_49 : vector<1024xf32> to vector<1x1024xf32>
    %broadcast_in_dim3A_51 = arith.constant 0.000000e+00 : f32
    %broadcast_in_dim3A_52 = vector.broadcast %broadcast_in_dim3A_51 : f32 to vector<16x1024xf32>
    %scan3A = arith.constant 0 : i32
    %scan3A_53 = arith.constant 20 : i32
    %scan3A_54 = arith.addi %scan3A, %scan3A_53 : i32
    %scan3A_55 = arith.constant 2 : i32
    %scan3A_56:3 = scf.for %scan3A_78 = %scan3A to %scan3A_54 step %scan3A_55 iter_args(%scan3A_79 = %broadcast_in_dim3A_52, %scan3A_80 = %broadcast_in_dim3A_52, %scan3A_81 = %broadcast_in_dim3A_50) -> (vector<16x1024xf32>, vector<16x1024xf32>, vector<1x1024xf32>)  : i32 {
      %get3A_82 = arith.constant 0 : index
      %get3A_83 = arith.constant 0 : index
      %get3A_84 = vector.load %arg12[%get3A_82, %get3A_83] : memref<1024x1024xf32, #tpu.memory_space<vmem>>, vector<1024x1024xf32>
      %eq3A_85 = vector.broadcast %scan3A_81 : vector<1x1024xf32> to vector<1024x1024xf32>
      %eq3A_86 = arith.cmpf oeq, %get3A_84, %eq3A_85 : vector<1024x1024xf32>
      %jit3A = arith.constant 1024 : i32
      %broadcast_in_dim3A_87 = vector.broadcast %jit3A : i32 to vector<1024x1024xi32>
      %select_n3A = arith.select %eq3A_86, %iota3A, %broadcast_in_dim3A_87 : vector<1024x1024xi1>, vector<1024x1024xi32>
      %reduce_min3A = arith.constant dense<2147483647> : vector<1024xi32>
      %reduce_min3A_88 = vector.multi_reduction <minsi>, %select_n3A, %reduce_min3A [0] : vector<1024x1024xi32> to vector<1024xi32>
      %broadcast_in_dim3A_89 = vector.shape_cast %reduce_min3A_88 : vector<1024xi32> to vector<1x1024xi32>
      %lt3A = vector.broadcast %scan3A_81 : vector<1x1024xf32> to vector<1024x1024xf32>
      %lt3A_90 = arith.cmpf olt, %get3A_84, %lt3A : vector<1024x1024xf32>
      %jit3A_91 = arith.constant 0xFF800000 : f32
      %broadcast_in_dim3A_92 = vector.broadcast %jit3A_91 : f32 to vector<1024x1024xf32>
      %select_n3A_93 = arith.select %lt3A_90, %get3A_84, %broadcast_in_dim3A_92 : vector<1024x1024xi1>, vector<1024x1024xf32>
      %reduce_max3A_94 = arith.constant dense<0xFF800000> : vector<1024xf32>
      %reduce_max3A_95 = vector.multi_reduction <maximumf>, %select_n3A_93, %reduce_max3A_94 [0] : vector<1024x1024xf32> to vector<1024xf32>
      %broadcast_in_dim3A_96 = vector.shape_cast %reduce_max3A_95 : vector<1024xf32> to vector<1x1024xf32>
      %broadcast_in_dim3A_97 = vector.shape_cast %broadcast_in_dim3A_89 : vector<1x1024xi32> to vector<1x1024xi32>
      %broadcast_in_dim3A_98 = vector.broadcast %broadcast_in_dim3A_97 : vector<1x1024xi32> to vector<22x1024xi32>
      %and3A = arith.constant 127 : i32
      %and3A_99 = vector.broadcast %and3A : i32 to vector<22x1024xi32>
      %and3A_100 = arith.andi %broadcast_in_dim3A_98, %and3A_99 : vector<22x1024xi32>
      %shift_right_arithmetic3A = arith.constant 7 : i32
      %shift_right_arithmetic3A_101 = vector.broadcast %shift_right_arithmetic3A : i32 to vector<22x1024xi32>
      %shift_right_arithmetic3A_102 = arith.shrsi %broadcast_in_dim3A_98, %shift_right_arithmetic3A_101 : vector<22x1024xi32>
      %broadcast_in_dim3A_103 = arith.constant 0.000000e+00 : f32
      %broadcast_in_dim3A_104 = vector.broadcast %broadcast_in_dim3A_103 : f32 to vector<22x1024xf32>
      %slice3A_105 = vector.extract_strided_slice %concatenate3A {offsets = [0, 0], sizes = [22, 128], strides = [1, 1]} : vector<22x1024xf32> to vector<22x128xf32>
      %lt3A_106 = arith.constant 0 : i32
      %lt3A_107 = vector.broadcast %lt3A_106 : i32 to vector<22x1024xi32>
      %lt3A_108 = arith.cmpi slt, %and3A_100, %lt3A_107 : vector<22x1024xi32>
      %add3A_109 = arith.constant 128 : i32
      %add3A_110 = vector.broadcast %add3A_109 : i32 to vector<22x1024xi32>
      %add3A_111 = arith.addi %and3A_100, %add3A_110 : vector<22x1024xi32>
      %select_n3A_112 = arith.select %lt3A_108, %add3A_111, %and3A_100 : vector<22x1024xi1>, vector<22x1024xi32>
      %reshape3A_113 = vector.shape_cast %select_n3A_112 : vector<22x1024xi32> to vector<22x1024x1xi32>
      %gather3A = vector.shape_cast %reshape3A_113 : vector<22x1024x1xi32> to vector<22x1024xi32>
      %gather3A_114 = tpu.dynamic_gather %slice3A_105[%gather3A] in [1] : vector<22x128xf32>, vector<22x1024xi32> -> vector<22x1024xf32>
      %eq3A_115 = arith.constant 0 : i32
      %eq3A_116 = vector.broadcast %eq3A_115 : i32 to vector<22x1024xi32>
      %eq3A_117 = arith.cmpi eq, %shift_right_arithmetic3A_102, %eq3A_116 : vector<22x1024xi32>
      %select_n3A_118 = arith.select %eq3A_117, %gather3A_114, %broadcast_in_dim3A_104 : vector<22x1024xi1>, vector<22x1024xf32>
      %slice3A_119 = vector.extract_strided_slice %concatenate3A {offsets = [0, 128], sizes = [22, 128], strides = [1, 1]} : vector<22x1024xf32> to vector<22x128xf32>
      %lt3A_120 = arith.constant 0 : i32
      %lt3A_121 = vector.broadcast %lt3A_120 : i32 to vector<22x1024xi32>
      %lt3A_122 = arith.cmpi slt, %and3A_100, %lt3A_121 : vector<22x1024xi32>
      %add3A_123 = arith.constant 128 : i32
      %add3A_124 = vector.broadcast %add3A_123 : i32 to vector<22x1024xi32>
      %add3A_125 = arith.addi %and3A_100, %add3A_124 : vector<22x1024xi32>
      %select_n3A_126 = arith.select %lt3A_122, %add3A_125, %and3A_100 : vector<22x1024xi1>, vector<22x1024xi32>
      %reshape3A_127 = vector.shape_cast %select_n3A_126 : vector<22x1024xi32> to vector<22x1024x1xi32>
      %gather3A_128 = vector.shape_cast %reshape3A_127 : vector<22x1024x1xi32> to vector<22x1024xi32>
      %gather3A_129 = tpu.dynamic_gather %slice3A_119[%gather3A_128] in [1] : vector<22x128xf32>, vector<22x1024xi32> -> vector<22x1024xf32>
      %eq3A_130 = arith.constant 1 : i32
      %eq3A_131 = vector.broadcast %eq3A_130 : i32 to vector<22x1024xi32>
      %eq3A_132 = arith.cmpi eq, %shift_right_arithmetic3A_102, %eq3A_131 : vector<22x1024xi32>
      %select_n3A_133 = arith.select %eq3A_132, %gather3A_129, %select_n3A_118 : vector<22x1024xi1>, vector<22x1024xf32>
      %slice3A_134 = vector.extract_strided_slice %concatenate3A {offsets = [0, 256], sizes = [22, 128], strides = [1, 1]} : vector<22x1024xf32> to vector<22x128xf32>
      %lt3A_135 = arith.constant 0 : i32
      %lt3A_136 = vector.broadcast %lt3A_135 : i32 to vector<22x1024xi32>
      %lt3A_137 = arith.cmpi slt, %and3A_100, %lt3A_136 : vector<22x1024xi32>
      %add3A_138 = arith.constant 128 : i32
      %add3A_139 = vector.broadcast %add3A_138 : i32 to vector<22x1024xi32>
      %add3A_140 = arith.addi %and3A_100, %add3A_139 : vector<22x1024xi32>
      %select_n3A_141 = arith.select %lt3A_137, %add3A_140, %and3A_100 : vector<22x1024xi1>, vector<22x1024xi32>
      %reshape3A_142 = vector.shape_cast %select_n3A_141 : vector<22x1024xi32> to vector<22x1024x1xi32>
      %gather3A_143 = vector.shape_cast %reshape3A_142 : vector<22x1024x1xi32> to vector<22x1024xi32>
      %gather3A_144 = tpu.dynamic_gather %slice3A_134[%gather3A_143] in [1] : vector<22x128xf32>, vector<22x1024xi32> -> vector<22x1024xf32>
      %eq3A_145 = arith.constant 2 : i32
      %eq3A_146 = vector.broadcast %eq3A_145 : i32 to vector<22x1024xi32>
      %eq3A_147 = arith.cmpi eq, %shift_right_arithmetic3A_102, %eq3A_146 : vector<22x1024xi32>
      %select_n3A_148 = arith.select %eq3A_147, %gather3A_144, %select_n3A_133 : vector<22x1024xi1>, vector<22x1024xf32>
      %slice3A_149 = vector.extract_strided_slice %concatenate3A {offsets = [0, 384], sizes = [22, 128], strides = [1, 1]} : vector<22x1024xf32> to vector<22x128xf32>
      %lt3A_150 = arith.constant 0 : i32
      %lt3A_151 = vector.broadcast %lt3A_150 : i32 to vector<22x1024xi32>
      %lt3A_152 = arith.cmpi slt, %and3A_100, %lt3A_151 : vector<22x1024xi32>
      %add3A_153 = arith.constant 128 : i32
      %add3A_154 = vector.broadcast %add3A_153 : i32 to vector<22x1024xi32>
      %add3A_155 = arith.addi %and3A_100, %add3A_154 : vector<22x1024xi32>
      %select_n3A_156 = arith.select %lt3A_152, %add3A_155, %and3A_100 : vector<22x1024xi1>, vector<22x1024xi32>
      %reshape3A_157 = vector.shape_cast %select_n3A_156 : vector<22x1024xi32> to vector<22x1024x1xi32>
      %gather3A_158 = vector.shape_cast %reshape3A_157 : vector<22x1024x1xi32> to vector<22x1024xi32>
      %gather3A_159 = tpu.dynamic_gather %slice3A_149[%gather3A_158] in [1] : vector<22x128xf32>, vector<22x1024xi32> -> vector<22x1024xf32>
      %eq3A_160 = arith.constant 3 : i32
      %eq3A_161 = vector.broadcast %eq3A_160 : i32 to vector<22x1024xi32>
      %eq3A_162 = arith.cmpi eq, %shift_right_arithmetic3A_102, %eq3A_161 : vector<22x1024xi32>
      %select_n3A_163 = arith.select %eq3A_162, %gather3A_159, %select_n3A_148 : vector<22x1024xi1>, vector<22x1024xf32>
      %slice3A_164 = vector.extract_strided_slice %concatenate3A {offsets = [0, 512], sizes = [22, 128], strides = [1, 1]} : vector<22x1024xf32> to vector<22x128xf32>
      %lt3A_165 = arith.constant 0 : i32
      %lt3A_166 = vector.broadcast %lt3A_165 : i32 to vector<22x1024xi32>
      %lt3A_167 = arith.cmpi slt, %and3A_100, %lt3A_166 : vector<22x1024xi32>
      %add3A_168 = arith.constant 128 : i32
      %add3A_169 = vector.broadcast %add3A_168 : i32 to vector<22x1024xi32>
      %add3A_170 = arith.addi %and3A_100, %add3A_169 : vector<22x1024xi32>
      %select_n3A_171 = arith.select %lt3A_167, %add3A_170, %and3A_100 : vector<22x1024xi1>, vector<22x1024xi32>
      %reshape3A_172 = vector.shape_cast %select_n3A_171 : vector<22x1024xi32> to vector<22x1024x1xi32>
      %gather3A_173 = vector.shape_cast %reshape3A_172 : vector<22x1024x1xi32> to vector<22x1024xi32>
      %gather3A_174 = tpu.dynamic_gather %slice3A_164[%gather3A_173] in [1] : vector<22x128xf32>, vector<22x1024xi32> -> vector<22x1024xf32>
      %eq3A_175 = arith.constant 4 : i32
      %eq3A_176 = vector.broadcast %eq3A_175 : i32 to vector<22x1024xi32>
      %eq3A_177 = arith.cmpi eq, %shift_right_arithmetic3A_102, %eq3A_176 : vector<22x1024xi32>
      %select_n3A_178 = arith.select %eq3A_177, %gather3A_174, %select_n3A_163 : vector<22x1024xi1>, vector<22x1024xf32>
      %slice3A_179 = vector.extract_strided_slice %concatenate3A {offsets = [0, 640], sizes = [22, 128], strides = [1, 1]} : vector<22x1024xf32> to vector<22x128xf32>
      %lt3A_180 = arith.constant 0 : i32
      %lt3A_181 = vector.broadcast %lt3A_180 : i32 to vector<22x1024xi32>
      %lt3A_182 = arith.cmpi slt, %and3A_100, %lt3A_181 : vector<22x1024xi32>
      %add3A_183 = arith.constant 128 : i32
      %add3A_184 = vector.broadcast %add3A_183 : i32 to vector<22x1024xi32>
      %add3A_185 = arith.addi %and3A_100, %add3A_184 : vector<22x1024xi32>
      %select_n3A_186 = arith.select %lt3A_182, %add3A_185, %and3A_100 : vector<22x1024xi1>, vector<22x1024xi32>
      %reshape3A_187 = vector.shape_cast %select_n3A_186 : vector<22x1024xi32> to vector<22x1024x1xi32>
      %gather3A_188 = vector.shape_cast %reshape3A_187 : vector<22x1024x1xi32> to vector<22x1024xi32>
      %gather3A_189 = tpu.dynamic_gather %slice3A_179[%gather3A_188] in [1] : vector<22x128xf32>, vector<22x1024xi32> -> vector<22x1024xf32>
      %eq3A_190 = arith.constant 5 : i32
      %eq3A_191 = vector.broadcast %eq3A_190 : i32 to vector<22x1024xi32>
      %eq3A_192 = arith.cmpi eq, %shift_right_arithmetic3A_102, %eq3A_191 : vector<22x1024xi32>
      %select_n3A_193 = arith.select %eq3A_192, %gather3A_189, %select_n3A_178 : vector<22x1024xi1>, vector<22x1024xf32>
      %slice3A_194 = vector.extract_strided_slice %concatenate3A {offsets = [0, 768], sizes = [22, 128], strides = [1, 1]} : vector<22x1024xf32> to vector<22x128xf32>
      %lt3A_195 = arith.constant 0 : i32
      %lt3A_196 = vector.broadcast %lt3A_195 : i32 to vector<22x1024xi32>
      %lt3A_197 = arith.cmpi slt, %and3A_100, %lt3A_196 : vector<22x1024xi32>
      %add3A_198 = arith.constant 128 : i32
      %add3A_199 = vector.broadcast %add3A_198 : i32 to vector<22x1024xi32>
      %add3A_200 = arith.addi %and3A_100, %add3A_199 : vector<22x1024xi32>
      %select_n3A_201 = arith.select %lt3A_197, %add3A_200, %and3A_100 : vector<22x1024xi1>, vector<22x1024xi32>
      %reshape3A_202 = vector.shape_cast %select_n3A_201 : vector<22x1024xi32> to vector<22x1024x1xi32>
      %gather3A_203 = vector.shape_cast %reshape3A_202 : vector<22x1024x1xi32> to vector<22x1024xi32>
      %gather3A_204 = tpu.dynamic_gather %slice3A_194[%gather3A_203] in [1] : vector<22x128xf32>, vector<22x1024xi32> -> vector<22x1024xf32>
      %eq3A_205 = arith.constant 6 : i32
      %eq3A_206 = vector.broadcast %eq3A_205 : i32 to vector<22x1024xi32>
      %eq3A_207 = arith.cmpi eq, %shift_right_arithmetic3A_102, %eq3A_206 : vector<22x1024xi32>
      %select_n3A_208 = arith.select %eq3A_207, %gather3A_204, %select_n3A_193 : vector<22x1024xi1>, vector<22x1024xf32>
      %slice3A_209 = vector.extract_strided_slice %concatenate3A {offsets = [0, 896], sizes = [22, 128], strides = [1, 1]} : vector<22x1024xf32> to vector<22x128xf32>
      %lt3A_210 = arith.constant 0 : i32
      %lt3A_211 = vector.broadcast %lt3A_210 : i32 to vector<22x1024xi32>
      %lt3A_212 = arith.cmpi slt, %and3A_100, %lt3A_211 : vector<22x1024xi32>
      %add3A_213 = arith.constant 128 : i32
      %add3A_214 = vector.broadcast %add3A_213 : i32 to vector<22x1024xi32>
      %add3A_215 = arith.addi %and3A_100, %add3A_214 : vector<22x1024xi32>
      %select_n3A_216 = arith.select %lt3A_212, %add3A_215, %and3A_100 : vector<22x1024xi1>, vector<22x1024xi32>
      %reshape3A_217 = vector.shape_cast %select_n3A_216 : vector<22x1024xi32> to vector<22x1024x1xi32>
      %gather3A_218 = vector.shape_cast %reshape3A_217 : vector<22x1024x1xi32> to vector<22x1024xi32>
      %gather3A_219 = tpu.dynamic_gather %slice3A_209[%gather3A_218] in [1] : vector<22x128xf32>, vector<22x1024xi32> -> vector<22x1024xf32>
      %eq3A_220 = arith.constant 7 : i32
      %eq3A_221 = vector.broadcast %eq3A_220 : i32 to vector<22x1024xi32>
      %eq3A_222 = arith.cmpi eq, %shift_right_arithmetic3A_102, %eq3A_221 : vector<22x1024xi32>
      %select_n3A_223 = arith.select %eq3A_222, %gather3A_219, %select_n3A_208 : vector<22x1024xi1>, vector<22x1024xf32>
      %slice3A_224 = vector.extract_strided_slice %select_n3A_223 {offsets = [0, 0], sizes = [16, 1024], strides = [1, 1]} : vector<22x1024xf32> to vector<16x1024xf32>
      %slice3A_225 = vector.extract_strided_slice %select_n3A_223 {offsets = [16, 0], sizes = [3, 1024], strides = [1, 1]} : vector<22x1024xf32> to vector<3x1024xf32>
      %slice3A_226 = vector.extract_strided_slice %select_n3A_223 {offsets = [19, 0], sizes = [3, 1024], strides = [1, 1]} : vector<22x1024xf32> to vector<3x1024xf32>
      %sub3A_227 = arith.subf %slice3A_225, %get3A_3 : vector<3x1024xf32>
      %mul3A_228 = arith.mulf %sub3A_227, %sub3A_227 : vector<3x1024xf32>
      %reduce_sum3A_229 = arith.constant dense<0.000000e+00> : vector<1024xf32>
      %reduce_sum3A_230 = vector.multi_reduction <add>, %mul3A_228, %reduce_sum3A_229 [0] : vector<3x1024xf32> to vector<1024xf32>
      %broadcast_in_dim3A_231 = vector.shape_cast %reduce_sum3A_230 : vector<1024xf32> to vector<1x1024xf32>
      %add3A_232 = arith.constant 9.99999996E-13 : f32
      %add3A_233 = vector.broadcast %add3A_232 : f32 to vector<1x1024xf32>
      %add3A_234 = arith.addf %broadcast_in_dim3A_231, %add3A_233 : vector<1x1024xf32>
      %sqrt3A = math.sqrt %add3A_234 : vector<1x1024xf32>
      %mul3A_235 = arith.mulf %get3A_8, %slice3A_226 : vector<3x1024xf32>
      %reduce_sum3A_236 = arith.constant dense<0.000000e+00> : vector<1024xf32>
      %reduce_sum3A_237 = vector.multi_reduction <add>, %mul3A_235, %reduce_sum3A_236 [0] : vector<3x1024xf32> to vector<1024xf32>
      %broadcast_in_dim3A_238 = vector.shape_cast %reduce_sum3A_237 : vector<1024xf32> to vector<1x1024xf32>
      %add3A_239 = arith.addf %slice3A_224, %add3A_39 : vector<16x1024xf32>
      %mul3A_240 = vector.broadcast %get3A_42 : vector<16x1xf32> to vector<16x1024xf32>
      %mul3A_241 = vector.broadcast %sqrt3A : vector<1x1024xf32> to vector<16x1024xf32>
      %mul3A_242 = arith.mulf %mul3A_240, %mul3A_241 : vector<16x1024xf32>
      %add3A_243 = arith.addf %add3A_239, %mul3A_242 : vector<16x1024xf32>
      %mul3A_244 = vector.broadcast %get3A_45 : vector<16x1xf32> to vector<16x1024xf32>
      %mul3A_245 = vector.broadcast %broadcast_in_dim3A_238 : vector<1x1024xf32> to vector<16x1024xf32>
      %mul3A_246 = arith.mulf %mul3A_244, %mul3A_245 : vector<16x1024xf32>
      %add3A_247 = arith.addf %add3A_243, %mul3A_246 : vector<16x1024xf32>
      %swap3A_248 = arith.constant 0 : index
      %swap3A_249 = arith.index_cast %scan3A_78 : i32 to index
      %swap3A_250 = arith.constant 0 : index
      %swap3A_251 = arith.constant 0 : index
      %swap3A_252 = vector.load %arg9[%swap3A_248, %swap3A_249, %swap3A_250, %swap3A_251] : memref<1x20x16x1024xf32, #tpu.memory_space<vmem>>, vector<1x1x16x1024xf32>
      %swap3A_253 = vector.shape_cast %swap3A_252 : vector<1x1x16x1024xf32> to vector<16x1024xf32>
      %swap3A_254 = vector.shape_cast %add3A_247 : vector<16x1024xf32> to vector<1x1x16x1024xf32>
      tpu.vector_store %arg9[%swap3A_248, %swap3A_249, %swap3A_250, %swap3A_251], %swap3A_254 {strides = array<i32>} : memref<1x20x16x1024xf32, #tpu.memory_space<vmem>>, vector<1x1x16x1024xf32>,
      %add3A_255 = arith.addf %scan3A_79, %add3A_247 : vector<16x1024xf32>
      %mul3A_256 = arith.mulf %add3A_247, %add3A_247 : vector<16x1024xf32>
      %add3A_257 = arith.addf %scan3A_80, %mul3A_256 : vector<16x1024xf32>
      %scan3A_258 = arith.constant 1 : i32
      %scan3A_259 = arith.addi %scan3A_78, %scan3A_258 : i32
      %get3A_260 = arith.constant 0 : index
      %get3A_261 = arith.constant 0 : index
      %get3A_262 = vector.load %arg12[%get3A_260, %get3A_261] : memref<1024x1024xf32, #tpu.memory_space<vmem>>, vector<1024x1024xf32>
      %eq3A_263 = vector.broadcast %broadcast_in_dim3A_96 : vector<1x1024xf32> to vector<1024x1024xf32>
      %eq3A_264 = arith.cmpf oeq, %get3A_262, %eq3A_263 : vector<1024x1024xf32>
      %jit3A_265 = arith.constant 1024 : i32
      %broadcast_in_dim3A_266 = vector.broadcast %jit3A_265 : i32 to vector<1024x1024xi32>
      %select_n3A_267 = arith.select %eq3A_264, %iota3A, %broadcast_in_dim3A_266 : vector<1024x1024xi1>, vector<1024x1024xi32>
      %reduce_min3A_268 = arith.constant dense<2147483647> : vector<1024xi32>
      %reduce_min3A_269 = vector.multi_reduction <minsi>, %select_n3A_267, %reduce_min3A_268 [0] : vector<1024x1024xi32> to vector<1024xi32>
      %broadcast_in_dim3A_270 = vector.shape_cast %reduce_min3A_269 : vector<1024xi32> to vector<1x1024xi32>
      %lt3A_271 = vector.broadcast %broadcast_in_dim3A_96 : vector<1x1024xf32> to vector<1024x1024xf32>
      %lt3A_272 = arith.cmpf olt, %get3A_262, %lt3A_271 : vector<1024x1024xf32>
      %jit3A_273 = arith.constant 0xFF800000 : f32
      %broadcast_in_dim3A_274 = vector.broadcast %jit3A_273 : f32 to vector<1024x1024xf32>
      %select_n3A_275 = arith.select %lt3A_272, %get3A_262, %broadcast_in_dim3A_274 : vector<1024x1024xi1>, vector<1024x1024xf32>
      %reduce_max3A_276 = arith.constant dense<0xFF800000> : vector<1024xf32>
      %reduce_max3A_277 = vector.multi_reduction <maximumf>, %select_n3A_275, %reduce_max3A_276 [0] : vector<1024x1024xf32> to vector<1024xf32>
      %broadcast_in_dim3A_278 = vector.shape_cast %reduce_max3A_277 : vector<1024xf32> to vector<1x1024xf32>
      %broadcast_in_dim3A_279 = vector.shape_cast %broadcast_in_dim3A_270 : vector<1x1024xi32> to vector<1x1024xi32>
      %broadcast_in_dim3A_280 = vector.broadcast %broadcast_in_dim3A_279 : vector<1x1024xi32> to vector<22x1024xi32>
      %and3A_281 = arith.constant 127 : i32
      %and3A_282 = vector.broadcast %and3A_281 : i32 to vector<22x1024xi32>
      %and3A_283 = arith.andi %broadcast_in_dim3A_280, %and3A_282 : vector<22x1024xi32>
      %shift_right_arithmetic3A_284 = arith.constant 7 : i32
      %shift_right_arithmetic3A_285 = vector.broadcast %shift_right_arithmetic3A_284 : i32 to vector<22x1024xi32>
      %shift_right_arithmetic3A_286 = arith.shrsi %broadcast_in_dim3A_280, %shift_right_arithmetic3A_285 : vector<22x1024xi32>
      %broadcast_in_dim3A_287 = arith.constant 0.000000e+00 : f32
      %broadcast_in_dim3A_288 = vector.broadcast %broadcast_in_dim3A_287 : f32 to vector<22x1024xf32>
      %slice3A_289 = vector.extract_strided_slice %concatenate3A {offsets = [0, 0], sizes = [22, 128], strides = [1, 1]} : vector<22x1024xf32> to vector<22x128xf32>
      %lt3A_290 = arith.constant 0 : i32
      %lt3A_291 = vector.broadcast %lt3A_290 : i32 to vector<22x1024xi32>
      %lt3A_292 = arith.cmpi slt, %and3A_283, %lt3A_291 : vector<22x1024xi32>
      %add3A_293 = arith.constant 128 : i32
      %add3A_294 = vector.broadcast %add3A_293 : i32 to vector<22x1024xi32>
      %add3A_295 = arith.addi %and3A_283, %add3A_294 : vector<22x1024xi32>
      %select_n3A_296 = arith.select %lt3A_292, %add3A_295, %and3A_283 : vector<22x1024xi1>, vector<22x1024xi32>
      %reshape3A_297 = vector.shape_cast %select_n3A_296 : vector<22x1024xi32> to vector<22x1024x1xi32>
      %gather3A_298 = vector.shape_cast %reshape3A_297 : vector<22x1024x1xi32> to vector<22x1024xi32>
      %gather3A_299 = tpu.dynamic_gather %slice3A_289[%gather3A_298] in [1] : vector<22x128xf32>, vector<22x1024xi32> -> vector<22x1024xf32>
      %eq3A_300 = arith.constant 0 : i32
      %eq3A_301 = vector.broadcast %eq3A_300 : i32 to vector<22x1024xi32>
      %eq3A_302 = arith.cmpi eq, %shift_right_arithmetic3A_286, %eq3A_301 : vector<22x1024xi32>
      %select_n3A_303 = arith.select %eq3A_302, %gather3A_299, %broadcast_in_dim3A_288 : vector<22x1024xi1>, vector<22x1024xf32>
      %slice3A_304 = vector.extract_strided_slice %concatenate3A {offsets = [0, 128], sizes = [22, 128], strides = [1, 1]} : vector<22x1024xf32> to vector<22x128xf32>
      %lt3A_305 = arith.constant 0 : i32
      %lt3A_306 = vector.broadcast %lt3A_305 : i32 to vector<22x1024xi32>
      %lt3A_307 = arith.cmpi slt, %and3A_283, %lt3A_306 : vector<22x1024xi32>
      %add3A_308 = arith.constant 128 : i32
      %add3A_309 = vector.broadcast %add3A_308 : i32 to vector<22x1024xi32>
      %add3A_310 = arith.addi %and3A_283, %add3A_309 : vector<22x1024xi32>
      %select_n3A_311 = arith.select %lt3A_307, %add3A_310, %and3A_283 : vector<22x1024xi1>, vector<22x1024xi32>
      %reshape3A_312 = vector.shape_cast %select_n3A_311 : vector<22x1024xi32> to vector<22x1024x1xi32>
      %gather3A_313 = vector.shape_cast %reshape3A_312 : vector<22x1024x1xi32> to vector<22x1024xi32>
      %gather3A_314 = tpu.dynamic_gather %slice3A_304[%gather3A_313] in [1] : vector<22x128xf32>, vector<22x1024xi32> -> vector<22x1024xf32>
      %eq3A_315 = arith.constant 1 : i32
      %eq3A_316 = vector.broadcast %eq3A_315 : i32 to vector<22x1024xi32>
      %eq3A_317 = arith.cmpi eq, %shift_right_arithmetic3A_286, %eq3A_316 : vector<22x1024xi32>
      %select_n3A_318 = arith.select %eq3A_317, %gather3A_314, %select_n3A_303 : vector<22x1024xi1>, vector<22x1024xf32>
      %slice3A_319 = vector.extract_strided_slice %concatenate3A {offsets = [0, 256], sizes = [22, 128], strides = [1, 1]} : vector<22x1024xf32> to vector<22x128xf32>
      %lt3A_320 = arith.constant 0 : i32
      %lt3A_321 = vector.broadcast %lt3A_320 : i32 to vector<22x1024xi32>
      %lt3A_322 = arith.cmpi slt, %and3A_283, %lt3A_321 : vector<22x1024xi32>
      %add3A_323 = arith.constant 128 : i32
      %add3A_324 = vector.broadcast %add3A_323 : i32 to vector<22x1024xi32>
      %add3A_325 = arith.addi %and3A_283, %add3A_324 : vector<22x1024xi32>
      %select_n3A_326 = arith.select %lt3A_322, %add3A_325, %and3A_283 : vector<22x1024xi1>, vector<22x1024xi32>
      %reshape3A_327 = vector.shape_cast %select_n3A_326 : vector<22x1024xi32> to vector<22x1024x1xi32>
      %gather3A_328 = vector.shape_cast %reshape3A_327 : vector<22x1024x1xi32> to vector<22x1024xi32>
      %gather3A_329 = tpu.dynamic_gather %slice3A_319[%gather3A_328] in [1] : vector<22x128xf32>, vector<22x1024xi32> -> vector<22x1024xf32>
      %eq3A_330 = arith.constant 2 : i32
      %eq3A_331 = vector.broadcast %eq3A_330 : i32 to vector<22x1024xi32>
      %eq3A_332 = arith.cmpi eq, %shift_right_arithmetic3A_286, %eq3A_331 : vector<22x1024xi32>
      %select_n3A_333 = arith.select %eq3A_332, %gather3A_329, %select_n3A_318 : vector<22x1024xi1>, vector<22x1024xf32>
      %slice3A_334 = vector.extract_strided_slice %concatenate3A {offsets = [0, 384], sizes = [22, 128], strides = [1, 1]} : vector<22x1024xf32> to vector<22x128xf32>
      %lt3A_335 = arith.constant 0 : i32
      %lt3A_336 = vector.broadcast %lt3A_335 : i32 to vector<22x1024xi32>
      %lt3A_337 = arith.cmpi slt, %and3A_283, %lt3A_336 : vector<22x1024xi32>
      %add3A_338 = arith.constant 128 : i32
      %add3A_339 = vector.broadcast %add3A_338 : i32 to vector<22x1024xi32>
      %add3A_340 = arith.addi %and3A_283, %add3A_339 : vector<22x1024xi32>
      %select_n3A_341 = arith.select %lt3A_337, %add3A_340, %and3A_283 : vector<22x1024xi1>, vector<22x1024xi32>
      %reshape3A_342 = vector.shape_cast %select_n3A_341 : vector<22x1024xi32> to vector<22x1024x1xi32>
      %gather3A_343 = vector.shape_cast %reshape3A_342 : vector<22x1024x1xi32> to vector<22x1024xi32>
      %gather3A_344 = tpu.dynamic_gather %slice3A_334[%gather3A_343] in [1] : vector<22x128xf32>, vector<22x1024xi32> -> vector<22x1024xf32>
      %eq3A_345 = arith.constant 3 : i32
      %eq3A_346 = vector.broadcast %eq3A_345 : i32 to vector<22x1024xi32>
      %eq3A_347 = arith.cmpi eq, %shift_right_arithmetic3A_286, %eq3A_346 : vector<22x1024xi32>
      %select_n3A_348 = arith.select %eq3A_347, %gather3A_344, %select_n3A_333 : vector<22x1024xi1>, vector<22x1024xf32>
      %slice3A_349 = vector.extract_strided_slice %concatenate3A {offsets = [0, 512], sizes = [22, 128], strides = [1, 1]} : vector<22x1024xf32> to vector<22x128xf32>
      %lt3A_350 = arith.constant 0 : i32
      %lt3A_351 = vector.broadcast %lt3A_350 : i32 to vector<22x1024xi32>
      %lt3A_352 = arith.cmpi slt, %and3A_283, %lt3A_351 : vector<22x1024xi32>
      %add3A_353 = arith.constant 128 : i32
      %add3A_354 = vector.broadcast %add3A_353 : i32 to vector<22x1024xi32>
      %add3A_355 = arith.addi %and3A_283, %add3A_354 : vector<22x1024xi32>
      %select_n3A_356 = arith.select %lt3A_352, %add3A_355, %and3A_283 : vector<22x1024xi1>, vector<22x1024xi32>
      %reshape3A_357 = vector.shape_cast %select_n3A_356 : vector<22x1024xi32> to vector<22x1024x1xi32>
      %gather3A_358 = vector.shape_cast %reshape3A_357 : vector<22x1024x1xi32> to vector<22x1024xi32>
      %gather3A_359 = tpu.dynamic_gather %slice3A_349[%gather3A_358] in [1] : vector<22x128xf32>, vector<22x1024xi32> -> vector<22x1024xf32>
      %eq3A_360 = arith.constant 4 : i32
      %eq3A_361 = vector.broadcast %eq3A_360 : i32 to vector<22x1024xi32>
      %eq3A_362 = arith.cmpi eq, %shift_right_arithmetic3A_286, %eq3A_361 : vector<22x1024xi32>
      %select_n3A_363 = arith.select %eq3A_362, %gather3A_359, %select_n3A_348 : vector<22x1024xi1>, vector<22x1024xf32>
      %slice3A_364 = vector.extract_strided_slice %concatenate3A {offsets = [0, 640], sizes = [22, 128], strides = [1, 1]} : vector<22x1024xf32> to vector<22x128xf32>
      %lt3A_365 = arith.constant 0 : i32
      %lt3A_366 = vector.broadcast %lt3A_365 : i32 to vector<22x1024xi32>
      %lt3A_367 = arith.cmpi slt, %and3A_283, %lt3A_366 : vector<22x1024xi32>
      %add3A_368 = arith.constant 128 : i32
      %add3A_369 = vector.broadcast %add3A_368 : i32 to vector<22x1024xi32>
      %add3A_370 = arith.addi %and3A_283, %add3A_369 : vector<22x1024xi32>
      %select_n3A_371 = arith.select %lt3A_367, %add3A_370, %and3A_283 : vector<22x1024xi1>, vector<22x1024xi32>
      %reshape3A_372 = vector.shape_cast %select_n3A_371 : vector<22x1024xi32> to vector<22x1024x1xi32>
      %gather3A_373 = vector.shape_cast %reshape3A_372 : vector<22x1024x1xi32> to vector<22x1024xi32>
      %gather3A_374 = tpu.dynamic_gather %slice3A_364[%gather3A_373] in [1] : vector<22x128xf32>, vector<22x1024xi32> -> vector<22x1024xf32>
      %eq3A_375 = arith.constant 5 : i32
      %eq3A_376 = vector.broadcast %eq3A_375 : i32 to vector<22x1024xi32>
      %eq3A_377 = arith.cmpi eq, %shift_right_arithmetic3A_286, %eq3A_376 : vector<22x1024xi32>
      %select_n3A_378 = arith.select %eq3A_377, %gather3A_374, %select_n3A_363 : vector<22x1024xi1>, vector<22x1024xf32>
      %slice3A_379 = vector.extract_strided_slice %concatenate3A {offsets = [0, 768], sizes = [22, 128], strides = [1, 1]} : vector<22x1024xf32> to vector<22x128xf32>
      %lt3A_380 = arith.constant 0 : i32
      %lt3A_381 = vector.broadcast %lt3A_380 : i32 to vector<22x1024xi32>
      %lt3A_382 = arith.cmpi slt, %and3A_283, %lt3A_381 : vector<22x1024xi32>
      %add3A_383 = arith.constant 128 : i32
      %add3A_384 = vector.broadcast %add3A_383 : i32 to vector<22x1024xi32>
      %add3A_385 = arith.addi %and3A_283, %add3A_384 : vector<22x1024xi32>
      %select_n3A_386 = arith.select %lt3A_382, %add3A_385, %and3A_283 : vector<22x1024xi1>, vector<22x1024xi32>
      %reshape3A_387 = vector.shape_cast %select_n3A_386 : vector<22x1024xi32> to vector<22x1024x1xi32>
      %gather3A_388 = vector.shape_cast %reshape3A_387 : vector<22x1024x1xi32> to vector<22x1024xi32>
      %gather3A_389 = tpu.dynamic_gather %slice3A_379[%gather3A_388] in [1] : vector<22x128xf32>, vector<22x1024xi32> -> vector<22x1024xf32>
      %eq3A_390 = arith.constant 6 : i32
      %eq3A_391 = vector.broadcast %eq3A_390 : i32 to vector<22x1024xi32>
      %eq3A_392 = arith.cmpi eq, %shift_right_arithmetic3A_286, %eq3A_391 : vector<22x1024xi32>
      %select_n3A_393 = arith.select %eq3A_392, %gather3A_389, %select_n3A_378 : vector<22x1024xi1>, vector<22x1024xf32>
      %slice3A_394 = vector.extract_strided_slice %concatenate3A {offsets = [0, 896], sizes = [22, 128], strides = [1, 1]} : vector<22x1024xf32> to vector<22x128xf32>
      %lt3A_395 = arith.constant 0 : i32
      %lt3A_396 = vector.broadcast %lt3A_395 : i32 to vector<22x1024xi32>
      %lt3A_397 = arith.cmpi slt, %and3A_283, %lt3A_396 : vector<22x1024xi32>
      %add3A_398 = arith.constant 128 : i32
      %add3A_399 = vector.broadcast %add3A_398 : i32 to vector<22x1024xi32>
      %add3A_400 = arith.addi %and3A_283, %add3A_399 : vector<22x1024xi32>
      %select_n3A_401 = arith.select %lt3A_397, %add3A_400, %and3A_283 : vector<22x1024xi1>, vector<22x1024xi32>
      %reshape3A_402 = vector.shape_cast %select_n3A_401 : vector<22x1024xi32> to vector<22x1024x1xi32>
      %gather3A_403 = vector.shape_cast %reshape3A_402 : vector<22x1024x1xi32> to vector<22x1024xi32>
      %gather3A_404 = tpu.dynamic_gather %slice3A_394[%gather3A_403] in [1] : vector<22x128xf32>, vector<22x1024xi32> -> vector<22x1024xf32>
      %eq3A_405 = arith.constant 7 : i32
      %eq3A_406 = vector.broadcast %eq3A_405 : i32 to vector<22x1024xi32>
      %eq3A_407 = arith.cmpi eq, %shift_right_arithmetic3A_286, %eq3A_406 : vector<22x1024xi32>
      %select_n3A_408 = arith.select %eq3A_407, %gather3A_404, %select_n3A_393 : vector<22x1024xi1>, vector<22x1024xf32>
      %slice3A_409 = vector.extract_strided_slice %select_n3A_408 {offsets = [0, 0], sizes = [16, 1024], strides = [1, 1]} : vector<22x1024xf32> to vector<16x1024xf32>
      %slice3A_410 = vector.extract_strided_slice %select_n3A_408 {offsets = [16, 0], sizes = [3, 1024], strides = [1, 1]} : vector<22x1024xf32> to vector<3x1024xf32>
      %slice3A_411 = vector.extract_strided_slice %select_n3A_408 {offsets = [19, 0], sizes = [3, 1024], strides = [1, 1]} : vector<22x1024xf32> to vector<3x1024xf32>
      %sub3A_412 = arith.subf %slice3A_410, %get3A_3 : vector<3x1024xf32>
      %mul3A_413 = arith.mulf %sub3A_412, %sub3A_412 : vector<3x1024xf32>
      %reduce_sum3A_414 = arith.constant dense<0.000000e+00> : vector<1024xf32>
      %reduce_sum3A_415 = vector.multi_reduction <add>, %mul3A_413, %reduce_sum3A_414 [0] : vector<3x1024xf32> to vector<1024xf32>
      %broadcast_in_dim3A_416 = vector.shape_cast %reduce_sum3A_415 : vector<1024xf32> to vector<1x1024xf32>
      %add3A_417 = arith.constant 9.99999996E-13 : f32
      %add3A_418 = vector.broadcast %add3A_417 : f32 to vector<1x1024xf32>
      %add3A_419 = arith.addf %broadcast_in_dim3A_416, %add3A_418 : vector<1x1024xf32>
      %sqrt3A_420 = math.sqrt %add3A_419 : vector<1x1024xf32>
      %mul3A_421 = arith.mulf %get3A_8, %slice3A_411 : vector<3x1024xf32>
      %reduce_sum3A_422 = arith.constant dense<0.000000e+00> : vector<1024xf32>
      %reduce_sum3A_423 = vector.multi_reduction <add>, %mul3A_421, %reduce_sum3A_422 [0] : vector<3x1024xf32> to vector<1024xf32>
      %broadcast_in_dim3A_424 = vector.shape_cast %reduce_sum3A_423 : vector<1024xf32> to vector<1x1024xf32>
      %add3A_425 = arith.addf %slice3A_409, %add3A_39 : vector<16x1024xf32>
      %mul3A_426 = vector.broadcast %get3A_42 : vector<16x1xf32> to vector<16x1024xf32>
      %mul3A_427 = vector.broadcast %sqrt3A_420 : vector<1x1024xf32> to vector<16x1024xf32>
      %mul3A_428 = arith.mulf %mul3A_426, %mul3A_427 : vector<16x1024xf32>
      %add3A_429 = arith.addf %add3A_425, %mul3A_428 : vector<16x1024xf32>
      %mul3A_430 = vector.broadcast %get3A_45 : vector<16x1xf32> to vector<16x1024xf32>
      %mul3A_431 = vector.broadcast %broadcast_in_dim3A_424 : vector<1x1024xf32> to vector<16x1024xf32>
      %mul3A_432 = arith.mulf %mul3A_430, %mul3A_431 : vector<16x1024xf32>
      %add3A_433 = arith.addf %add3A_429, %mul3A_432 : vector<16x1024xf32>
      %swap3A_434 = arith.constant 0 : index
      %swap3A_435 = arith.index_cast %scan3A_259 : i32 to index
      %swap3A_436 = arith.constant 0 : index
      %swap3A_437 = arith.constant 0 : index
      %swap3A_438 = vector.load %arg9[%swap3A_434, %swap3A_435, %swap3A_436, %swap3A_437] : memref<1x20x16x1024xf32, #tpu.memory_space<vmem>>, vector<1x1x16x1024xf32>
      %swap3A_439 = vector.shape_cast %swap3A_438 : vector<1x1x16x1024xf32> to vector<16x1024xf32>
      %swap3A_440 = vector.shape_cast %add3A_433 : vector<16x1024xf32> to vector<1x1x16x1024xf32>
      tpu.vector_store %arg9[%swap3A_434, %swap3A_435, %swap3A_436, %swap3A_437], %swap3A_440 {strides = array<i32>} : memref<1x20x16x1024xf32, #tpu.memory_space<vmem>>, vector<1x1x16x1024xf32>,
      %add3A_441 = arith.addf %add3A_255, %add3A_433 : vector<16x1024xf32>
      %mul3A_442 = arith.mulf %add3A_433, %add3A_433 : vector<16x1024xf32>
      %add3A_443 = arith.addf %add3A_257, %mul3A_442 : vector<16x1024xf32>
      scf.yield %add3A_441, %add3A_443, %broadcast_in_dim3A_278 : vector<16x1024xf32>, vector<16x1024xf32>, vector<1x1024xf32>
    }
    %scan3A_57 = arith.constant 20 : i32
    %reshape3A = vector.shape_cast %scan3A_56#0 : vector<16x1024xf32> to vector<16x8x128xf32>
    %reduce_sum3A = arith.constant dense<0.000000e+00> : vector<16x128xf32>
    %reduce_sum3A_58 = vector.multi_reduction <add>, %reshape3A, %reduce_sum3A [1] : vector<16x8x128xf32> to vector<16x128xf32>
    %reshape3A_59 = vector.shape_cast %scan3A_56#1 : vector<16x1024xf32> to vector<16x8x128xf32>
    %reduce_sum3A_60 = arith.constant dense<0.000000e+00> : vector<16x128xf32>
    %reduce_sum3A_61 = vector.multi_reduction <add>, %reshape3A_59, %reduce_sum3A_60 [1] : vector<16x8x128xf32> to vector<16x128xf32>
    %eq3A = arith.constant 0 : i32
    %eq3A_62 = arith.cmpi eq, %arg0, %eq3A : i32
    %convert_element_type3A = arith.extui %eq3A_62 : i1 to i32
    %cond3A = arith.constant 0 : i32
    %cond3A_63 = arith.cmpi ne, %convert_element_type3A, %cond3A : i32
    scf.if %cond3A_63 {
      %broadcast_in_dim3A_78 = arith.constant 0.000000e+00 : f32
      %broadcast_in_dim3A_79 = vector.broadcast %broadcast_in_dim3A_78 : f32 to vector<16x128xf32>
      %swap3A_80 = arith.constant 0 : index
      %swap3A_81 = arith.constant 0 : index
      %swap3A_82 = vector.load %arg10[%swap3A_80, %swap3A_81] : memref<16x128xf32, #tpu.memory_space<vmem>>, vector<16x128xf32>
      tpu.vector_store %arg10[%swap3A_80, %swap3A_81], %broadcast_in_dim3A_79 {strides = array<i32>} : memref<16x128xf32, #tpu.memory_space<vmem>>, vector<16x128xf32>,
      %broadcast_in_dim3A_83 = arith.constant 0.000000e+00 : f32
      %broadcast_in_dim3A_84 = vector.broadcast %broadcast_in_dim3A_83 : f32 to vector<16x128xf32>
      %swap3A_85 = arith.constant 0 : index
      %swap3A_86 = arith.constant 0 : index
      %swap3A_87 = vector.load %arg11[%swap3A_85, %swap3A_86] : memref<16x128xf32, #tpu.memory_space<vmem>>, vector<16x128xf32>
      tpu.vector_store %arg11[%swap3A_85, %swap3A_86], %broadcast_in_dim3A_84 {strides = array<i32>} : memref<16x128xf32, #tpu.memory_space<vmem>>, vector<16x128xf32>,
    } else {
    }
    %get3A_64 = arith.constant 0 : index
    %get3A_65 = arith.constant 0 : index
    %get3A_66 = vector.load %arg10[%get3A_64, %get3A_65] : memref<16x128xf32, #tpu.memory_space<vmem>>, vector<16x128xf32>
    %add3A_67 = arith.addf %get3A_66, %reduce_sum3A_58 : vector<16x128xf32>
    %swap3A_68 = arith.constant 0 : index
    %swap3A_69 = arith.constant 0 : index
    %swap3A_70 = vector.load %arg10[%swap3A_68, %swap3A_69] : memref<16x128xf32, #tpu.memory_space<vmem>>, vector<16x128xf32>
    tpu.vector_store %arg10[%swap3A_68, %swap3A_69], %add3A_67 {strides = array<i32>} : memref<16x128xf32, #tpu.memory_space<vmem>>, vector<16x128xf32>,
    %get3A_71 = arith.constant 0 : index
    %get3A_72 = arith.constant 0 : index
    %get3A_73 = vector.load %arg11[%get3A_71, %get3A_72] : memref<16x128xf32, #tpu.memory_space<vmem>>, vector<16x128xf32>
    %add3A_74 = arith.addf %get3A_73, %reduce_sum3A_61 : vector<16x128xf32>
    %swap3A_75 = arith.constant 0 : index
    %swap3A_76 = arith.constant 0 : index
    %swap3A_77 = vector.load %arg11[%swap3A_75, %swap3A_76] : memref<16x128xf32, #tpu.memory_space<vmem>>, vector<16x128xf32>
    tpu.vector_store %arg11[%swap3A_75, %swap3A_76], %add3A_74 {strides = array<i32>} : memref<16x128xf32, #tpu.memory_space<vmem>>, vector<16x128xf32>,
    return
  }
  func.func @transform_0(%arg0: i32) -> (i32, i32, i32) {
    %c0_i32 = arith.constant 0 : i32
    %c0_i32_0 = arith.constant 0 : i32
    %c0_i32_1 = arith.constant 0 : i32
    return %arg0, %c0_i32, %c0_i32_0 : i32, i32, i32
  }
  func.func @transform_1(%arg0: i32) -> (i32, i32, i32) {
    %c0_i32 = arith.constant 0 : i32
    %c0_i32_0 = arith.constant 0 : i32
    %c0_i32_1 = arith.constant 0 : i32
    return %arg0, %c0_i32, %c0_i32_0 : i32, i32, i32
  }
  func.func @transform_2(%arg0: i32) -> (i32, i32) {
    %c0_i32 = arith.constant 0 : i32
    %c0_i32_0 = arith.constant 0 : i32
    %c0_i32_1 = arith.constant 0 : i32
    return %c0_i32, %c0_i32_0 : i32, i32
  }
  func.func @transform_3(%arg0: i32) -> (i32, i32) {
    %c0_i32 = arith.constant 0 : i32
    %c0_i32_0 = arith.constant 0 : i32
    %c0_i32_1 = arith.constant 0 : i32
    return %c0_i32, %c0_i32_0 : i32, i32
  }
  func.func @transform_4(%arg0: i32) -> (i32, i32) {
    %c0_i32 = arith.constant 0 : i32
    %c0_i32_0 = arith.constant 0 : i32
    %c0_i32_1 = arith.constant 0 : i32
    return %c0_i32, %c0_i32_0 : i32, i32
  }
  func.func @transform_5(%arg0: i32) -> (i32, i32) {
    %c0_i32 = arith.constant 0 : i32
    %c0_i32_0 = arith.constant 0 : i32
    %c0_i32_1 = arith.constant 0 : i32
    return %c0_i32, %c0_i32_0 : i32, i32
  }
  func.func @transform_6(%arg0: i32) -> (i32, i32) {
    %c0_i32 = arith.constant 0 : i32
    %c0_i32_0 = arith.constant 0 : i32
    %c0_i32_1 = arith.constant 0 : i32
    return %c0_i32, %c0_i32_0 : i32, i32
  }
  func.func @transform_7(%arg0: i32) -> (i32, i32) {
    %c0_i32 = arith.constant 0 : i32
    %c0_i32_0 = arith.constant 0 : i32
    %c0_i32_1 = arith.constant 0 : i32
    return %c0_i32, %c0_i32_0 : i32, i32
  }
  func.func @transform_8(%arg0: i32) -> (i32, i32, i32, i32) {
    %c0_i32 = arith.constant 0 : i32
    %c0_i32_0 = arith.constant 0 : i32
    %c0_i32_1 = arith.constant 0 : i32
    %c0_i32_2 = arith.constant 0 : i32
    return %arg0, %c0_i32, %c0_i32_0, %c0_i32_1 : i32, i32, i32, i32
  }
  func.func @transform_9(%arg0: i32) -> (i32, i32) {
    %c0_i32 = arith.constant 0 : i32
    %c0_i32_0 = arith.constant 0 : i32
    %c0_i32_1 = arith.constant 0 : i32
    return %c0_i32, %c0_i32_0 : i32, i32
  }
  func.func @transform_10(%arg0: i32) -> (i32, i32) {
    %c0_i32 = arith.constant 0 : i32
    %c0_i32_0 = arith.constant 0 : i32
    %c0_i32_1 = arith.constant 0 : i32
    return %c0_i32, %c0_i32_0 : i32, i32
  }
}

module attributes {stable_mosaic.version = 14 : i64} {
  func.func @_f1a_kernel(%arg0: i32, %arg1: memref<1x20x16x1024xf32, #tpu.memory_space<vmem>>, %arg2: memref<16x128xf32, #tpu.memory_space<vmem>>, %arg3: memref<16x128xf32, #tpu.memory_space<vmem>>, %arg4: memref<16x1xf32, #tpu.memory_space<vmem>>, %arg5: memref<16x1xf32, #tpu.memory_space<vmem>>, %arg6: memref<16x16xf32, #tpu.memory_space<vmem>>, %arg7: memref<16x16xf32, #tpu.memory_space<vmem>>, %arg8: memref<1x20x16x1024xf32, #tpu.memory_space<vmem>>, %arg9: memref<1x20x1x1024xi32, #tpu.memory_space<vmem>>, %arg10: memref<1x1024x16xf32, #tpu.memory_space<vmem>>, %arg11: memref<1x16x1024xf32, #tpu.memory_space<vmem>>, %arg12: memref<1024x1024xf32, #tpu.memory_space<vmem>>) attributes {dimension_semantics = [#tpu.dimension_semantics<arbitrary>], iteration_bounds = array<i64: 32>, scalar_prefetch = 0 : i64, scratch_operands = 1 : i64, tpu.core_type = #tpu.core_type<tc>, window_params = [{transform_indices = @transform_0, window_bounds = array<i64: 1, 20, 16, 1024>}, {pipeline_mode = #tpu.pipeline_mode<synchronous>, transform_indices = @transform_1, window_bounds = array<i64: 16, 128>}, {pipeline_mode = #tpu.pipeline_mode<synchronous>, transform_indices = @transform_2, window_bounds = array<i64: 16, 128>}, {pipeline_mode = #tpu.pipeline_mode<synchronous>, transform_indices = @transform_3, window_bounds = array<i64: 16, 1>}, {pipeline_mode = #tpu.pipeline_mode<synchronous>, transform_indices = @transform_4, window_bounds = array<i64: 16, 1>}, {pipeline_mode = #tpu.pipeline_mode<synchronous>, transform_indices = @transform_5, window_bounds = array<i64: 16, 16>}, {pipeline_mode = #tpu.pipeline_mode<synchronous>, transform_indices = @transform_6, window_bounds = array<i64: 16, 16>}, {transform_indices = @transform_7, window_bounds = array<i64: 1, 20, 16, 1024>}, {transform_indices = @transform_8, window_bounds = array<i64: 1, 20, 1, 1024>}, {transform_indices = @transform_9, window_bounds = array<i64: 1, 1024, 16>}, {transform_indices = @transform_10, window_bounds = array<i64: 1, 16, 1024>}]} {
    %get3A = arith.constant 0 : index
    %get3A_0 = arith.constant 0 : index
    %get3A_1 = vector.load %arg2[%get3A, %get3A_0] : memref<16x128xf32, #tpu.memory_space<vmem>>, vector<16x128xf32>
    %reduce_sum3A = arith.constant dense<0.000000e+00> : vector<16xf32>
    %reduce_sum3A_2 = vector.multi_reduction <add>, %get3A_1, %reduce_sum3A [1] : vector<16x128xf32> to vector<16xf32>
    %broadcast_in_dim3A = vector.shape_cast %reduce_sum3A_2 : vector<16xf32> to vector<16x1xf32>
    %mul3A = arith.constant 1.52587893E-6 : f32
    %mul3A_3 = vector.broadcast %mul3A : f32 to vector<16x1xf32>
    %mul3A_4 = arith.mulf %broadcast_in_dim3A, %mul3A_3 : vector<16x1xf32>
    %get3A_5 = arith.constant 0 : index
    %get3A_6 = arith.constant 0 : index
    %get3A_7 = vector.load %arg3[%get3A_5, %get3A_6] : memref<16x128xf32, #tpu.memory_space<vmem>>, vector<16x128xf32>
    %reduce_sum3A_8 = arith.constant dense<0.000000e+00> : vector<16xf32>
    %reduce_sum3A_9 = vector.multi_reduction <add>, %get3A_7, %reduce_sum3A_8 [1] : vector<16x128xf32> to vector<16xf32>
    %broadcast_in_dim3A_10 = vector.shape_cast %reduce_sum3A_9 : vector<16xf32> to vector<16x1xf32>
    %mul3A_11 = arith.constant 1.52587893E-6 : f32
    %mul3A_12 = vector.broadcast %mul3A_11 : f32 to vector<16x1xf32>
    %mul3A_13 = arith.mulf %broadcast_in_dim3A_10, %mul3A_12 : vector<16x1xf32>
    %mul3A_14 = arith.mulf %mul3A_4, %mul3A_4 : vector<16x1xf32>
    %sub3A = arith.subf %mul3A_13, %mul3A_14 : vector<16x1xf32>
    %add3A = arith.constant 9.99999974E-6 : f32
    %add3A_15 = vector.broadcast %add3A : f32 to vector<16x1xf32>
    %add3A_16 = arith.addf %sub3A, %add3A_15 : vector<16x1xf32>
    %rsqrt3A = math.rsqrt %add3A_16 : vector<16x1xf32>
    %get3A_17 = arith.constant 0 : index
    %get3A_18 = arith.constant 0 : index
    %get3A_19 = vector.load %arg4[%get3A_17, %get3A_18] : memref<16x1xf32, #tpu.memory_space<vmem>>, vector<16x1xf32>
    %mul3A_20 = arith.mulf %get3A_19, %rsqrt3A : vector<16x1xf32>
    %get3A_21 = arith.constant 0 : index
    %get3A_22 = arith.constant 0 : index
    %get3A_23 = vector.load %arg5[%get3A_21, %get3A_22] : memref<16x1xf32, #tpu.memory_space<vmem>>, vector<16x1xf32>
    %mul3A_24 = arith.mulf %mul3A_4, %mul3A_20 : vector<16x1xf32>
    %sub3A_25 = arith.subf %get3A_23, %mul3A_24 : vector<16x1xf32>
    %broadcast_in_dim3A_26 = arith.constant 0xFF800000 : f32
    %broadcast_in_dim3A_27 = vector.broadcast %broadcast_in_dim3A_26 : f32 to vector<16x1024xf32>
    %scan3A = arith.constant 0 : i32
    %scan3A_28 = arith.constant 20 : i32
    %scan3A_29 = arith.addi %scan3A, %scan3A_28 : i32
    %scan3A_30 = arith.constant 1 : i32
    %scan3A_31 = scf.for %scan3A_81 = %scan3A to %scan3A_29 step %scan3A_30 iter_args(%scan3A_82 = %broadcast_in_dim3A_27) -> (vector<16x1024xf32>)  : i32 {
      %get3A_83 = arith.constant 0 : index
      %get3A_84 = arith.index_cast %scan3A_81 : i32 to index
      %get3A_85 = arith.constant 0 : index
      %get3A_86 = arith.constant 0 : index
      %get3A_87 = vector.load %arg1[%get3A_83, %get3A_84, %get3A_85, %get3A_86] : memref<1x20x16x1024xf32, #tpu.memory_space<vmem>>, vector<1x1x16x1024xf32>
      %get3A_88 = vector.shape_cast %get3A_87 : vector<1x1x16x1024xf32> to vector<16x1024xf32>
      %mul3A_89 = vector.broadcast %mul3A_20 : vector<16x1xf32> to vector<16x1024xf32>
      %mul3A_90 = arith.mulf %get3A_88, %mul3A_89 : vector<16x1024xf32>
      %add3A_91 = vector.broadcast %sub3A_25 : vector<16x1xf32> to vector<16x1024xf32>
      %add3A_92 = arith.addf %mul3A_90, %add3A_91 : vector<16x1024xf32>
      %ge3A = arith.constant 0.000000e+00 : f32
      %ge3A_93 = vector.broadcast %ge3A : f32 to vector<16x1024xf32>
      %ge3A_94 = arith.cmpf oge, %add3A_92, %ge3A_93 : vector<16x1024xf32>
      %mul3A_95 = arith.constant 2.000000e-01 : f32
      %mul3A_96 = vector.broadcast %mul3A_95 : f32 to vector<16x1024xf32>
      %mul3A_97 = arith.mulf %mul3A_96, %add3A_92 : vector<16x1024xf32>
      %select_n3A = arith.select %ge3A_94, %add3A_92, %mul3A_97 : vector<16x1024xi1>, vector<16x1024xf32>
      %swap3A_98 = arith.constant 0 : index
      %swap3A_99 = arith.index_cast %scan3A_81 : i32 to index
      %swap3A_100 = arith.constant 0 : index
      %swap3A_101 = arith.constant 0 : index
      %swap3A_102 = vector.load %arg8[%swap3A_98, %swap3A_99, %swap3A_100, %swap3A_101] : memref<1x20x16x1024xf32, #tpu.memory_space<vmem>>, vector<1x1x16x1024xf32>
      %swap3A_103 = vector.shape_cast %swap3A_102 : vector<1x1x16x1024xf32> to vector<16x1024xf32>
      %swap3A_104 = vector.shape_cast %select_n3A : vector<16x1024xf32> to vector<1x1x16x1024xf32>
      tpu.vector_store %arg8[%swap3A_98, %swap3A_99, %swap3A_100, %swap3A_101], %swap3A_104 {strides = array<i32>} : memref<1x20x16x1024xf32, #tpu.memory_space<vmem>>, vector<1x1x16x1024xf32>,
      %max3A = arith.maximumf %scan3A_82, %select_n3A : vector<16x1024xf32>
      scf.yield %max3A : vector<16x1024xf32>
    }
    %scan3A_32 = arith.constant 20 : i32
    %dot_general3A = arith.constant dense<0.000000e+00> : vector<1024x1024xf32>
    %dot_general3A_33 = tpu.matmul %scan3A_31, %scan3A_31, %dot_general3A {dimension_numbers = #tpu.dot_dimension_numbers<[0], [0], [1], [1], [0, 1, 1, 1], [], []>, precision = #tpu.contract_precision<fp32>, transpose_lhs_hint = false} : vector<16x1024xf32>, vector<16x1024xf32>, vector<1024x1024xf32> -> vector<1024x1024xf32>
    %mul3A_34 = arith.mulf %scan3A_31, %scan3A_31 : vector<16x1024xf32>
    %broadcast_in_dim3A_35 = arith.constant 1.000000e+00 : f32
    %broadcast_in_dim3A_36 = vector.broadcast %broadcast_in_dim3A_35 : f32 to vector<16x8xf32>
    %dot_general3A_37 = arith.constant dense<0.000000e+00> : vector<1024x8xf32>
    %dot_general3A_38 = tpu.matmul %mul3A_34, %broadcast_in_dim3A_36, %dot_general3A_37 {dimension_numbers = #tpu.dot_dimension_numbers<[0], [0], [1], [1], [0, 1, 1, 1], [], []>, precision = #tpu.contract_precision<fp32>, transpose_lhs_hint = false} : vector<16x1024xf32>, vector<16x8xf32>, vector<1024x8xf32> -> vector<1024x8xf32>
    %mul3A_39 = arith.constant 2.000000e+00 : f32
    %mul3A_40 = vector.broadcast %mul3A_39 : f32 to vector<1024x1024xf32>
    %mul3A_41 = arith.mulf %mul3A_40, %dot_general3A_33 : vector<1024x1024xf32>
    %slice3A = vector.extract_strided_slice %dot_general3A_38 {offsets = [0, 0], sizes = [1024, 1], strides = [1, 1]} : vector<1024x8xf32> to vector<1024x1xf32>
    %sub3A_42 = vector.broadcast %slice3A : vector<1024x1xf32> to vector<1024x1024xf32>
    %sub3A_43 = arith.subf %mul3A_41, %sub3A_42 : vector<1024x1024xf32>
    %swap3A = arith.constant 0 : index
    %swap3A_44 = arith.constant 0 : index
    %swap3A_45 = vector.load %arg12[%swap3A, %swap3A_44] : memref<1024x1024xf32, #tpu.memory_space<vmem>>, vector<1024x1024xf32>
    tpu.vector_store %arg12[%swap3A, %swap3A_44], %sub3A_43 {strides = array<i32>} : memref<1024x1024xf32, #tpu.memory_space<vmem>>, vector<1024x1024xf32>,
    %get3A_46 = arith.constant 0 : index
    %get3A_47 = arith.constant 0 : index
    %get3A_48 = vector.load %arg6[%get3A_46, %get3A_47] : memref<16x16xf32, #tpu.memory_space<vmem>>, vector<16x16xf32>
    %dot_general3A_49 = arith.constant dense<0.000000e+00> : vector<16x1024xf32>
    %dot_general3A_50 = tpu.matmul %get3A_48, %scan3A_31, %dot_general3A_49 {dimension_numbers = #tpu.dot_dimension_numbers<[1], [0], [0], [1], [0, 0, 1, 1], [], []>, precision = #tpu.contract_precision<fp32>, transpose_lhs_hint = false} : vector<16x16xf32>, vector<16x1024xf32>, vector<16x1024xf32> -> vector<16x1024xf32>
    %get3A_51 = arith.constant 0 : index
    %get3A_52 = arith.constant 0 : index
    %get3A_53 = vector.load %arg7[%get3A_51, %get3A_52] : memref<16x16xf32, #tpu.memory_space<vmem>>, vector<16x16xf32>
    %dot_general3A_54 = arith.constant dense<0.000000e+00> : vector<16x1024xf32>
    %dot_general3A_55 = tpu.matmul %get3A_53, %scan3A_31, %dot_general3A_54 {dimension_numbers = #tpu.dot_dimension_numbers<[1], [0], [0], [1], [0, 0, 1, 1], [], []>, precision = #tpu.contract_precision<fp32>, transpose_lhs_hint = false} : vector<16x16xf32>, vector<16x1024xf32>, vector<16x1024xf32> -> vector<16x1024xf32>
    %swap3A_56 = arith.constant 0 : index
    %swap3A_57 = arith.constant 0 : index
    %swap3A_58 = arith.constant 0 : index
    %swap3A_59 = vector.load %arg11[%swap3A_56, %swap3A_57, %swap3A_58] : memref<1x16x1024xf32, #tpu.memory_space<vmem>>, vector<1x16x1024xf32>
    %swap3A_60 = vector.shape_cast %swap3A_59 : vector<1x16x1024xf32> to vector<16x1024xf32>
    %swap3A_61 = vector.shape_cast %dot_general3A_55 : vector<16x1024xf32> to vector<1x16x1024xf32>
    tpu.vector_store %arg11[%swap3A_56, %swap3A_57, %swap3A_58], %swap3A_61 {strides = array<i32>} : memref<1x16x1024xf32, #tpu.memory_space<vmem>>, vector<1x16x1024xf32>,
    %transpose3A = tpu.transpose %dot_general3A_50, [1, 0] : vector<16x1024xf32> -> vector<1024x16xf32>
    %swap3A_62 = arith.constant 0 : index
    %swap3A_63 = arith.constant 0 : index
    %swap3A_64 = arith.constant 0 : index
    %swap3A_65 = vector.load %arg10[%swap3A_62, %swap3A_63, %swap3A_64] : memref<1x1024x16xf32, #tpu.memory_space<vmem>>, vector<1x1024x16xf32>
    %swap3A_66 = vector.shape_cast %swap3A_65 : vector<1x1024x16xf32> to vector<1024x16xf32>
    %swap3A_67 = vector.shape_cast %transpose3A : vector<1024x16xf32> to vector<1x1024x16xf32>
    tpu.vector_store %arg10[%swap3A_62, %swap3A_63, %swap3A_64], %swap3A_67 {strides = array<i32>} : memref<1x1024x16xf32, #tpu.memory_space<vmem>>, vector<1x1024x16xf32>,
    %iota3A = tpu.iota {dimensions = array<i32: 0>} : vector<1024x1024xi32>
    %get3A_68 = arith.constant 0 : index
    %get3A_69 = arith.constant 0 : index
    %get3A_70 = vector.load %arg12[%get3A_68, %get3A_69] : memref<1024x1024xf32, #tpu.memory_space<vmem>>, vector<1024x1024xf32>
    %reduce_max3A = arith.constant dense<0xFF800000> : vector<1024xf32>
    %reduce_max3A_71 = vector.multi_reduction <maximumf>, %get3A_70, %reduce_max3A [0] : vector<1024x1024xf32> to vector<1024xf32>
    %broadcast_in_dim3A_72 = vector.shape_cast %reduce_max3A_71 : vector<1024xf32> to vector<1x1024xf32>
    %mul3A_73 = arith.constant 1024 : i32
    %mul3A_74 = arith.muli %arg0, %mul3A_73 : i32
    %scan3A_75 = arith.constant 0 : i32
    %scan3A_76 = arith.constant 20 : i32
    %scan3A_77 = arith.addi %scan3A_75, %scan3A_76 : i32
    %scan3A_78 = arith.constant 2 : i32
    %scan3A_79 = scf.for %scan3A_81 = %scan3A_75 to %scan3A_77 step %scan3A_78 iter_args(%scan3A_82 = %broadcast_in_dim3A_72) -> (vector<1x1024xf32>)  : i32 {
      %get3A_83 = arith.constant 0 : index
      %get3A_84 = arith.constant 0 : index
      %get3A_85 = vector.load %arg12[%get3A_83, %get3A_84] : memref<1024x1024xf32, #tpu.memory_space<vmem>>, vector<1024x1024xf32>
      %eq3A = vector.broadcast %scan3A_82 : vector<1x1024xf32> to vector<1024x1024xf32>
      %eq3A_86 = arith.cmpf oeq, %get3A_85, %eq3A : vector<1024x1024xf32>
      %jit3A = arith.constant 1024 : i32
      %broadcast_in_dim3A_87 = vector.broadcast %jit3A : i32 to vector<1024x1024xi32>
      %select_n3A = arith.select %eq3A_86, %iota3A, %broadcast_in_dim3A_87 : vector<1024x1024xi1>, vector<1024x1024xi32>
      %reduce_min3A = arith.constant dense<2147483647> : vector<1024xi32>
      %reduce_min3A_88 = vector.multi_reduction <minsi>, %select_n3A, %reduce_min3A [0] : vector<1024x1024xi32> to vector<1024xi32>
      %broadcast_in_dim3A_89 = vector.shape_cast %reduce_min3A_88 : vector<1024xi32> to vector<1x1024xi32>
      %lt3A = vector.broadcast %scan3A_82 : vector<1x1024xf32> to vector<1024x1024xf32>
      %lt3A_90 = arith.cmpf olt, %get3A_85, %lt3A : vector<1024x1024xf32>
      %jit3A_91 = arith.constant 0xFF800000 : f32
      %broadcast_in_dim3A_92 = vector.broadcast %jit3A_91 : f32 to vector<1024x1024xf32>
      %select_n3A_93 = arith.select %lt3A_90, %get3A_85, %broadcast_in_dim3A_92 : vector<1024x1024xi1>, vector<1024x1024xf32>
      %reduce_max3A_94 = arith.constant dense<0xFF800000> : vector<1024xf32>
      %reduce_max3A_95 = vector.multi_reduction <maximumf>, %select_n3A_93, %reduce_max3A_94 [0] : vector<1024x1024xf32> to vector<1024xf32>
      %broadcast_in_dim3A_96 = vector.shape_cast %reduce_max3A_95 : vector<1024xf32> to vector<1x1024xf32>
      %add3A_97 = vector.broadcast %mul3A_74 : i32 to vector<1x1024xi32>
      %add3A_98 = arith.addi %broadcast_in_dim3A_89, %add3A_97 : vector<1x1024xi32>
      %swap3A_99 = arith.constant 0 : index
      %swap3A_100 = arith.index_cast %scan3A_81 : i32 to index
      %swap3A_101 = arith.constant 0 : index
      %swap3A_102 = arith.constant 0 : index
      %swap3A_103 = vector.load %arg9[%swap3A_99, %swap3A_100, %swap3A_101, %swap3A_102] : memref<1x20x1x1024xi32, #tpu.memory_space<vmem>>, vector<1x1x1x1024xi32>
      %swap3A_104 = vector.shape_cast %swap3A_103 : vector<1x1x1x1024xi32> to vector<1x1024xi32>
      %swap3A_105 = vector.shape_cast %add3A_98 : vector<1x1024xi32> to vector<1x1x1x1024xi32>
      tpu.vector_store %arg9[%swap3A_99, %swap3A_100, %swap3A_101, %swap3A_102], %swap3A_105 {strides = array<i32>} : memref<1x20x1x1024xi32, #tpu.memory_space<vmem>>, vector<1x1x1x1024xi32>,
      %scan3A_106 = arith.constant 1 : i32
      %scan3A_107 = arith.addi %scan3A_81, %scan3A_106 : i32
      %get3A_108 = arith.constant 0 : index
      %get3A_109 = arith.constant 0 : index
      %get3A_110 = vector.load %arg12[%get3A_108, %get3A_109] : memref<1024x1024xf32, #tpu.memory_space<vmem>>, vector<1024x1024xf32>
      %eq3A_111 = vector.broadcast %broadcast_in_dim3A_96 : vector<1x1024xf32> to vector<1024x1024xf32>
      %eq3A_112 = arith.cmpf oeq, %get3A_110, %eq3A_111 : vector<1024x1024xf32>
      %jit3A_113 = arith.constant 1024 : i32
      %broadcast_in_dim3A_114 = vector.broadcast %jit3A_113 : i32 to vector<1024x1024xi32>
      %select_n3A_115 = arith.select %eq3A_112, %iota3A, %broadcast_in_dim3A_114 : vector<1024x1024xi1>, vector<1024x1024xi32>
      %reduce_min3A_116 = arith.constant dense<2147483647> : vector<1024xi32>
      %reduce_min3A_117 = vector.multi_reduction <minsi>, %select_n3A_115, %reduce_min3A_116 [0] : vector<1024x1024xi32> to vector<1024xi32>
      %broadcast_in_dim3A_118 = vector.shape_cast %reduce_min3A_117 : vector<1024xi32> to vector<1x1024xi32>
      %lt3A_119 = vector.broadcast %broadcast_in_dim3A_96 : vector<1x1024xf32> to vector<1024x1024xf32>
      %lt3A_120 = arith.cmpf olt, %get3A_110, %lt3A_119 : vector<1024x1024xf32>
      %jit3A_121 = arith.constant 0xFF800000 : f32
      %broadcast_in_dim3A_122 = vector.broadcast %jit3A_121 : f32 to vector<1024x1024xf32>
      %select_n3A_123 = arith.select %lt3A_120, %get3A_110, %broadcast_in_dim3A_122 : vector<1024x1024xi1>, vector<1024x1024xf32>
      %reduce_max3A_124 = arith.constant dense<0xFF800000> : vector<1024xf32>
      %reduce_max3A_125 = vector.multi_reduction <maximumf>, %select_n3A_123, %reduce_max3A_124 [0] : vector<1024x1024xf32> to vector<1024xf32>
      %broadcast_in_dim3A_126 = vector.shape_cast %reduce_max3A_125 : vector<1024xf32> to vector<1x1024xf32>
      %add3A_127 = vector.broadcast %mul3A_74 : i32 to vector<1x1024xi32>
      %add3A_128 = arith.addi %broadcast_in_dim3A_118, %add3A_127 : vector<1x1024xi32>
      %swap3A_129 = arith.constant 0 : index
      %swap3A_130 = arith.index_cast %scan3A_107 : i32 to index
      %swap3A_131 = arith.constant 0 : index
      %swap3A_132 = arith.constant 0 : index
      %swap3A_133 = vector.load %arg9[%swap3A_129, %swap3A_130, %swap3A_131, %swap3A_132] : memref<1x20x1x1024xi32, #tpu.memory_space<vmem>>, vector<1x1x1x1024xi32>
      %swap3A_134 = vector.shape_cast %swap3A_133 : vector<1x1x1x1024xi32> to vector<1x1024xi32>
      %swap3A_135 = vector.shape_cast %add3A_128 : vector<1x1024xi32> to vector<1x1x1x1024xi32>
      tpu.vector_store %arg9[%swap3A_129, %swap3A_130, %swap3A_131, %swap3A_132], %swap3A_135 {strides = array<i32>} : memref<1x20x1x1024xi32, #tpu.memory_space<vmem>>, vector<1x1x1x1024xi32>,
      scf.yield %broadcast_in_dim3A_126 : vector<1x1024xf32>
    }
    %scan3A_80 = arith.constant 20 : i32
    return
  }
  func.func @transform_0(%arg0: i32) -> (i32, i32, i32, i32) {
    %c0_i32 = arith.constant 0 : i32
    %c0_i32_0 = arith.constant 0 : i32
    %c0_i32_1 = arith.constant 0 : i32
    %c0_i32_2 = arith.constant 0 : i32
    return %arg0, %c0_i32, %c0_i32_0, %c0_i32_1 : i32, i32, i32, i32
  }
  func.func @transform_1(%arg0: i32) -> (i32, i32) {
    %c0_i32 = arith.constant 0 : i32
    %c0_i32_0 = arith.constant 0 : i32
    %c0_i32_1 = arith.constant 0 : i32
    return %c0_i32, %c0_i32_0 : i32, i32
  }
  func.func @transform_2(%arg0: i32) -> (i32, i32) {
    %c0_i32 = arith.constant 0 : i32
    %c0_i32_0 = arith.constant 0 : i32
    %c0_i32_1 = arith.constant 0 : i32
    return %c0_i32, %c0_i32_0 : i32, i32
  }
  func.func @transform_3(%arg0: i32) -> (i32, i32) {
    %c0_i32 = arith.constant 0 : i32
    %c0_i32_0 = arith.constant 0 : i32
    %c0_i32_1 = arith.constant 0 : i32
    return %c0_i32, %c0_i32_0 : i32, i32
  }
  func.func @transform_4(%arg0: i32) -> (i32, i32) {
    %c0_i32 = arith.constant 0 : i32
    %c0_i32_0 = arith.constant 0 : i32
    %c0_i32_1 = arith.constant 0 : i32
    return %c0_i32, %c0_i32_0 : i32, i32
  }
  func.func @transform_5(%arg0: i32) -> (i32, i32) {
    %c0_i32 = arith.constant 0 : i32
    %c0_i32_0 = arith.constant 0 : i32
    %c0_i32_1 = arith.constant 0 : i32
    return %c0_i32, %c0_i32_0 : i32, i32
  }
  func.func @transform_6(%arg0: i32) -> (i32, i32) {
    %c0_i32 = arith.constant 0 : i32
    %c0_i32_0 = arith.constant 0 : i32
    %c0_i32_1 = arith.constant 0 : i32
    return %c0_i32, %c0_i32_0 : i32, i32
  }
  func.func @transform_7(%arg0: i32) -> (i32, i32, i32, i32) {
    %c0_i32 = arith.constant 0 : i32
    %c0_i32_0 = arith.constant 0 : i32
    %c0_i32_1 = arith.constant 0 : i32
    %c0_i32_2 = arith.constant 0 : i32
    return %arg0, %c0_i32, %c0_i32_0, %c0_i32_1 : i32, i32, i32, i32
  }
  func.func @transform_8(%arg0: i32) -> (i32, i32, i32, i32) {
    %c0_i32 = arith.constant 0 : i32
    %c0_i32_0 = arith.constant 0 : i32
    %c0_i32_1 = arith.constant 0 : i32
    %c0_i32_2 = arith.constant 0 : i32
    return %arg0, %c0_i32, %c0_i32_0, %c0_i32_1 : i32, i32, i32, i32
  }
  func.func @transform_9(%arg0: i32) -> (i32, i32, i32) {
    %c0_i32 = arith.constant 0 : i32
    %c0_i32_0 = arith.constant 0 : i32
    %c0_i32_1 = arith.constant 0 : i32
    return %arg0, %c0_i32, %c0_i32_0 : i32, i32, i32
  }
  func.func @transform_10(%arg0: i32) -> (i32, i32, i32) {
    %c0_i32 = arith.constant 0 : i32
    %c0_i32_0 = arith.constant 0 : i32
    %c0_i32_1 = arith.constant 0 : i32
    return %arg0, %c0_i32, %c0_i32_0 : i32, i32, i32
  }
}

module attributes {stable_mosaic.version = 14 : i64} {
  func.func @_f1b_kernel(%arg0: i32, %arg1: memref<1x20x1024x16xf32, #tpu.memory_space<vmem>>, %arg2: memref<1x16x1024xf32, #tpu.memory_space<vmem>>, %arg3: memref<1x20x16x1024xf32, #tpu.memory_space<vmem>>, %arg4: memref<16x128xf32, #tpu.memory_space<vmem>>, %arg5: memref<16x128xf32, #tpu.memory_space<vmem>>) attributes {dimension_semantics = [#tpu.dimension_semantics<arbitrary>], iteration_bounds = array<i64: 32>, scalar_prefetch = 0 : i64, scratch_operands = 0 : i64, tpu.core_type = #tpu.core_type<tc>, window_params = [{transform_indices = @transform_0, window_bounds = array<i64: 1, 20, 1024, 16>}, {transform_indices = @transform_1, window_bounds = array<i64: 1, 16, 1024>}, {transform_indices = @transform_2, window_bounds = array<i64: 1, 20, 16, 1024>}, {pipeline_mode = #tpu.pipeline_mode<synchronous>, transform_indices = @transform_3, window_bounds = array<i64: 16, 128>}, {pipeline_mode = #tpu.pipeline_mode<synchronous>, transform_indices = @transform_4, window_bounds = array<i64: 16, 128>}]} {
    %get3A = arith.constant 0 : index
    %get3A_0 = arith.constant 0 : index
    %get3A_1 = arith.constant 0 : index
    %get3A_2 = vector.load %arg2[%get3A, %get3A_0, %get3A_1] : memref<1x16x1024xf32, #tpu.memory_space<vmem>>, vector<1x16x1024xf32>
    %get3A_3 = vector.shape_cast %get3A_2 : vector<1x16x1024xf32> to vector<16x1024xf32>
    %broadcast_in_dim3A = arith.constant 0.000000e+00 : f32
    %broadcast_in_dim3A_4 = vector.broadcast %broadcast_in_dim3A : f32 to vector<16x1024xf32>
    %scan3A = arith.constant 0 : i32
    %scan3A_5 = arith.constant 20 : i32
    %scan3A_6 = arith.addi %scan3A, %scan3A_5 : i32
    %scan3A_7 = arith.constant 1 : i32
    %scan3A_8:2 = scf.for %scan3A_28 = %scan3A to %scan3A_6 step %scan3A_7 iter_args(%scan3A_29 = %broadcast_in_dim3A_4, %scan3A_30 = %broadcast_in_dim3A_4) -> (vector<16x1024xf32>, vector<16x1024xf32>)  : i32 {
      %get3A_31 = arith.constant 0 : index
      %get3A_32 = arith.index_cast %scan3A_28 : i32 to index
      %get3A_33 = arith.constant 0 : index
      %get3A_34 = arith.constant 0 : index
      %get3A_35 = vector.load %arg1[%get3A_31, %get3A_32, %get3A_33, %get3A_34] : memref<1x20x1024x16xf32, #tpu.memory_space<vmem>>, vector<1x1x1024x16xf32>
      %get3A_36 = vector.shape_cast %get3A_35 : vector<1x1x1024x16xf32> to vector<1024x16xf32>
      %transpose3A = tpu.transpose %get3A_36, [1, 0] : vector<1024x16xf32> -> vector<16x1024xf32>
      %add3A_37 = arith.addf %transpose3A, %get3A_3 : vector<16x1024xf32>
      %swap3A_38 = arith.constant 0 : index
      %swap3A_39 = arith.index_cast %scan3A_28 : i32 to index
      %swap3A_40 = arith.constant 0 : index
      %swap3A_41 = arith.constant 0 : index
      %swap3A_42 = vector.load %arg3[%swap3A_38, %swap3A_39, %swap3A_40, %swap3A_41] : memref<1x20x16x1024xf32, #tpu.memory_space<vmem>>, vector<1x1x16x1024xf32>
      %swap3A_43 = vector.shape_cast %swap3A_42 : vector<1x1x16x1024xf32> to vector<16x1024xf32>
      %swap3A_44 = vector.shape_cast %add3A_37 : vector<16x1024xf32> to vector<1x1x16x1024xf32>
      tpu.vector_store %arg3[%swap3A_38, %swap3A_39, %swap3A_40, %swap3A_41], %swap3A_44 {strides = array<i32>} : memref<1x20x16x1024xf32, #tpu.memory_space<vmem>>, vector<1x1x16x1024xf32>,
      %add3A_45 = arith.addf %scan3A_29, %add3A_37 : vector<16x1024xf32>
      %mul3A = arith.mulf %add3A_37, %add3A_37 : vector<16x1024xf32>
      %add3A_46 = arith.addf %scan3A_30, %mul3A : vector<16x1024xf32>
      scf.yield %add3A_45, %add3A_46 : vector<16x1024xf32>, vector<16x1024xf32>
    }
    %scan3A_9 = arith.constant 20 : i32
    %reshape3A = vector.shape_cast %scan3A_8#0 : vector<16x1024xf32> to vector<16x8x128xf32>
    %reduce_sum3A = arith.constant dense<0.000000e+00> : vector<16x128xf32>
    %reduce_sum3A_10 = vector.multi_reduction <add>, %reshape3A, %reduce_sum3A [1] : vector<16x8x128xf32> to vector<16x128xf32>
    %reshape3A_11 = vector.shape_cast %scan3A_8#1 : vector<16x1024xf32> to vector<16x8x128xf32>
    %reduce_sum3A_12 = arith.constant dense<0.000000e+00> : vector<16x128xf32>
    %reduce_sum3A_13 = vector.multi_reduction <add>, %reshape3A_11, %reduce_sum3A_12 [1] : vector<16x8x128xf32> to vector<16x128xf32>
    %eq3A = arith.constant 0 : i32
    %eq3A_14 = arith.cmpi eq, %arg0, %eq3A : i32
    %convert_element_type3A = arith.extui %eq3A_14 : i1 to i32
    %cond3A = arith.constant 0 : i32
    %cond3A_15 = arith.cmpi ne, %convert_element_type3A, %cond3A : i32
    scf.if %cond3A_15 {
      %broadcast_in_dim3A_28 = arith.constant 0.000000e+00 : f32
      %broadcast_in_dim3A_29 = vector.broadcast %broadcast_in_dim3A_28 : f32 to vector<16x128xf32>
      %swap3A_30 = arith.constant 0 : index
      %swap3A_31 = arith.constant 0 : index
      %swap3A_32 = vector.load %arg4[%swap3A_30, %swap3A_31] : memref<16x128xf32, #tpu.memory_space<vmem>>, vector<16x128xf32>
      tpu.vector_store %arg4[%swap3A_30, %swap3A_31], %broadcast_in_dim3A_29 {strides = array<i32>} : memref<16x128xf32, #tpu.memory_space<vmem>>, vector<16x128xf32>,
      %broadcast_in_dim3A_33 = arith.constant 0.000000e+00 : f32
      %broadcast_in_dim3A_34 = vector.broadcast %broadcast_in_dim3A_33 : f32 to vector<16x128xf32>
      %swap3A_35 = arith.constant 0 : index
      %swap3A_36 = arith.constant 0 : index
      %swap3A_37 = vector.load %arg5[%swap3A_35, %swap3A_36] : memref<16x128xf32, #tpu.memory_space<vmem>>, vector<16x128xf32>
      tpu.vector_store %arg5[%swap3A_35, %swap3A_36], %broadcast_in_dim3A_34 {strides = array<i32>} : memref<16x128xf32, #tpu.memory_space<vmem>>, vector<16x128xf32>,
    } else {
    }
    %get3A_16 = arith.constant 0 : index
    %get3A_17 = arith.constant 0 : index
    %get3A_18 = vector.load %arg4[%get3A_16, %get3A_17] : memref<16x128xf32, #tpu.memory_space<vmem>>, vector<16x128xf32>
    %add3A = arith.addf %get3A_18, %reduce_sum3A_10 : vector<16x128xf32>
    %swap3A = arith.constant 0 : index
    %swap3A_19 = arith.constant 0 : index
    %swap3A_20 = vector.load %arg4[%swap3A, %swap3A_19] : memref<16x128xf32, #tpu.memory_space<vmem>>, vector<16x128xf32>
    tpu.vector_store %arg4[%swap3A, %swap3A_19], %add3A {strides = array<i32>} : memref<16x128xf32, #tpu.memory_space<vmem>>, vector<16x128xf32>,
    %get3A_21 = arith.constant 0 : index
    %get3A_22 = arith.constant 0 : index
    %get3A_23 = vector.load %arg5[%get3A_21, %get3A_22] : memref<16x128xf32, #tpu.memory_space<vmem>>, vector<16x128xf32>
    %add3A_24 = arith.addf %get3A_23, %reduce_sum3A_13 : vector<16x128xf32>
    %swap3A_25 = arith.constant 0 : index
    %swap3A_26 = arith.constant 0 : index
    %swap3A_27 = vector.load %arg5[%swap3A_25, %swap3A_26] : memref<16x128xf32, #tpu.memory_space<vmem>>, vector<16x128xf32>
    tpu.vector_store %arg5[%swap3A_25, %swap3A_26], %add3A_24 {strides = array<i32>} : memref<16x128xf32, #tpu.memory_space<vmem>>, vector<16x128xf32>,
    return
  }
  func.func @transform_0(%arg0: i32) -> (i32, i32, i32, i32) {
    %c0_i32 = arith.constant 0 : i32
    %c0_i32_0 = arith.constant 0 : i32
    %c0_i32_1 = arith.constant 0 : i32
    %c0_i32_2 = arith.constant 0 : i32
    return %arg0, %c0_i32, %c0_i32_0, %c0_i32_1 : i32, i32, i32, i32
  }
  func.func @transform_1(%arg0: i32) -> (i32, i32, i32) {
    %c0_i32 = arith.constant 0 : i32
    %c0_i32_0 = arith.constant 0 : i32
    %c0_i32_1 = arith.constant 0 : i32
    return %arg0, %c0_i32, %c0_i32_0 : i32, i32, i32
  }
  func.func @transform_2(%arg0: i32) -> (i32, i32, i32, i32) {
    %c0_i32 = arith.constant 0 : i32
    %c0_i32_0 = arith.constant 0 : i32
    %c0_i32_1 = arith.constant 0 : i32
    %c0_i32_2 = arith.constant 0 : i32
    return %arg0, %c0_i32, %c0_i32_0, %c0_i32_1 : i32, i32, i32, i32
  }
  func.func @transform_3(%arg0: i32) -> (i32, i32) {
    %c0_i32 = arith.constant 0 : i32
    %c0_i32_0 = arith.constant 0 : i32
    %c0_i32_1 = arith.constant 0 : i32
    return %c0_i32, %c0_i32_0 : i32, i32
  }
  func.func @transform_4(%arg0: i32) -> (i32, i32) {
    %c0_i32 = arith.constant 0 : i32
    %c0_i32_0 = arith.constant 0 : i32
    %c0_i32_1 = arith.constant 0 : i32
    return %c0_i32, %c0_i32_0 : i32, i32
  }
}

module attributes {stable_mosaic.version = 14 : i64} {
  func.func @_mid_kernel_res(%arg0: i32, %arg1: memref<1x20x16x1024xf32, #tpu.memory_space<vmem>>, %arg2: memref<1x20x16x1024xf32, #tpu.memory_space<vmem>>, %arg3: memref<16x128xf32, #tpu.memory_space<vmem>>, %arg4: memref<16x128xf32, #tpu.memory_space<vmem>>, %arg5: memref<16x1xf32, #tpu.memory_space<vmem>>, %arg6: memref<16x1xf32, #tpu.memory_space<vmem>>, %arg7: memref<16x16xf32, #tpu.memory_space<vmem>>, %arg8: memref<16x16xf32, #tpu.memory_space<vmem>>, %arg9: memref<1x20x16x1024xf32, #tpu.memory_space<vmem>>, %arg10: memref<1x20x16x1024xf32, #tpu.memory_space<vmem>>, %arg11: memref<16x128xf32, #tpu.memory_space<vmem>>, %arg12: memref<16x128xf32, #tpu.memory_space<vmem>>, %arg13: memref<1024x1024xf32, #tpu.memory_space<vmem>>) attributes {dimension_semantics = [#tpu.dimension_semantics<arbitrary>], iteration_bounds = array<i64: 32>, scalar_prefetch = 0 : i64, scratch_operands = 1 : i64, tpu.core_type = #tpu.core_type<tc>, window_params = [{transform_indices = @transform_0, window_bounds = array<i64: 1, 20, 16, 1024>}, {transform_indices = @transform_1, window_bounds = array<i64: 1, 20, 16, 1024>}, {pipeline_mode = #tpu.pipeline_mode<synchronous>, transform_indices = @transform_2, window_bounds = array<i64: 16, 128>}, {pipeline_mode = #tpu.pipeline_mode<synchronous>, transform_indices = @transform_3, window_bounds = array<i64: 16, 128>}, {pipeline_mode = #tpu.pipeline_mode<synchronous>, transform_indices = @transform_4, window_bounds = array<i64: 16, 1>}, {pipeline_mode = #tpu.pipeline_mode<synchronous>, transform_indices = @transform_5, window_bounds = array<i64: 16, 1>}, {pipeline_mode = #tpu.pipeline_mode<synchronous>, transform_indices = @transform_6, window_bounds = array<i64: 16, 16>}, {pipeline_mode = #tpu.pipeline_mode<synchronous>, transform_indices = @transform_7, window_bounds = array<i64: 16, 16>}, {transform_indices = @transform_8, window_bounds = array<i64: 1, 20, 16, 1024>}, {transform_indices = @transform_9, window_bounds = array<i64: 1, 20, 16, 1024>}, {pipeline_mode = #tpu.pipeline_mode<synchronous>, transform_indices = @transform_10, window_bounds = array<i64: 16, 128>}, {pipeline_mode = #tpu.pipeline_mode<synchronous>, transform_indices = @transform_11, window_bounds = array<i64: 16, 128>}]} {
    %get3A = arith.constant 0 : index
    %get3A_0 = arith.constant 0 : index
    %get3A_1 = vector.load %arg3[%get3A, %get3A_0] : memref<16x128xf32, #tpu.memory_space<vmem>>, vector<16x128xf32>
    %reduce_sum3A = arith.constant dense<0.000000e+00> : vector<16xf32>
    %reduce_sum3A_2 = vector.multi_reduction <add>, %get3A_1, %reduce_sum3A [1] : vector<16x128xf32> to vector<16xf32>
    %broadcast_in_dim3A = vector.shape_cast %reduce_sum3A_2 : vector<16xf32> to vector<16x1xf32>
    %mul3A = arith.constant 1.52587893E-6 : f32
    %mul3A_3 = vector.broadcast %mul3A : f32 to vector<16x1xf32>
    %mul3A_4 = arith.mulf %broadcast_in_dim3A, %mul3A_3 : vector<16x1xf32>
    %get3A_5 = arith.constant 0 : index
    %get3A_6 = arith.constant 0 : index
    %get3A_7 = vector.load %arg4[%get3A_5, %get3A_6] : memref<16x128xf32, #tpu.memory_space<vmem>>, vector<16x128xf32>
    %reduce_sum3A_8 = arith.constant dense<0.000000e+00> : vector<16xf32>
    %reduce_sum3A_9 = vector.multi_reduction <add>, %get3A_7, %reduce_sum3A_8 [1] : vector<16x128xf32> to vector<16xf32>
    %broadcast_in_dim3A_10 = vector.shape_cast %reduce_sum3A_9 : vector<16xf32> to vector<16x1xf32>
    %mul3A_11 = arith.constant 1.52587893E-6 : f32
    %mul3A_12 = vector.broadcast %mul3A_11 : f32 to vector<16x1xf32>
    %mul3A_13 = arith.mulf %broadcast_in_dim3A_10, %mul3A_12 : vector<16x1xf32>
    %mul3A_14 = arith.mulf %mul3A_4, %mul3A_4 : vector<16x1xf32>
    %sub3A = arith.subf %mul3A_13, %mul3A_14 : vector<16x1xf32>
    %add3A = arith.constant 9.99999974E-6 : f32
    %add3A_15 = vector.broadcast %add3A : f32 to vector<16x1xf32>
    %add3A_16 = arith.addf %sub3A, %add3A_15 : vector<16x1xf32>
    %rsqrt3A = math.rsqrt %add3A_16 : vector<16x1xf32>
    %get3A_17 = arith.constant 0 : index
    %get3A_18 = arith.constant 0 : index
    %get3A_19 = vector.load %arg5[%get3A_17, %get3A_18] : memref<16x1xf32, #tpu.memory_space<vmem>>, vector<16x1xf32>
    %mul3A_20 = arith.mulf %get3A_19, %rsqrt3A : vector<16x1xf32>
    %get3A_21 = arith.constant 0 : index
    %get3A_22 = arith.constant 0 : index
    %get3A_23 = vector.load %arg6[%get3A_21, %get3A_22] : memref<16x1xf32, #tpu.memory_space<vmem>>, vector<16x1xf32>
    %mul3A_24 = arith.mulf %mul3A_4, %mul3A_20 : vector<16x1xf32>
    %sub3A_25 = arith.subf %get3A_23, %mul3A_24 : vector<16x1xf32>
    %broadcast_in_dim3A_26 = arith.constant 0xFF800000 : f32
    %broadcast_in_dim3A_27 = vector.broadcast %broadcast_in_dim3A_26 : f32 to vector<16x1024xf32>
    %scan3A = arith.constant 0 : i32
    %scan3A_28 = arith.constant 20 : i32
    %scan3A_29 = arith.addi %scan3A, %scan3A_28 : i32
    %scan3A_30 = arith.constant 1 : i32
    %scan3A_31 = scf.for %scan3A_90 = %scan3A to %scan3A_29 step %scan3A_30 iter_args(%scan3A_91 = %broadcast_in_dim3A_27) -> (vector<16x1024xf32>)  : i32 {
      %get3A_92 = arith.constant 0 : index
      %get3A_93 = arith.index_cast %scan3A_90 : i32 to index
      %get3A_94 = arith.constant 0 : index
      %get3A_95 = arith.constant 0 : index
      %get3A_96 = vector.load %arg1[%get3A_92, %get3A_93, %get3A_94, %get3A_95] : memref<1x20x16x1024xf32, #tpu.memory_space<vmem>>, vector<1x1x16x1024xf32>
      %get3A_97 = vector.shape_cast %get3A_96 : vector<1x1x16x1024xf32> to vector<16x1024xf32>
      %mul3A_98 = vector.broadcast %mul3A_20 : vector<16x1xf32> to vector<16x1024xf32>
      %mul3A_99 = arith.mulf %get3A_97, %mul3A_98 : vector<16x1024xf32>
      %add3A_100 = vector.broadcast %sub3A_25 : vector<16x1xf32> to vector<16x1024xf32>
      %add3A_101 = arith.addf %mul3A_99, %add3A_100 : vector<16x1024xf32>
      %ge3A = arith.constant 0.000000e+00 : f32
      %ge3A_102 = vector.broadcast %ge3A : f32 to vector<16x1024xf32>
      %ge3A_103 = arith.cmpf oge, %add3A_101, %ge3A_102 : vector<16x1024xf32>
      %mul3A_104 = arith.constant 2.000000e-01 : f32
      %mul3A_105 = vector.broadcast %mul3A_104 : f32 to vector<16x1024xf32>
      %mul3A_106 = arith.mulf %mul3A_105, %add3A_101 : vector<16x1024xf32>
      %select_n3A = arith.select %ge3A_103, %add3A_101, %mul3A_106 : vector<16x1024xi1>, vector<16x1024xf32>
      %get3A_107 = arith.constant 0 : index
      %get3A_108 = arith.index_cast %scan3A_90 : i32 to index
      %get3A_109 = arith.constant 0 : index
      %get3A_110 = arith.constant 0 : index
      %get3A_111 = vector.load %arg2[%get3A_107, %get3A_108, %get3A_109, %get3A_110] : memref<1x20x16x1024xf32, #tpu.memory_space<vmem>>, vector<1x1x16x1024xf32>
      %get3A_112 = vector.shape_cast %get3A_111 : vector<1x1x16x1024xf32> to vector<16x1024xf32>
      %add3A_113 = arith.addf %select_n3A, %get3A_112 : vector<16x1024xf32>
      %swap3A_114 = arith.constant 0 : index
      %swap3A_115 = arith.index_cast %scan3A_90 : i32 to index
      %swap3A_116 = arith.constant 0 : index
      %swap3A_117 = arith.constant 0 : index
      %swap3A_118 = vector.load %arg9[%swap3A_114, %swap3A_115, %swap3A_116, %swap3A_117] : memref<1x20x16x1024xf32, #tpu.memory_space<vmem>>, vector<1x1x16x1024xf32>
      %swap3A_119 = vector.shape_cast %swap3A_118 : vector<1x1x16x1024xf32> to vector<16x1024xf32>
      %swap3A_120 = vector.shape_cast %add3A_113 : vector<16x1024xf32> to vector<1x1x16x1024xf32>
      tpu.vector_store %arg9[%swap3A_114, %swap3A_115, %swap3A_116, %swap3A_117], %swap3A_120 {strides = array<i32>} : memref<1x20x16x1024xf32, #tpu.memory_space<vmem>>, vector<1x1x16x1024xf32>,
      %max3A = arith.maximumf %scan3A_91, %add3A_113 : vector<16x1024xf32>
      scf.yield %max3A : vector<16x1024xf32>
    }
    %scan3A_32 = arith.constant 20 : i32
    %dot_general3A = arith.constant dense<0.000000e+00> : vector<1024x1024xf32>
    %dot_general3A_33 = tpu.matmul %scan3A_31, %scan3A_31, %dot_general3A {dimension_numbers = #tpu.dot_dimension_numbers<[0], [0], [1], [1], [0, 1, 1, 1], [], []>, precision = #tpu.contract_precision<fp32>, transpose_lhs_hint = false} : vector<16x1024xf32>, vector<16x1024xf32>, vector<1024x1024xf32> -> vector<1024x1024xf32>
    %mul3A_34 = arith.mulf %scan3A_31, %scan3A_31 : vector<16x1024xf32>
    %broadcast_in_dim3A_35 = arith.constant 1.000000e+00 : f32
    %broadcast_in_dim3A_36 = vector.broadcast %broadcast_in_dim3A_35 : f32 to vector<16x8xf32>
    %dot_general3A_37 = arith.constant dense<0.000000e+00> : vector<1024x8xf32>
    %dot_general3A_38 = tpu.matmul %mul3A_34, %broadcast_in_dim3A_36, %dot_general3A_37 {dimension_numbers = #tpu.dot_dimension_numbers<[0], [0], [1], [1], [0, 1, 1, 1], [], []>, precision = #tpu.contract_precision<fp32>, transpose_lhs_hint = false} : vector<16x1024xf32>, vector<16x8xf32>, vector<1024x8xf32> -> vector<1024x8xf32>
    %mul3A_39 = arith.constant 2.000000e+00 : f32
    %mul3A_40 = vector.broadcast %mul3A_39 : f32 to vector<1024x1024xf32>
    %mul3A_41 = arith.mulf %mul3A_40, %dot_general3A_33 : vector<1024x1024xf32>
    %slice3A = vector.extract_strided_slice %dot_general3A_38 {offsets = [0, 0], sizes = [1024, 1], strides = [1, 1]} : vector<1024x8xf32> to vector<1024x1xf32>
    %sub3A_42 = vector.broadcast %slice3A : vector<1024x1xf32> to vector<1024x1024xf32>
    %sub3A_43 = arith.subf %mul3A_41, %sub3A_42 : vector<1024x1024xf32>
    %swap3A = arith.constant 0 : index
    %swap3A_44 = arith.constant 0 : index
    %swap3A_45 = vector.load %arg13[%swap3A, %swap3A_44] : memref<1024x1024xf32, #tpu.memory_space<vmem>>, vector<1024x1024xf32>
    tpu.vector_store %arg13[%swap3A, %swap3A_44], %sub3A_43 {strides = array<i32>} : memref<1024x1024xf32, #tpu.memory_space<vmem>>, vector<1024x1024xf32>,
    %get3A_46 = arith.constant 0 : index
    %get3A_47 = arith.constant 0 : index
    %get3A_48 = vector.load %arg7[%get3A_46, %get3A_47] : memref<16x16xf32, #tpu.memory_space<vmem>>, vector<16x16xf32>
    %dot_general3A_49 = arith.constant dense<0.000000e+00> : vector<16x1024xf32>
    %dot_general3A_50 = tpu.matmul %get3A_48, %scan3A_31, %dot_general3A_49 {dimension_numbers = #tpu.dot_dimension_numbers<[1], [0], [0], [1], [0, 0, 1, 1], [], []>, precision = #tpu.contract_precision<fp32>, transpose_lhs_hint = false} : vector<16x16xf32>, vector<16x1024xf32>, vector<16x1024xf32> -> vector<16x1024xf32>
    %get3A_51 = arith.constant 0 : index
    %get3A_52 = arith.constant 0 : index
    %get3A_53 = vector.load %arg8[%get3A_51, %get3A_52] : memref<16x16xf32, #tpu.memory_space<vmem>>, vector<16x16xf32>
    %dot_general3A_54 = arith.constant dense<0.000000e+00> : vector<16x1024xf32>
    %dot_general3A_55 = tpu.matmul %get3A_53, %scan3A_31, %dot_general3A_54 {dimension_numbers = #tpu.dot_dimension_numbers<[1], [0], [0], [1], [0, 0, 1, 1], [], []>, precision = #tpu.contract_precision<fp32>, transpose_lhs_hint = false} : vector<16x16xf32>, vector<16x1024xf32>, vector<16x1024xf32> -> vector<16x1024xf32>
    %iota3A = tpu.iota {dimensions = array<i32: 0>} : vector<1024x1024xi32>
    %get3A_56 = arith.constant 0 : index
    %get3A_57 = arith.constant 0 : index
    %get3A_58 = vector.load %arg13[%get3A_56, %get3A_57] : memref<1024x1024xf32, #tpu.memory_space<vmem>>, vector<1024x1024xf32>
    %reduce_max3A = arith.constant dense<0xFF800000> : vector<1024xf32>
    %reduce_max3A_59 = vector.multi_reduction <maximumf>, %get3A_58, %reduce_max3A [0] : vector<1024x1024xf32> to vector<1024xf32>
    %broadcast_in_dim3A_60 = vector.shape_cast %reduce_max3A_59 : vector<1024xf32> to vector<1x1024xf32>
    %broadcast_in_dim3A_61 = arith.constant 0.000000e+00 : f32
    %broadcast_in_dim3A_62 = vector.broadcast %broadcast_in_dim3A_61 : f32 to vector<16x1024xf32>
    %scan3A_63 = arith.constant 0 : i32
    %scan3A_64 = arith.constant 20 : i32
    %scan3A_65 = arith.addi %scan3A_63, %scan3A_64 : i32
    %scan3A_66 = arith.constant 2 : i32
    %scan3A_67:3 = scf.for %scan3A_90 = %scan3A_63 to %scan3A_65 step %scan3A_66 iter_args(%scan3A_91 = %broadcast_in_dim3A_62, %scan3A_92 = %broadcast_in_dim3A_62, %scan3A_93 = %broadcast_in_dim3A_60) -> (vector<16x1024xf32>, vector<16x1024xf32>, vector<1x1024xf32>)  : i32 {
      %get3A_94 = arith.constant 0 : index
      %get3A_95 = arith.constant 0 : index
      %get3A_96 = vector.load %arg13[%get3A_94, %get3A_95] : memref<1024x1024xf32, #tpu.memory_space<vmem>>, vector<1024x1024xf32>
      %eq3A_97 = vector.broadcast %scan3A_93 : vector<1x1024xf32> to vector<1024x1024xf32>
      %eq3A_98 = arith.cmpf oeq, %get3A_96, %eq3A_97 : vector<1024x1024xf32>
      %jit3A = arith.constant 1024 : i32
      %broadcast_in_dim3A_99 = vector.broadcast %jit3A : i32 to vector<1024x1024xi32>
      %select_n3A = arith.select %eq3A_98, %iota3A, %broadcast_in_dim3A_99 : vector<1024x1024xi1>, vector<1024x1024xi32>
      %reduce_min3A = arith.constant dense<2147483647> : vector<1024xi32>
      %reduce_min3A_100 = vector.multi_reduction <minsi>, %select_n3A, %reduce_min3A [0] : vector<1024x1024xi32> to vector<1024xi32>
      %broadcast_in_dim3A_101 = vector.shape_cast %reduce_min3A_100 : vector<1024xi32> to vector<1x1024xi32>
      %lt3A = vector.broadcast %scan3A_93 : vector<1x1024xf32> to vector<1024x1024xf32>
      %lt3A_102 = arith.cmpf olt, %get3A_96, %lt3A : vector<1024x1024xf32>
      %jit3A_103 = arith.constant 0xFF800000 : f32
      %broadcast_in_dim3A_104 = vector.broadcast %jit3A_103 : f32 to vector<1024x1024xf32>
      %select_n3A_105 = arith.select %lt3A_102, %get3A_96, %broadcast_in_dim3A_104 : vector<1024x1024xi1>, vector<1024x1024xf32>
      %reduce_max3A_106 = arith.constant dense<0xFF800000> : vector<1024xf32>
      %reduce_max3A_107 = vector.multi_reduction <maximumf>, %select_n3A_105, %reduce_max3A_106 [0] : vector<1024x1024xf32> to vector<1024xf32>
      %broadcast_in_dim3A_108 = vector.shape_cast %reduce_max3A_107 : vector<1024xf32> to vector<1x1024xf32>
      %broadcast_in_dim3A_109 = vector.shape_cast %broadcast_in_dim3A_101 : vector<1x1024xi32> to vector<1x1024xi32>
      %broadcast_in_dim3A_110 = vector.broadcast %broadcast_in_dim3A_109 : vector<1x1024xi32> to vector<16x1024xi32>
      %and3A = arith.constant 127 : i32
      %and3A_111 = vector.broadcast %and3A : i32 to vector<16x1024xi32>
      %and3A_112 = arith.andi %broadcast_in_dim3A_110, %and3A_111 : vector<16x1024xi32>
      %shift_right_arithmetic3A = arith.constant 7 : i32
      %shift_right_arithmetic3A_113 = vector.broadcast %shift_right_arithmetic3A : i32 to vector<16x1024xi32>
      %shift_right_arithmetic3A_114 = arith.shrsi %broadcast_in_dim3A_110, %shift_right_arithmetic3A_113 : vector<16x1024xi32>
      %broadcast_in_dim3A_115 = arith.constant 0.000000e+00 : f32
      %broadcast_in_dim3A_116 = vector.broadcast %broadcast_in_dim3A_115 : f32 to vector<16x1024xf32>
      %slice3A_117 = vector.extract_strided_slice %dot_general3A_50 {offsets = [0, 0], sizes = [16, 128], strides = [1, 1]} : vector<16x1024xf32> to vector<16x128xf32>
      %lt3A_118 = arith.constant 0 : i32
      %lt3A_119 = vector.broadcast %lt3A_118 : i32 to vector<16x1024xi32>
      %lt3A_120 = arith.cmpi slt, %and3A_112, %lt3A_119 : vector<16x1024xi32>
      %add3A_121 = arith.constant 128 : i32
      %add3A_122 = vector.broadcast %add3A_121 : i32 to vector<16x1024xi32>
      %add3A_123 = arith.addi %and3A_112, %add3A_122 : vector<16x1024xi32>
      %select_n3A_124 = arith.select %lt3A_120, %add3A_123, %and3A_112 : vector<16x1024xi1>, vector<16x1024xi32>
      %reshape3A_125 = vector.shape_cast %select_n3A_124 : vector<16x1024xi32> to vector<16x1024x1xi32>
      %gather3A = vector.shape_cast %reshape3A_125 : vector<16x1024x1xi32> to vector<16x1024xi32>
      %gather3A_126 = tpu.dynamic_gather %slice3A_117[%gather3A] in [1] : vector<16x128xf32>, vector<16x1024xi32> -> vector<16x1024xf32>
      %eq3A_127 = arith.constant 0 : i32
      %eq3A_128 = vector.broadcast %eq3A_127 : i32 to vector<16x1024xi32>
      %eq3A_129 = arith.cmpi eq, %shift_right_arithmetic3A_114, %eq3A_128 : vector<16x1024xi32>
      %select_n3A_130 = arith.select %eq3A_129, %gather3A_126, %broadcast_in_dim3A_116 : vector<16x1024xi1>, vector<16x1024xf32>
      %slice3A_131 = vector.extract_strided_slice %dot_general3A_50 {offsets = [0, 128], sizes = [16, 128], strides = [1, 1]} : vector<16x1024xf32> to vector<16x128xf32>
      %lt3A_132 = arith.constant 0 : i32
      %lt3A_133 = vector.broadcast %lt3A_132 : i32 to vector<16x1024xi32>
      %lt3A_134 = arith.cmpi slt, %and3A_112, %lt3A_133 : vector<16x1024xi32>
      %add3A_135 = arith.constant 128 : i32
      %add3A_136 = vector.broadcast %add3A_135 : i32 to vector<16x1024xi32>
      %add3A_137 = arith.addi %and3A_112, %add3A_136 : vector<16x1024xi32>
      %select_n3A_138 = arith.select %lt3A_134, %add3A_137, %and3A_112 : vector<16x1024xi1>, vector<16x1024xi32>
      %reshape3A_139 = vector.shape_cast %select_n3A_138 : vector<16x1024xi32> to vector<16x1024x1xi32>
      %gather3A_140 = vector.shape_cast %reshape3A_139 : vector<16x1024x1xi32> to vector<16x1024xi32>
      %gather3A_141 = tpu.dynamic_gather %slice3A_131[%gather3A_140] in [1] : vector<16x128xf32>, vector<16x1024xi32> -> vector<16x1024xf32>
      %eq3A_142 = arith.constant 1 : i32
      %eq3A_143 = vector.broadcast %eq3A_142 : i32 to vector<16x1024xi32>
      %eq3A_144 = arith.cmpi eq, %shift_right_arithmetic3A_114, %eq3A_143 : vector<16x1024xi32>
      %select_n3A_145 = arith.select %eq3A_144, %gather3A_141, %select_n3A_130 : vector<16x1024xi1>, vector<16x1024xf32>
      %slice3A_146 = vector.extract_strided_slice %dot_general3A_50 {offsets = [0, 256], sizes = [16, 128], strides = [1, 1]} : vector<16x1024xf32> to vector<16x128xf32>
      %lt3A_147 = arith.constant 0 : i32
      %lt3A_148 = vector.broadcast %lt3A_147 : i32 to vector<16x1024xi32>
      %lt3A_149 = arith.cmpi slt, %and3A_112, %lt3A_148 : vector<16x1024xi32>
      %add3A_150 = arith.constant 128 : i32
      %add3A_151 = vector.broadcast %add3A_150 : i32 to vector<16x1024xi32>
      %add3A_152 = arith.addi %and3A_112, %add3A_151 : vector<16x1024xi32>
      %select_n3A_153 = arith.select %lt3A_149, %add3A_152, %and3A_112 : vector<16x1024xi1>, vector<16x1024xi32>
      %reshape3A_154 = vector.shape_cast %select_n3A_153 : vector<16x1024xi32> to vector<16x1024x1xi32>
      %gather3A_155 = vector.shape_cast %reshape3A_154 : vector<16x1024x1xi32> to vector<16x1024xi32>
      %gather3A_156 = tpu.dynamic_gather %slice3A_146[%gather3A_155] in [1] : vector<16x128xf32>, vector<16x1024xi32> -> vector<16x1024xf32>
      %eq3A_157 = arith.constant 2 : i32
      %eq3A_158 = vector.broadcast %eq3A_157 : i32 to vector<16x1024xi32>
      %eq3A_159 = arith.cmpi eq, %shift_right_arithmetic3A_114, %eq3A_158 : vector<16x1024xi32>
      %select_n3A_160 = arith.select %eq3A_159, %gather3A_156, %select_n3A_145 : vector<16x1024xi1>, vector<16x1024xf32>
      %slice3A_161 = vector.extract_strided_slice %dot_general3A_50 {offsets = [0, 384], sizes = [16, 128], strides = [1, 1]} : vector<16x1024xf32> to vector<16x128xf32>
      %lt3A_162 = arith.constant 0 : i32
      %lt3A_163 = vector.broadcast %lt3A_162 : i32 to vector<16x1024xi32>
      %lt3A_164 = arith.cmpi slt, %and3A_112, %lt3A_163 : vector<16x1024xi32>
      %add3A_165 = arith.constant 128 : i32
      %add3A_166 = vector.broadcast %add3A_165 : i32 to vector<16x1024xi32>
      %add3A_167 = arith.addi %and3A_112, %add3A_166 : vector<16x1024xi32>
      %select_n3A_168 = arith.select %lt3A_164, %add3A_167, %and3A_112 : vector<16x1024xi1>, vector<16x1024xi32>
      %reshape3A_169 = vector.shape_cast %select_n3A_168 : vector<16x1024xi32> to vector<16x1024x1xi32>
      %gather3A_170 = vector.shape_cast %reshape3A_169 : vector<16x1024x1xi32> to vector<16x1024xi32>
      %gather3A_171 = tpu.dynamic_gather %slice3A_161[%gather3A_170] in [1] : vector<16x128xf32>, vector<16x1024xi32> -> vector<16x1024xf32>
      %eq3A_172 = arith.constant 3 : i32
      %eq3A_173 = vector.broadcast %eq3A_172 : i32 to vector<16x1024xi32>
      %eq3A_174 = arith.cmpi eq, %shift_right_arithmetic3A_114, %eq3A_173 : vector<16x1024xi32>
      %select_n3A_175 = arith.select %eq3A_174, %gather3A_171, %select_n3A_160 : vector<16x1024xi1>, vector<16x1024xf32>
      %slice3A_176 = vector.extract_strided_slice %dot_general3A_50 {offsets = [0, 512], sizes = [16, 128], strides = [1, 1]} : vector<16x1024xf32> to vector<16x128xf32>
      %lt3A_177 = arith.constant 0 : i32
      %lt3A_178 = vector.broadcast %lt3A_177 : i32 to vector<16x1024xi32>
      %lt3A_179 = arith.cmpi slt, %and3A_112, %lt3A_178 : vector<16x1024xi32>
      %add3A_180 = arith.constant 128 : i32
      %add3A_181 = vector.broadcast %add3A_180 : i32 to vector<16x1024xi32>
      %add3A_182 = arith.addi %and3A_112, %add3A_181 : vector<16x1024xi32>
      %select_n3A_183 = arith.select %lt3A_179, %add3A_182, %and3A_112 : vector<16x1024xi1>, vector<16x1024xi32>
      %reshape3A_184 = vector.shape_cast %select_n3A_183 : vector<16x1024xi32> to vector<16x1024x1xi32>
      %gather3A_185 = vector.shape_cast %reshape3A_184 : vector<16x1024x1xi32> to vector<16x1024xi32>
      %gather3A_186 = tpu.dynamic_gather %slice3A_176[%gather3A_185] in [1] : vector<16x128xf32>, vector<16x1024xi32> -> vector<16x1024xf32>
      %eq3A_187 = arith.constant 4 : i32
      %eq3A_188 = vector.broadcast %eq3A_187 : i32 to vector<16x1024xi32>
      %eq3A_189 = arith.cmpi eq, %shift_right_arithmetic3A_114, %eq3A_188 : vector<16x1024xi32>
      %select_n3A_190 = arith.select %eq3A_189, %gather3A_186, %select_n3A_175 : vector<16x1024xi1>, vector<16x1024xf32>
      %slice3A_191 = vector.extract_strided_slice %dot_general3A_50 {offsets = [0, 640], sizes = [16, 128], strides = [1, 1]} : vector<16x1024xf32> to vector<16x128xf32>
      %lt3A_192 = arith.constant 0 : i32
      %lt3A_193 = vector.broadcast %lt3A_192 : i32 to vector<16x1024xi32>
      %lt3A_194 = arith.cmpi slt, %and3A_112, %lt3A_193 : vector<16x1024xi32>
      %add3A_195 = arith.constant 128 : i32
      %add3A_196 = vector.broadcast %add3A_195 : i32 to vector<16x1024xi32>
      %add3A_197 = arith.addi %and3A_112, %add3A_196 : vector<16x1024xi32>
      %select_n3A_198 = arith.select %lt3A_194, %add3A_197, %and3A_112 : vector<16x1024xi1>, vector<16x1024xi32>
      %reshape3A_199 = vector.shape_cast %select_n3A_198 : vector<16x1024xi32> to vector<16x1024x1xi32>
      %gather3A_200 = vector.shape_cast %reshape3A_199 : vector<16x1024x1xi32> to vector<16x1024xi32>
      %gather3A_201 = tpu.dynamic_gather %slice3A_191[%gather3A_200] in [1] : vector<16x128xf32>, vector<16x1024xi32> -> vector<16x1024xf32>
      %eq3A_202 = arith.constant 5 : i32
      %eq3A_203 = vector.broadcast %eq3A_202 : i32 to vector<16x1024xi32>
      %eq3A_204 = arith.cmpi eq, %shift_right_arithmetic3A_114, %eq3A_203 : vector<16x1024xi32>
      %select_n3A_205 = arith.select %eq3A_204, %gather3A_201, %select_n3A_190 : vector<16x1024xi1>, vector<16x1024xf32>
      %slice3A_206 = vector.extract_strided_slice %dot_general3A_50 {offsets = [0, 768], sizes = [16, 128], strides = [1, 1]} : vector<16x1024xf32> to vector<16x128xf32>
      %lt3A_207 = arith.constant 0 : i32
      %lt3A_208 = vector.broadcast %lt3A_207 : i32 to vector<16x1024xi32>
      %lt3A_209 = arith.cmpi slt, %and3A_112, %lt3A_208 : vector<16x1024xi32>
      %add3A_210 = arith.constant 128 : i32
      %add3A_211 = vector.broadcast %add3A_210 : i32 to vector<16x1024xi32>
      %add3A_212 = arith.addi %and3A_112, %add3A_211 : vector<16x1024xi32>
      %select_n3A_213 = arith.select %lt3A_209, %add3A_212, %and3A_112 : vector<16x1024xi1>, vector<16x1024xi32>
      %reshape3A_214 = vector.shape_cast %select_n3A_213 : vector<16x1024xi32> to vector<16x1024x1xi32>
      %gather3A_215 = vector.shape_cast %reshape3A_214 : vector<16x1024x1xi32> to vector<16x1024xi32>
      %gather3A_216 = tpu.dynamic_gather %slice3A_206[%gather3A_215] in [1] : vector<16x128xf32>, vector<16x1024xi32> -> vector<16x1024xf32>
      %eq3A_217 = arith.constant 6 : i32
      %eq3A_218 = vector.broadcast %eq3A_217 : i32 to vector<16x1024xi32>
      %eq3A_219 = arith.cmpi eq, %shift_right_arithmetic3A_114, %eq3A_218 : vector<16x1024xi32>
      %select_n3A_220 = arith.select %eq3A_219, %gather3A_216, %select_n3A_205 : vector<16x1024xi1>, vector<16x1024xf32>
      %slice3A_221 = vector.extract_strided_slice %dot_general3A_50 {offsets = [0, 896], sizes = [16, 128], strides = [1, 1]} : vector<16x1024xf32> to vector<16x128xf32>
      %lt3A_222 = arith.constant 0 : i32
      %lt3A_223 = vector.broadcast %lt3A_222 : i32 to vector<16x1024xi32>
      %lt3A_224 = arith.cmpi slt, %and3A_112, %lt3A_223 : vector<16x1024xi32>
      %add3A_225 = arith.constant 128 : i32
      %add3A_226 = vector.broadcast %add3A_225 : i32 to vector<16x1024xi32>
      %add3A_227 = arith.addi %and3A_112, %add3A_226 : vector<16x1024xi32>
      %select_n3A_228 = arith.select %lt3A_224, %add3A_227, %and3A_112 : vector<16x1024xi1>, vector<16x1024xi32>
      %reshape3A_229 = vector.shape_cast %select_n3A_228 : vector<16x1024xi32> to vector<16x1024x1xi32>
      %gather3A_230 = vector.shape_cast %reshape3A_229 : vector<16x1024x1xi32> to vector<16x1024xi32>
      %gather3A_231 = tpu.dynamic_gather %slice3A_221[%gather3A_230] in [1] : vector<16x128xf32>, vector<16x1024xi32> -> vector<16x1024xf32>
      %eq3A_232 = arith.constant 7 : i32
      %eq3A_233 = vector.broadcast %eq3A_232 : i32 to vector<16x1024xi32>
      %eq3A_234 = arith.cmpi eq, %shift_right_arithmetic3A_114, %eq3A_233 : vector<16x1024xi32>
      %select_n3A_235 = arith.select %eq3A_234, %gather3A_231, %select_n3A_220 : vector<16x1024xi1>, vector<16x1024xf32>
      %add3A_236 = arith.addf %select_n3A_235, %dot_general3A_55 : vector<16x1024xf32>
      %swap3A_237 = arith.constant 0 : index
      %swap3A_238 = arith.index_cast %scan3A_90 : i32 to index
      %swap3A_239 = arith.constant 0 : index
      %swap3A_240 = arith.constant 0 : index
      %swap3A_241 = vector.load %arg10[%swap3A_237, %swap3A_238, %swap3A_239, %swap3A_240] : memref<1x20x16x1024xf32, #tpu.memory_space<vmem>>, vector<1x1x16x1024xf32>
      %swap3A_242 = vector.shape_cast %swap3A_241 : vector<1x1x16x1024xf32> to vector<16x1024xf32>
      %swap3A_243 = vector.shape_cast %add3A_236 : vector<16x1024xf32> to vector<1x1x16x1024xf32>
      tpu.vector_store %arg10[%swap3A_237, %swap3A_238, %swap3A_239, %swap3A_240], %swap3A_243 {strides = array<i32>} : memref<1x20x16x1024xf32, #tpu.memory_space<vmem>>, vector<1x1x16x1024xf32>,
      %add3A_244 = arith.addf %scan3A_91, %add3A_236 : vector<16x1024xf32>
      %mul3A_245 = arith.mulf %add3A_236, %add3A_236 : vector<16x1024xf32>
      %add3A_246 = arith.addf %scan3A_92, %mul3A_245 : vector<16x1024xf32>
      %scan3A_247 = arith.constant 1 : i32
      %scan3A_248 = arith.addi %scan3A_90, %scan3A_247 : i32
      %get3A_249 = arith.constant 0 : index
      %get3A_250 = arith.constant 0 : index
      %get3A_251 = vector.load %arg13[%get3A_249, %get3A_250] : memref<1024x1024xf32, #tpu.memory_space<vmem>>, vector<1024x1024xf32>
      %eq3A_252 = vector.broadcast %broadcast_in_dim3A_108 : vector<1x1024xf32> to vector<1024x1024xf32>
      %eq3A_253 = arith.cmpf oeq, %get3A_251, %eq3A_252 : vector<1024x1024xf32>
      %jit3A_254 = arith.constant 1024 : i32
      %broadcast_in_dim3A_255 = vector.broadcast %jit3A_254 : i32 to vector<1024x1024xi32>
      %select_n3A_256 = arith.select %eq3A_253, %iota3A, %broadcast_in_dim3A_255 : vector<1024x1024xi1>, vector<1024x1024xi32>
      %reduce_min3A_257 = arith.constant dense<2147483647> : vector<1024xi32>
      %reduce_min3A_258 = vector.multi_reduction <minsi>, %select_n3A_256, %reduce_min3A_257 [0] : vector<1024x1024xi32> to vector<1024xi32>
      %broadcast_in_dim3A_259 = vector.shape_cast %reduce_min3A_258 : vector<1024xi32> to vector<1x1024xi32>
      %lt3A_260 = vector.broadcast %broadcast_in_dim3A_108 : vector<1x1024xf32> to vector<1024x1024xf32>
      %lt3A_261 = arith.cmpf olt, %get3A_251, %lt3A_260 : vector<1024x1024xf32>
      %jit3A_262 = arith.constant 0xFF800000 : f32
      %broadcast_in_dim3A_263 = vector.broadcast %jit3A_262 : f32 to vector<1024x1024xf32>
      %select_n3A_264 = arith.select %lt3A_261, %get3A_251, %broadcast_in_dim3A_263 : vector<1024x1024xi1>, vector<1024x1024xf32>
      %reduce_max3A_265 = arith.constant dense<0xFF800000> : vector<1024xf32>
      %reduce_max3A_266 = vector.multi_reduction <maximumf>, %select_n3A_264, %reduce_max3A_265 [0] : vector<1024x1024xf32> to vector<1024xf32>
      %broadcast_in_dim3A_267 = vector.shape_cast %reduce_max3A_266 : vector<1024xf32> to vector<1x1024xf32>
      %broadcast_in_dim3A_268 = vector.shape_cast %broadcast_in_dim3A_259 : vector<1x1024xi32> to vector<1x1024xi32>
      %broadcast_in_dim3A_269 = vector.broadcast %broadcast_in_dim3A_268 : vector<1x1024xi32> to vector<16x1024xi32>
      %and3A_270 = arith.constant 127 : i32
      %and3A_271 = vector.broadcast %and3A_270 : i32 to vector<16x1024xi32>
      %and3A_272 = arith.andi %broadcast_in_dim3A_269, %and3A_271 : vector<16x1024xi32>
      %shift_right_arithmetic3A_273 = arith.constant 7 : i32
      %shift_right_arithmetic3A_274 = vector.broadcast %shift_right_arithmetic3A_273 : i32 to vector<16x1024xi32>
      %shift_right_arithmetic3A_275 = arith.shrsi %broadcast_in_dim3A_269, %shift_right_arithmetic3A_274 : vector<16x1024xi32>
      %broadcast_in_dim3A_276 = arith.constant 0.000000e+00 : f32
      %broadcast_in_dim3A_277 = vector.broadcast %broadcast_in_dim3A_276 : f32 to vector<16x1024xf32>
      %slice3A_278 = vector.extract_strided_slice %dot_general3A_50 {offsets = [0, 0], sizes = [16, 128], strides = [1, 1]} : vector<16x1024xf32> to vector<16x128xf32>
      %lt3A_279 = arith.constant 0 : i32
      %lt3A_280 = vector.broadcast %lt3A_279 : i32 to vector<16x1024xi32>
      %lt3A_281 = arith.cmpi slt, %and3A_272, %lt3A_280 : vector<16x1024xi32>
      %add3A_282 = arith.constant 128 : i32
      %add3A_283 = vector.broadcast %add3A_282 : i32 to vector<16x1024xi32>
      %add3A_284 = arith.addi %and3A_272, %add3A_283 : vector<16x1024xi32>
      %select_n3A_285 = arith.select %lt3A_281, %add3A_284, %and3A_272 : vector<16x1024xi1>, vector<16x1024xi32>
      %reshape3A_286 = vector.shape_cast %select_n3A_285 : vector<16x1024xi32> to vector<16x1024x1xi32>
      %gather3A_287 = vector.shape_cast %reshape3A_286 : vector<16x1024x1xi32> to vector<16x1024xi32>
      %gather3A_288 = tpu.dynamic_gather %slice3A_278[%gather3A_287] in [1] : vector<16x128xf32>, vector<16x1024xi32> -> vector<16x1024xf32>
      %eq3A_289 = arith.constant 0 : i32
      %eq3A_290 = vector.broadcast %eq3A_289 : i32 to vector<16x1024xi32>
      %eq3A_291 = arith.cmpi eq, %shift_right_arithmetic3A_275, %eq3A_290 : vector<16x1024xi32>
      %select_n3A_292 = arith.select %eq3A_291, %gather3A_288, %broadcast_in_dim3A_277 : vector<16x1024xi1>, vector<16x1024xf32>
      %slice3A_293 = vector.extract_strided_slice %dot_general3A_50 {offsets = [0, 128], sizes = [16, 128], strides = [1, 1]} : vector<16x1024xf32> to vector<16x128xf32>
      %lt3A_294 = arith.constant 0 : i32
      %lt3A_295 = vector.broadcast %lt3A_294 : i32 to vector<16x1024xi32>
      %lt3A_296 = arith.cmpi slt, %and3A_272, %lt3A_295 : vector<16x1024xi32>
      %add3A_297 = arith.constant 128 : i32
      %add3A_298 = vector.broadcast %add3A_297 : i32 to vector<16x1024xi32>
      %add3A_299 = arith.addi %and3A_272, %add3A_298 : vector<16x1024xi32>
      %select_n3A_300 = arith.select %lt3A_296, %add3A_299, %and3A_272 : vector<16x1024xi1>, vector<16x1024xi32>
      %reshape3A_301 = vector.shape_cast %select_n3A_300 : vector<16x1024xi32> to vector<16x1024x1xi32>
      %gather3A_302 = vector.shape_cast %reshape3A_301 : vector<16x1024x1xi32> to vector<16x1024xi32>
      %gather3A_303 = tpu.dynamic_gather %slice3A_293[%gather3A_302] in [1] : vector<16x128xf32>, vector<16x1024xi32> -> vector<16x1024xf32>
      %eq3A_304 = arith.constant 1 : i32
      %eq3A_305 = vector.broadcast %eq3A_304 : i32 to vector<16x1024xi32>
      %eq3A_306 = arith.cmpi eq, %shift_right_arithmetic3A_275, %eq3A_305 : vector<16x1024xi32>
      %select_n3A_307 = arith.select %eq3A_306, %gather3A_303, %select_n3A_292 : vector<16x1024xi1>, vector<16x1024xf32>
      %slice3A_308 = vector.extract_strided_slice %dot_general3A_50 {offsets = [0, 256], sizes = [16, 128], strides = [1, 1]} : vector<16x1024xf32> to vector<16x128xf32>
      %lt3A_309 = arith.constant 0 : i32
      %lt3A_310 = vector.broadcast %lt3A_309 : i32 to vector<16x1024xi32>
      %lt3A_311 = arith.cmpi slt, %and3A_272, %lt3A_310 : vector<16x1024xi32>
      %add3A_312 = arith.constant 128 : i32
      %add3A_313 = vector.broadcast %add3A_312 : i32 to vector<16x1024xi32>
      %add3A_314 = arith.addi %and3A_272, %add3A_313 : vector<16x1024xi32>
      %select_n3A_315 = arith.select %lt3A_311, %add3A_314, %and3A_272 : vector<16x1024xi1>, vector<16x1024xi32>
      %reshape3A_316 = vector.shape_cast %select_n3A_315 : vector<16x1024xi32> to vector<16x1024x1xi32>
      %gather3A_317 = vector.shape_cast %reshape3A_316 : vector<16x1024x1xi32> to vector<16x1024xi32>
      %gather3A_318 = tpu.dynamic_gather %slice3A_308[%gather3A_317] in [1] : vector<16x128xf32>, vector<16x1024xi32> -> vector<16x1024xf32>
      %eq3A_319 = arith.constant 2 : i32
      %eq3A_320 = vector.broadcast %eq3A_319 : i32 to vector<16x1024xi32>
      %eq3A_321 = arith.cmpi eq, %shift_right_arithmetic3A_275, %eq3A_320 : vector<16x1024xi32>
      %select_n3A_322 = arith.select %eq3A_321, %gather3A_318, %select_n3A_307 : vector<16x1024xi1>, vector<16x1024xf32>
      %slice3A_323 = vector.extract_strided_slice %dot_general3A_50 {offsets = [0, 384], sizes = [16, 128], strides = [1, 1]} : vector<16x1024xf32> to vector<16x128xf32>
      %lt3A_324 = arith.constant 0 : i32
      %lt3A_325 = vector.broadcast %lt3A_324 : i32 to vector<16x1024xi32>
      %lt3A_326 = arith.cmpi slt, %and3A_272, %lt3A_325 : vector<16x1024xi32>
      %add3A_327 = arith.constant 128 : i32
      %add3A_328 = vector.broadcast %add3A_327 : i32 to vector<16x1024xi32>
      %add3A_329 = arith.addi %and3A_272, %add3A_328 : vector<16x1024xi32>
      %select_n3A_330 = arith.select %lt3A_326, %add3A_329, %and3A_272 : vector<16x1024xi1>, vector<16x1024xi32>
      %reshape3A_331 = vector.shape_cast %select_n3A_330 : vector<16x1024xi32> to vector<16x1024x1xi32>
      %gather3A_332 = vector.shape_cast %reshape3A_331 : vector<16x1024x1xi32> to vector<16x1024xi32>
      %gather3A_333 = tpu.dynamic_gather %slice3A_323[%gather3A_332] in [1] : vector<16x128xf32>, vector<16x1024xi32> -> vector<16x1024xf32>
      %eq3A_334 = arith.constant 3 : i32
      %eq3A_335 = vector.broadcast %eq3A_334 : i32 to vector<16x1024xi32>
      %eq3A_336 = arith.cmpi eq, %shift_right_arithmetic3A_275, %eq3A_335 : vector<16x1024xi32>
      %select_n3A_337 = arith.select %eq3A_336, %gather3A_333, %select_n3A_322 : vector<16x1024xi1>, vector<16x1024xf32>
      %slice3A_338 = vector.extract_strided_slice %dot_general3A_50 {offsets = [0, 512], sizes = [16, 128], strides = [1, 1]} : vector<16x1024xf32> to vector<16x128xf32>
      %lt3A_339 = arith.constant 0 : i32
      %lt3A_340 = vector.broadcast %lt3A_339 : i32 to vector<16x1024xi32>
      %lt3A_341 = arith.cmpi slt, %and3A_272, %lt3A_340 : vector<16x1024xi32>
      %add3A_342 = arith.constant 128 : i32
      %add3A_343 = vector.broadcast %add3A_342 : i32 to vector<16x1024xi32>
      %add3A_344 = arith.addi %and3A_272, %add3A_343 : vector<16x1024xi32>
      %select_n3A_345 = arith.select %lt3A_341, %add3A_344, %and3A_272 : vector<16x1024xi1>, vector<16x1024xi32>
      %reshape3A_346 = vector.shape_cast %select_n3A_345 : vector<16x1024xi32> to vector<16x1024x1xi32>
      %gather3A_347 = vector.shape_cast %reshape3A_346 : vector<16x1024x1xi32> to vector<16x1024xi32>
      %gather3A_348 = tpu.dynamic_gather %slice3A_338[%gather3A_347] in [1] : vector<16x128xf32>, vector<16x1024xi32> -> vector<16x1024xf32>
      %eq3A_349 = arith.constant 4 : i32
      %eq3A_350 = vector.broadcast %eq3A_349 : i32 to vector<16x1024xi32>
      %eq3A_351 = arith.cmpi eq, %shift_right_arithmetic3A_275, %eq3A_350 : vector<16x1024xi32>
      %select_n3A_352 = arith.select %eq3A_351, %gather3A_348, %select_n3A_337 : vector<16x1024xi1>, vector<16x1024xf32>
      %slice3A_353 = vector.extract_strided_slice %dot_general3A_50 {offsets = [0, 640], sizes = [16, 128], strides = [1, 1]} : vector<16x1024xf32> to vector<16x128xf32>
      %lt3A_354 = arith.constant 0 : i32
      %lt3A_355 = vector.broadcast %lt3A_354 : i32 to vector<16x1024xi32>
      %lt3A_356 = arith.cmpi slt, %and3A_272, %lt3A_355 : vector<16x1024xi32>
      %add3A_357 = arith.constant 128 : i32
      %add3A_358 = vector.broadcast %add3A_357 : i32 to vector<16x1024xi32>
      %add3A_359 = arith.addi %and3A_272, %add3A_358 : vector<16x1024xi32>
      %select_n3A_360 = arith.select %lt3A_356, %add3A_359, %and3A_272 : vector<16x1024xi1>, vector<16x1024xi32>
      %reshape3A_361 = vector.shape_cast %select_n3A_360 : vector<16x1024xi32> to vector<16x1024x1xi32>
      %gather3A_362 = vector.shape_cast %reshape3A_361 : vector<16x1024x1xi32> to vector<16x1024xi32>
      %gather3A_363 = tpu.dynamic_gather %slice3A_353[%gather3A_362] in [1] : vector<16x128xf32>, vector<16x1024xi32> -> vector<16x1024xf32>
      %eq3A_364 = arith.constant 5 : i32
      %eq3A_365 = vector.broadcast %eq3A_364 : i32 to vector<16x1024xi32>
      %eq3A_366 = arith.cmpi eq, %shift_right_arithmetic3A_275, %eq3A_365 : vector<16x1024xi32>
      %select_n3A_367 = arith.select %eq3A_366, %gather3A_363, %select_n3A_352 : vector<16x1024xi1>, vector<16x1024xf32>
      %slice3A_368 = vector.extract_strided_slice %dot_general3A_50 {offsets = [0, 768], sizes = [16, 128], strides = [1, 1]} : vector<16x1024xf32> to vector<16x128xf32>
      %lt3A_369 = arith.constant 0 : i32
      %lt3A_370 = vector.broadcast %lt3A_369 : i32 to vector<16x1024xi32>
      %lt3A_371 = arith.cmpi slt, %and3A_272, %lt3A_370 : vector<16x1024xi32>
      %add3A_372 = arith.constant 128 : i32
      %add3A_373 = vector.broadcast %add3A_372 : i32 to vector<16x1024xi32>
      %add3A_374 = arith.addi %and3A_272, %add3A_373 : vector<16x1024xi32>
      %select_n3A_375 = arith.select %lt3A_371, %add3A_374, %and3A_272 : vector<16x1024xi1>, vector<16x1024xi32>
      %reshape3A_376 = vector.shape_cast %select_n3A_375 : vector<16x1024xi32> to vector<16x1024x1xi32>
      %gather3A_377 = vector.shape_cast %reshape3A_376 : vector<16x1024x1xi32> to vector<16x1024xi32>
      %gather3A_378 = tpu.dynamic_gather %slice3A_368[%gather3A_377] in [1] : vector<16x128xf32>, vector<16x1024xi32> -> vector<16x1024xf32>
      %eq3A_379 = arith.constant 6 : i32
      %eq3A_380 = vector.broadcast %eq3A_379 : i32 to vector<16x1024xi32>
      %eq3A_381 = arith.cmpi eq, %shift_right_arithmetic3A_275, %eq3A_380 : vector<16x1024xi32>
      %select_n3A_382 = arith.select %eq3A_381, %gather3A_378, %select_n3A_367 : vector<16x1024xi1>, vector<16x1024xf32>
      %slice3A_383 = vector.extract_strided_slice %dot_general3A_50 {offsets = [0, 896], sizes = [16, 128], strides = [1, 1]} : vector<16x1024xf32> to vector<16x128xf32>
      %lt3A_384 = arith.constant 0 : i32
      %lt3A_385 = vector.broadcast %lt3A_384 : i32 to vector<16x1024xi32>
      %lt3A_386 = arith.cmpi slt, %and3A_272, %lt3A_385 : vector<16x1024xi32>
      %add3A_387 = arith.constant 128 : i32
      %add3A_388 = vector.broadcast %add3A_387 : i32 to vector<16x1024xi32>
      %add3A_389 = arith.addi %and3A_272, %add3A_388 : vector<16x1024xi32>
      %select_n3A_390 = arith.select %lt3A_386, %add3A_389, %and3A_272 : vector<16x1024xi1>, vector<16x1024xi32>
      %reshape3A_391 = vector.shape_cast %select_n3A_390 : vector<16x1024xi32> to vector<16x1024x1xi32>
      %gather3A_392 = vector.shape_cast %reshape3A_391 : vector<16x1024x1xi32> to vector<16x1024xi32>
      %gather3A_393 = tpu.dynamic_gather %slice3A_383[%gather3A_392] in [1] : vector<16x128xf32>, vector<16x1024xi32> -> vector<16x1024xf32>
      %eq3A_394 = arith.constant 7 : i32
      %eq3A_395 = vector.broadcast %eq3A_394 : i32 to vector<16x1024xi32>
      %eq3A_396 = arith.cmpi eq, %shift_right_arithmetic3A_275, %eq3A_395 : vector<16x1024xi32>
      %select_n3A_397 = arith.select %eq3A_396, %gather3A_393, %select_n3A_382 : vector<16x1024xi1>, vector<16x1024xf32>
      %add3A_398 = arith.addf %select_n3A_397, %dot_general3A_55 : vector<16x1024xf32>
      %swap3A_399 = arith.constant 0 : index
      %swap3A_400 = arith.index_cast %scan3A_248 : i32 to index
      %swap3A_401 = arith.constant 0 : index
      %swap3A_402 = arith.constant 0 : index
      %swap3A_403 = vector.load %arg10[%swap3A_399, %swap3A_400, %swap3A_401, %swap3A_402] : memref<1x20x16x1024xf32, #tpu.memory_space<vmem>>, vector<1x1x16x1024xf32>
      %swap3A_404 = vector.shape_cast %swap3A_403 : vector<1x1x16x1024xf32> to vector<16x1024xf32>
      %swap3A_405 = vector.shape_cast %add3A_398 : vector<16x1024xf32> to vector<1x1x16x1024xf32>
      tpu.vector_store %arg10[%swap3A_399, %swap3A_400, %swap3A_401, %swap3A_402], %swap3A_405 {strides = array<i32>} : memref<1x20x16x1024xf32, #tpu.memory_space<vmem>>, vector<1x1x16x1024xf32>,
      %add3A_406 = arith.addf %add3A_244, %add3A_398 : vector<16x1024xf32>
      %mul3A_407 = arith.mulf %add3A_398, %add3A_398 : vector<16x1024xf32>
      %add3A_408 = arith.addf %add3A_246, %mul3A_407 : vector<16x1024xf32>
      scf.yield %add3A_406, %add3A_408, %broadcast_in_dim3A_267 : vector<16x1024xf32>, vector<16x1024xf32>, vector<1x1024xf32>
    }
    %scan3A_68 = arith.constant 20 : i32
    %reshape3A = vector.shape_cast %scan3A_67#0 : vector<16x1024xf32> to vector<16x8x128xf32>
    %reduce_sum3A_69 = arith.constant dense<0.000000e+00> : vector<16x128xf32>
    %reduce_sum3A_70 = vector.multi_reduction <add>, %reshape3A, %reduce_sum3A_69 [1] : vector<16x8x128xf32> to vector<16x128xf32>
    %reshape3A_71 = vector.shape_cast %scan3A_67#1 : vector<16x1024xf32> to vector<16x8x128xf32>
    %reduce_sum3A_72 = arith.constant dense<0.000000e+00> : vector<16x128xf32>
    %reduce_sum3A_73 = vector.multi_reduction <add>, %reshape3A_71, %reduce_sum3A_72 [1] : vector<16x8x128xf32> to vector<16x128xf32>
    %eq3A = arith.constant 0 : i32
    %eq3A_74 = arith.cmpi eq, %arg0, %eq3A : i32
    %convert_element_type3A = arith.extui %eq3A_74 : i1 to i32
    %cond3A = arith.constant 0 : i32
    %cond3A_75 = arith.cmpi ne, %convert_element_type3A, %cond3A : i32
    scf.if %cond3A_75 {
      %broadcast_in_dim3A_90 = arith.constant 0.000000e+00 : f32
      %broadcast_in_dim3A_91 = vector.broadcast %broadcast_in_dim3A_90 : f32 to vector<16x128xf32>
      %swap3A_92 = arith.constant 0 : index
      %swap3A_93 = arith.constant 0 : index
      %swap3A_94 = vector.load %arg11[%swap3A_92, %swap3A_93] : memref<16x128xf32, #tpu.memory_space<vmem>>, vector<16x128xf32>
      tpu.vector_store %arg11[%swap3A_92, %swap3A_93], %broadcast_in_dim3A_91 {strides = array<i32>} : memref<16x128xf32, #tpu.memory_space<vmem>>, vector<16x128xf32>,
      %broadcast_in_dim3A_95 = arith.constant 0.000000e+00 : f32
      %broadcast_in_dim3A_96 = vector.broadcast %broadcast_in_dim3A_95 : f32 to vector<16x128xf32>
      %swap3A_97 = arith.constant 0 : index
      %swap3A_98 = arith.constant 0 : index
      %swap3A_99 = vector.load %arg12[%swap3A_97, %swap3A_98] : memref<16x128xf32, #tpu.memory_space<vmem>>, vector<16x128xf32>
      tpu.vector_store %arg12[%swap3A_97, %swap3A_98], %broadcast_in_dim3A_96 {strides = array<i32>} : memref<16x128xf32, #tpu.memory_space<vmem>>, vector<16x128xf32>,
    } else {
    }
    %get3A_76 = arith.constant 0 : index
    %get3A_77 = arith.constant 0 : index
    %get3A_78 = vector.load %arg11[%get3A_76, %get3A_77] : memref<16x128xf32, #tpu.memory_space<vmem>>, vector<16x128xf32>
    %add3A_79 = arith.addf %get3A_78, %reduce_sum3A_70 : vector<16x128xf32>
    %swap3A_80 = arith.constant 0 : index
    %swap3A_81 = arith.constant 0 : index
    %swap3A_82 = vector.load %arg11[%swap3A_80, %swap3A_81] : memref<16x128xf32, #tpu.memory_space<vmem>>, vector<16x128xf32>
    tpu.vector_store %arg11[%swap3A_80, %swap3A_81], %add3A_79 {strides = array<i32>} : memref<16x128xf32, #tpu.memory_space<vmem>>, vector<16x128xf32>,
    %get3A_83 = arith.constant 0 : index
    %get3A_84 = arith.constant 0 : index
    %get3A_85 = vector.load %arg12[%get3A_83, %get3A_84] : memref<16x128xf32, #tpu.memory_space<vmem>>, vector<16x128xf32>
    %add3A_86 = arith.addf %get3A_85, %reduce_sum3A_73 : vector<16x128xf32>
    %swap3A_87 = arith.constant 0 : index
    %swap3A_88 = arith.constant 0 : index
    %swap3A_89 = vector.load %arg12[%swap3A_87, %swap3A_88] : memref<16x128xf32, #tpu.memory_space<vmem>>, vector<16x128xf32>
    tpu.vector_store %arg12[%swap3A_87, %swap3A_88], %add3A_86 {strides = array<i32>} : memref<16x128xf32, #tpu.memory_space<vmem>>, vector<16x128xf32>,
    return
  }
  func.func @transform_0(%arg0: i32) -> (i32, i32, i32, i32) {
    %c0_i32 = arith.constant 0 : i32
    %c0_i32_0 = arith.constant 0 : i32
    %c0_i32_1 = arith.constant 0 : i32
    %c0_i32_2 = arith.constant 0 : i32
    return %arg0, %c0_i32, %c0_i32_0, %c0_i32_1 : i32, i32, i32, i32
  }
  func.func @transform_1(%arg0: i32) -> (i32, i32, i32, i32) {
    %c0_i32 = arith.constant 0 : i32
    %c0_i32_0 = arith.constant 0 : i32
    %c0_i32_1 = arith.constant 0 : i32
    %c0_i32_2 = arith.constant 0 : i32
    return %arg0, %c0_i32, %c0_i32_0, %c0_i32_1 : i32, i32, i32, i32
  }
  func.func @transform_2(%arg0: i32) -> (i32, i32) {
    %c0_i32 = arith.constant 0 : i32
    %c0_i32_0 = arith.constant 0 : i32
    %c0_i32_1 = arith.constant 0 : i32
    return %c0_i32, %c0_i32_0 : i32, i32
  }
  func.func @transform_3(%arg0: i32) -> (i32, i32) {
    %c0_i32 = arith.constant 0 : i32
    %c0_i32_0 = arith.constant 0 : i32
    %c0_i32_1 = arith.constant 0 : i32
    return %c0_i32, %c0_i32_0 : i32, i32
  }
  func.func @transform_4(%arg0: i32) -> (i32, i32) {
    %c0_i32 = arith.constant 0 : i32
    %c0_i32_0 = arith.constant 0 : i32
    %c0_i32_1 = arith.constant 0 : i32
    return %c0_i32, %c0_i32_0 : i32, i32
  }
  func.func @transform_5(%arg0: i32) -> (i32, i32) {
    %c0_i32 = arith.constant 0 : i32
    %c0_i32_0 = arith.constant 0 : i32
    %c0_i32_1 = arith.constant 0 : i32
    return %c0_i32, %c0_i32_0 : i32, i32
  }
  func.func @transform_6(%arg0: i32) -> (i32, i32) {
    %c0_i32 = arith.constant 0 : i32
    %c0_i32_0 = arith.constant 0 : i32
    %c0_i32_1 = arith.constant 0 : i32
    return %c0_i32, %c0_i32_0 : i32, i32
  }
  func.func @transform_7(%arg0: i32) -> (i32, i32) {
    %c0_i32 = arith.constant 0 : i32
    %c0_i32_0 = arith.constant 0 : i32
    %c0_i32_1 = arith.constant 0 : i32
    return %c0_i32, %c0_i32_0 : i32, i32
  }
  func.func @transform_8(%arg0: i32) -> (i32, i32, i32, i32) {
    %c0_i32 = arith.constant 0 : i32
    %c0_i32_0 = arith.constant 0 : i32
    %c0_i32_1 = arith.constant 0 : i32
    %c0_i32_2 = arith.constant 0 : i32
    return %arg0, %c0_i32, %c0_i32_0, %c0_i32_1 : i32, i32, i32, i32
  }
  func.func @transform_9(%arg0: i32) -> (i32, i32, i32, i32) {
    %c0_i32 = arith.constant 0 : i32
    %c0_i32_0 = arith.constant 0 : i32
    %c0_i32_1 = arith.constant 0 : i32
    %c0_i32_2 = arith.constant 0 : i32
    return %arg0, %c0_i32, %c0_i32_0, %c0_i32_1 : i32, i32, i32, i32
  }
  func.func @transform_10(%arg0: i32) -> (i32, i32) {
    %c0_i32 = arith.constant 0 : i32
    %c0_i32_0 = arith.constant 0 : i32
    %c0_i32_1 = arith.constant 0 : i32
    return %c0_i32, %c0_i32_0 : i32, i32
  }
  func.func @transform_11(%arg0: i32) -> (i32, i32) {
    %c0_i32 = arith.constant 0 : i32
    %c0_i32_0 = arith.constant 0 : i32
    %c0_i32_1 = arith.constant 0 : i32
    return %c0_i32, %c0_i32_0 : i32, i32
  }
}

module attributes {stable_mosaic.version = 14 : i64} {
  func.func @_mid_kernel_last(%arg0: i32, %arg1: memref<1x20x16x1024xf32, #tpu.memory_space<vmem>>, %arg2: memref<1x20x16x1024xf32, #tpu.memory_space<vmem>>, %arg3: memref<16x128xf32, #tpu.memory_space<vmem>>, %arg4: memref<16x128xf32, #tpu.memory_space<vmem>>, %arg5: memref<16x1xf32, #tpu.memory_space<vmem>>, %arg6: memref<16x1xf32, #tpu.memory_space<vmem>>, %arg7: memref<128x16xf32, #tpu.memory_space<vmem>>, %arg8: memref<128x16xf32, #tpu.memory_space<vmem>>, %arg9: memref<1x128x1024xf32, #tpu.memory_space<vmem>>, %arg10: memref<128x128xf32, #tpu.memory_space<vmem>>, %arg11: memref<128x128xf32, #tpu.memory_space<vmem>>, %arg12: memref<1024x1024xf32, #tpu.memory_space<vmem>>) attributes {dimension_semantics = [#tpu.dimension_semantics<arbitrary>], iteration_bounds = array<i64: 32>, scalar_prefetch = 0 : i64, scratch_operands = 1 : i64, tpu.core_type = #tpu.core_type<tc>, window_params = [{transform_indices = @transform_0, window_bounds = array<i64: 1, 20, 16, 1024>}, {transform_indices = @transform_1, window_bounds = array<i64: 1, 20, 16, 1024>}, {pipeline_mode = #tpu.pipeline_mode<synchronous>, transform_indices = @transform_2, window_bounds = array<i64: 16, 128>}, {pipeline_mode = #tpu.pipeline_mode<synchronous>, transform_indices = @transform_3, window_bounds = array<i64: 16, 128>}, {pipeline_mode = #tpu.pipeline_mode<synchronous>, transform_indices = @transform_4, window_bounds = array<i64: 16, 1>}, {pipeline_mode = #tpu.pipeline_mode<synchronous>, transform_indices = @transform_5, window_bounds = array<i64: 16, 1>}, {pipeline_mode = #tpu.pipeline_mode<synchronous>, transform_indices = @transform_6, window_bounds = array<i64: 128, 16>}, {pipeline_mode = #tpu.pipeline_mode<synchronous>, transform_indices = @transform_7, window_bounds = array<i64: 128, 16>}, {transform_indices = @transform_8, window_bounds = array<i64: 1, 128, 1024>}, {pipeline_mode = #tpu.pipeline_mode<synchronous>, transform_indices = @transform_9, window_bounds = array<i64: 128, 128>}, {pipeline_mode = #tpu.pipeline_mode<synchronous>, transform_indices = @transform_10, window_bounds = array<i64: 128, 128>}]} {
    %get3A = arith.constant 0 : index
    %get3A_0 = arith.constant 0 : index
    %get3A_1 = vector.load %arg3[%get3A, %get3A_0] : memref<16x128xf32, #tpu.memory_space<vmem>>, vector<16x128xf32>
    %reduce_sum3A = arith.constant dense<0.000000e+00> : vector<16xf32>
    %reduce_sum3A_2 = vector.multi_reduction <add>, %get3A_1, %reduce_sum3A [1] : vector<16x128xf32> to vector<16xf32>
    %broadcast_in_dim3A = vector.shape_cast %reduce_sum3A_2 : vector<16xf32> to vector<16x1xf32>
    %mul3A = arith.constant 1.52587893E-6 : f32
    %mul3A_3 = vector.broadcast %mul3A : f32 to vector<16x1xf32>
    %mul3A_4 = arith.mulf %broadcast_in_dim3A, %mul3A_3 : vector<16x1xf32>
    %get3A_5 = arith.constant 0 : index
    %get3A_6 = arith.constant 0 : index
    %get3A_7 = vector.load %arg4[%get3A_5, %get3A_6] : memref<16x128xf32, #tpu.memory_space<vmem>>, vector<16x128xf32>
    %reduce_sum3A_8 = arith.constant dense<0.000000e+00> : vector<16xf32>
    %reduce_sum3A_9 = vector.multi_reduction <add>, %get3A_7, %reduce_sum3A_8 [1] : vector<16x128xf32> to vector<16xf32>
    %broadcast_in_dim3A_10 = vector.shape_cast %reduce_sum3A_9 : vector<16xf32> to vector<16x1xf32>
    %mul3A_11 = arith.constant 1.52587893E-6 : f32
    %mul3A_12 = vector.broadcast %mul3A_11 : f32 to vector<16x1xf32>
    %mul3A_13 = arith.mulf %broadcast_in_dim3A_10, %mul3A_12 : vector<16x1xf32>
    %mul3A_14 = arith.mulf %mul3A_4, %mul3A_4 : vector<16x1xf32>
    %sub3A = arith.subf %mul3A_13, %mul3A_14 : vector<16x1xf32>
    %add3A = arith.constant 9.99999974E-6 : f32
    %add3A_15 = vector.broadcast %add3A : f32 to vector<16x1xf32>
    %add3A_16 = arith.addf %sub3A, %add3A_15 : vector<16x1xf32>
    %rsqrt3A = math.rsqrt %add3A_16 : vector<16x1xf32>
    %get3A_17 = arith.constant 0 : index
    %get3A_18 = arith.constant 0 : index
    %get3A_19 = vector.load %arg5[%get3A_17, %get3A_18] : memref<16x1xf32, #tpu.memory_space<vmem>>, vector<16x1xf32>
    %mul3A_20 = arith.mulf %get3A_19, %rsqrt3A : vector<16x1xf32>
    %get3A_21 = arith.constant 0 : index
    %get3A_22 = arith.constant 0 : index
    %get3A_23 = vector.load %arg6[%get3A_21, %get3A_22] : memref<16x1xf32, #tpu.memory_space<vmem>>, vector<16x1xf32>
    %mul3A_24 = arith.mulf %mul3A_4, %mul3A_20 : vector<16x1xf32>
    %sub3A_25 = arith.subf %get3A_23, %mul3A_24 : vector<16x1xf32>
    %broadcast_in_dim3A_26 = arith.constant 0xFF800000 : f32
    %broadcast_in_dim3A_27 = vector.broadcast %broadcast_in_dim3A_26 : f32 to vector<16x1024xf32>
    %scan3A = arith.constant 0 : i32
    %scan3A_28 = arith.constant 20 : i32
    %scan3A_29 = arith.addi %scan3A, %scan3A_28 : i32
    %scan3A_30 = arith.constant 1 : i32
    %scan3A_31 = scf.for %scan3A_97 = %scan3A to %scan3A_29 step %scan3A_30 iter_args(%scan3A_98 = %broadcast_in_dim3A_27) -> (vector<16x1024xf32>)  : i32 {
      %get3A_99 = arith.constant 0 : index
      %get3A_100 = arith.index_cast %scan3A_97 : i32 to index
      %get3A_101 = arith.constant 0 : index
      %get3A_102 = arith.constant 0 : index
      %get3A_103 = vector.load %arg1[%get3A_99, %get3A_100, %get3A_101, %get3A_102] : memref<1x20x16x1024xf32, #tpu.memory_space<vmem>>, vector<1x1x16x1024xf32>
      %get3A_104 = vector.shape_cast %get3A_103 : vector<1x1x16x1024xf32> to vector<16x1024xf32>
      %mul3A_105 = vector.broadcast %mul3A_20 : vector<16x1xf32> to vector<16x1024xf32>
      %mul3A_106 = arith.mulf %get3A_104, %mul3A_105 : vector<16x1024xf32>
      %add3A_107 = vector.broadcast %sub3A_25 : vector<16x1xf32> to vector<16x1024xf32>
      %add3A_108 = arith.addf %mul3A_106, %add3A_107 : vector<16x1024xf32>
      %ge3A = arith.constant 0.000000e+00 : f32
      %ge3A_109 = vector.broadcast %ge3A : f32 to vector<16x1024xf32>
      %ge3A_110 = arith.cmpf oge, %add3A_108, %ge3A_109 : vector<16x1024xf32>
      %mul3A_111 = arith.constant 2.000000e-01 : f32
      %mul3A_112 = vector.broadcast %mul3A_111 : f32 to vector<16x1024xf32>
      %mul3A_113 = arith.mulf %mul3A_112, %add3A_108 : vector<16x1024xf32>
      %select_n3A = arith.select %ge3A_110, %add3A_108, %mul3A_113 : vector<16x1024xi1>, vector<16x1024xf32>
      %get3A_114 = arith.constant 0 : index
      %get3A_115 = arith.index_cast %scan3A_97 : i32 to index
      %get3A_116 = arith.constant 0 : index
      %get3A_117 = arith.constant 0 : index
      %get3A_118 = vector.load %arg2[%get3A_114, %get3A_115, %get3A_116, %get3A_117] : memref<1x20x16x1024xf32, #tpu.memory_space<vmem>>, vector<1x1x16x1024xf32>
      %get3A_119 = vector.shape_cast %get3A_118 : vector<1x1x16x1024xf32> to vector<16x1024xf32>
      %add3A_120 = arith.addf %select_n3A, %get3A_119 : vector<16x1024xf32>
      %max3A = arith.maximumf %scan3A_98, %add3A_120 : vector<16x1024xf32>
      scf.yield %max3A : vector<16x1024xf32>
    }
    %scan3A_32 = arith.constant 20 : i32
    %dot_general3A = arith.constant dense<0.000000e+00> : vector<1024x1024xf32>
    %dot_general3A_33 = tpu.matmul %scan3A_31, %scan3A_31, %dot_general3A {dimension_numbers = #tpu.dot_dimension_numbers<[0], [0], [1], [1], [0, 1, 1, 1], [], []>, precision = #tpu.contract_precision<fp32>, transpose_lhs_hint = false} : vector<16x1024xf32>, vector<16x1024xf32>, vector<1024x1024xf32> -> vector<1024x1024xf32>
    %mul3A_34 = arith.mulf %scan3A_31, %scan3A_31 : vector<16x1024xf32>
    %broadcast_in_dim3A_35 = arith.constant 1.000000e+00 : f32
    %broadcast_in_dim3A_36 = vector.broadcast %broadcast_in_dim3A_35 : f32 to vector<16x8xf32>
    %dot_general3A_37 = arith.constant dense<0.000000e+00> : vector<1024x8xf32>
    %dot_general3A_38 = tpu.matmul %mul3A_34, %broadcast_in_dim3A_36, %dot_general3A_37 {dimension_numbers = #tpu.dot_dimension_numbers<[0], [0], [1], [1], [0, 1, 1, 1], [], []>, precision = #tpu.contract_precision<fp32>, transpose_lhs_hint = false} : vector<16x1024xf32>, vector<16x8xf32>, vector<1024x8xf32> -> vector<1024x8xf32>
    %mul3A_39 = arith.constant 2.000000e+00 : f32
    %mul3A_40 = vector.broadcast %mul3A_39 : f32 to vector<1024x1024xf32>
    %mul3A_41 = arith.mulf %mul3A_40, %dot_general3A_33 : vector<1024x1024xf32>
    %slice3A = vector.extract_strided_slice %dot_general3A_38 {offsets = [0, 0], sizes = [1024, 1], strides = [1, 1]} : vector<1024x8xf32> to vector<1024x1xf32>
    %sub3A_42 = vector.broadcast %slice3A : vector<1024x1xf32> to vector<1024x1024xf32>
    %sub3A_43 = arith.subf %mul3A_41, %sub3A_42 : vector<1024x1024xf32>
    %swap3A = arith.constant 0 : index
    %swap3A_44 = arith.constant 0 : index
    %swap3A_45 = vector.load %arg12[%swap3A, %swap3A_44] : memref<1024x1024xf32, #tpu.memory_space<vmem>>, vector<1024x1024xf32>
    tpu.vector_store %arg12[%swap3A, %swap3A_44], %sub3A_43 {strides = array<i32>} : memref<1024x1024xf32, #tpu.memory_space<vmem>>, vector<1024x1024xf32>,
    %get3A_46 = arith.constant 0 : index
    %get3A_47 = arith.constant 0 : index
    %get3A_48 = vector.load %arg7[%get3A_46, %get3A_47] : memref<128x16xf32, #tpu.memory_space<vmem>>, vector<128x16xf32>
    %dot_general3A_49 = arith.constant dense<0.000000e+00> : vector<128x1024xf32>
    %dot_general3A_50 = tpu.matmul %get3A_48, %scan3A_31, %dot_general3A_49 {dimension_numbers = #tpu.dot_dimension_numbers<[1], [0], [0], [1], [0, 0, 1, 1], [], []>, precision = #tpu.contract_precision<fp32>, transpose_lhs_hint = false} : vector<128x16xf32>, vector<16x1024xf32>, vector<128x1024xf32> -> vector<128x1024xf32>
    %get3A_51 = arith.constant 0 : index
    %get3A_52 = arith.constant 0 : index
    %get3A_53 = vector.load %arg8[%get3A_51, %get3A_52] : memref<128x16xf32, #tpu.memory_space<vmem>>, vector<128x16xf32>
    %dot_general3A_54 = arith.constant dense<0.000000e+00> : vector<128x1024xf32>
    %dot_general3A_55 = tpu.matmul %get3A_53, %scan3A_31, %dot_general3A_54 {dimension_numbers = #tpu.dot_dimension_numbers<[1], [0], [0], [1], [0, 0, 1, 1], [], []>, precision = #tpu.contract_precision<fp32>, transpose_lhs_hint = false} : vector<128x16xf32>, vector<16x1024xf32>, vector<128x1024xf32> -> vector<128x1024xf32>
    %iota3A = tpu.iota {dimensions = array<i32: 0>} : vector<1024x1024xi32>
    %get3A_56 = arith.constant 0 : index
    %get3A_57 = arith.constant 0 : index
    %get3A_58 = vector.load %arg12[%get3A_56, %get3A_57] : memref<1024x1024xf32, #tpu.memory_space<vmem>>, vector<1024x1024xf32>
    %reduce_max3A = arith.constant dense<0xFF800000> : vector<1024xf32>
    %reduce_max3A_59 = vector.multi_reduction <maximumf>, %get3A_58, %reduce_max3A [0] : vector<1024x1024xf32> to vector<1024xf32>
    %broadcast_in_dim3A_60 = vector.shape_cast %reduce_max3A_59 : vector<1024xf32> to vector<1x1024xf32>
    %broadcast_in_dim3A_61 = arith.constant 0.000000e+00 : f32
    %broadcast_in_dim3A_62 = vector.broadcast %broadcast_in_dim3A_61 : f32 to vector<128x1024xf32>
    %broadcast_in_dim3A_63 = arith.constant 0xFF800000 : f32
    %broadcast_in_dim3A_64 = vector.broadcast %broadcast_in_dim3A_63 : f32 to vector<128x1024xf32>
    %scan3A_65 = arith.constant 0 : i32
    %scan3A_66 = arith.constant 20 : i32
    %scan3A_67 = arith.addi %scan3A_65, %scan3A_66 : i32
    %scan3A_68 = arith.constant 2 : i32
    %scan3A_69:4 = scf.for %scan3A_97 = %scan3A_65 to %scan3A_67 step %scan3A_68 iter_args(%scan3A_98 = %broadcast_in_dim3A_62, %scan3A_99 = %broadcast_in_dim3A_62, %scan3A_100 = %broadcast_in_dim3A_64, %scan3A_101 = %broadcast_in_dim3A_60) -> (vector<128x1024xf32>, vector<128x1024xf32>, vector<128x1024xf32>, vector<1x1024xf32>)  : i32 {
      %get3A_102 = arith.constant 0 : index
      %get3A_103 = arith.constant 0 : index
      %get3A_104 = vector.load %arg12[%get3A_102, %get3A_103] : memref<1024x1024xf32, #tpu.memory_space<vmem>>, vector<1024x1024xf32>
      %eq3A_105 = vector.broadcast %scan3A_101 : vector<1x1024xf32> to vector<1024x1024xf32>
      %eq3A_106 = arith.cmpf oeq, %get3A_104, %eq3A_105 : vector<1024x1024xf32>
      %jit3A = arith.constant 1024 : i32
      %broadcast_in_dim3A_107 = vector.broadcast %jit3A : i32 to vector<1024x1024xi32>
      %select_n3A = arith.select %eq3A_106, %iota3A, %broadcast_in_dim3A_107 : vector<1024x1024xi1>, vector<1024x1024xi32>
      %reduce_min3A = arith.constant dense<2147483647> : vector<1024xi32>
      %reduce_min3A_108 = vector.multi_reduction <minsi>, %select_n3A, %reduce_min3A [0] : vector<1024x1024xi32> to vector<1024xi32>
      %broadcast_in_dim3A_109 = vector.shape_cast %reduce_min3A_108 : vector<1024xi32> to vector<1x1024xi32>
      %lt3A = vector.broadcast %scan3A_101 : vector<1x1024xf32> to vector<1024x1024xf32>
      %lt3A_110 = arith.cmpf olt, %get3A_104, %lt3A : vector<1024x1024xf32>
      %jit3A_111 = arith.constant 0xFF800000 : f32
      %broadcast_in_dim3A_112 = vector.broadcast %jit3A_111 : f32 to vector<1024x1024xf32>
      %select_n3A_113 = arith.select %lt3A_110, %get3A_104, %broadcast_in_dim3A_112 : vector<1024x1024xi1>, vector<1024x1024xf32>
      %reduce_max3A_114 = arith.constant dense<0xFF800000> : vector<1024xf32>
      %reduce_max3A_115 = vector.multi_reduction <maximumf>, %select_n3A_113, %reduce_max3A_114 [0] : vector<1024x1024xf32> to vector<1024xf32>
      %broadcast_in_dim3A_116 = vector.shape_cast %reduce_max3A_115 : vector<1024xf32> to vector<1x1024xf32>
      %broadcast_in_dim3A_117 = vector.shape_cast %broadcast_in_dim3A_109 : vector<1x1024xi32> to vector<1x1024xi32>
      %broadcast_in_dim3A_118 = vector.broadcast %broadcast_in_dim3A_117 : vector<1x1024xi32> to vector<128x1024xi32>
      %and3A = arith.constant 127 : i32
      %and3A_119 = vector.broadcast %and3A : i32 to vector<128x1024xi32>
      %and3A_120 = arith.andi %broadcast_in_dim3A_118, %and3A_119 : vector<128x1024xi32>
      %shift_right_arithmetic3A = arith.constant 7 : i32
      %shift_right_arithmetic3A_121 = vector.broadcast %shift_right_arithmetic3A : i32 to vector<128x1024xi32>
      %shift_right_arithmetic3A_122 = arith.shrsi %broadcast_in_dim3A_118, %shift_right_arithmetic3A_121 : vector<128x1024xi32>
      %broadcast_in_dim3A_123 = arith.constant 0.000000e+00 : f32
      %broadcast_in_dim3A_124 = vector.broadcast %broadcast_in_dim3A_123 : f32 to vector<128x1024xf32>
      %slice3A_125 = vector.extract_strided_slice %dot_general3A_50 {offsets = [0, 0], sizes = [128, 128], strides = [1, 1]} : vector<128x1024xf32> to vector<128x128xf32>
      %lt3A_126 = arith.constant 0 : i32
      %lt3A_127 = vector.broadcast %lt3A_126 : i32 to vector<128x1024xi32>
      %lt3A_128 = arith.cmpi slt, %and3A_120, %lt3A_127 : vector<128x1024xi32>
      %add3A_129 = arith.constant 128 : i32
      %add3A_130 = vector.broadcast %add3A_129 : i32 to vector<128x1024xi32>
      %add3A_131 = arith.addi %and3A_120, %add3A_130 : vector<128x1024xi32>
      %select_n3A_132 = arith.select %lt3A_128, %add3A_131, %and3A_120 : vector<128x1024xi1>, vector<128x1024xi32>
      %reshape3A_133 = vector.shape_cast %select_n3A_132 : vector<128x1024xi32> to vector<128x1024x1xi32>
      %gather3A = vector.shape_cast %reshape3A_133 : vector<128x1024x1xi32> to vector<128x1024xi32>
      %gather3A_134 = tpu.dynamic_gather %slice3A_125[%gather3A] in [1] : vector<128x128xf32>, vector<128x1024xi32> -> vector<128x1024xf32>
      %eq3A_135 = arith.constant 0 : i32
      %eq3A_136 = vector.broadcast %eq3A_135 : i32 to vector<128x1024xi32>
      %eq3A_137 = arith.cmpi eq, %shift_right_arithmetic3A_122, %eq3A_136 : vector<128x1024xi32>
      %select_n3A_138 = arith.select %eq3A_137, %gather3A_134, %broadcast_in_dim3A_124 : vector<128x1024xi1>, vector<128x1024xf32>
      %slice3A_139 = vector.extract_strided_slice %dot_general3A_50 {offsets = [0, 128], sizes = [128, 128], strides = [1, 1]} : vector<128x1024xf32> to vector<128x128xf32>
      %lt3A_140 = arith.constant 0 : i32
      %lt3A_141 = vector.broadcast %lt3A_140 : i32 to vector<128x1024xi32>
      %lt3A_142 = arith.cmpi slt, %and3A_120, %lt3A_141 : vector<128x1024xi32>
      %add3A_143 = arith.constant 128 : i32
      %add3A_144 = vector.broadcast %add3A_143 : i32 to vector<128x1024xi32>
      %add3A_145 = arith.addi %and3A_120, %add3A_144 : vector<128x1024xi32>
      %select_n3A_146 = arith.select %lt3A_142, %add3A_145, %and3A_120 : vector<128x1024xi1>, vector<128x1024xi32>
      %reshape3A_147 = vector.shape_cast %select_n3A_146 : vector<128x1024xi32> to vector<128x1024x1xi32>
      %gather3A_148 = vector.shape_cast %reshape3A_147 : vector<128x1024x1xi32> to vector<128x1024xi32>
      %gather3A_149 = tpu.dynamic_gather %slice3A_139[%gather3A_148] in [1] : vector<128x128xf32>, vector<128x1024xi32> -> vector<128x1024xf32>
      %eq3A_150 = arith.constant 1 : i32
      %eq3A_151 = vector.broadcast %eq3A_150 : i32 to vector<128x1024xi32>
      %eq3A_152 = arith.cmpi eq, %shift_right_arithmetic3A_122, %eq3A_151 : vector<128x1024xi32>
      %select_n3A_153 = arith.select %eq3A_152, %gather3A_149, %select_n3A_138 : vector<128x1024xi1>, vector<128x1024xf32>
      %slice3A_154 = vector.extract_strided_slice %dot_general3A_50 {offsets = [0, 256], sizes = [128, 128], strides = [1, 1]} : vector<128x1024xf32> to vector<128x128xf32>
      %lt3A_155 = arith.constant 0 : i32
      %lt3A_156 = vector.broadcast %lt3A_155 : i32 to vector<128x1024xi32>
      %lt3A_157 = arith.cmpi slt, %and3A_120, %lt3A_156 : vector<128x1024xi32>
      %add3A_158 = arith.constant 128 : i32
      %add3A_159 = vector.broadcast %add3A_158 : i32 to vector<128x1024xi32>
      %add3A_160 = arith.addi %and3A_120, %add3A_159 : vector<128x1024xi32>
      %select_n3A_161 = arith.select %lt3A_157, %add3A_160, %and3A_120 : vector<128x1024xi1>, vector<128x1024xi32>
      %reshape3A_162 = vector.shape_cast %select_n3A_161 : vector<128x1024xi32> to vector<128x1024x1xi32>
      %gather3A_163 = vector.shape_cast %reshape3A_162 : vector<128x1024x1xi32> to vector<128x1024xi32>
      %gather3A_164 = tpu.dynamic_gather %slice3A_154[%gather3A_163] in [1] : vector<128x128xf32>, vector<128x1024xi32> -> vector<128x1024xf32>
      %eq3A_165 = arith.constant 2 : i32
      %eq3A_166 = vector.broadcast %eq3A_165 : i32 to vector<128x1024xi32>
      %eq3A_167 = arith.cmpi eq, %shift_right_arithmetic3A_122, %eq3A_166 : vector<128x1024xi32>
      %select_n3A_168 = arith.select %eq3A_167, %gather3A_164, %select_n3A_153 : vector<128x1024xi1>, vector<128x1024xf32>
      %slice3A_169 = vector.extract_strided_slice %dot_general3A_50 {offsets = [0, 384], sizes = [128, 128], strides = [1, 1]} : vector<128x1024xf32> to vector<128x128xf32>
      %lt3A_170 = arith.constant 0 : i32
      %lt3A_171 = vector.broadcast %lt3A_170 : i32 to vector<128x1024xi32>
      %lt3A_172 = arith.cmpi slt, %and3A_120, %lt3A_171 : vector<128x1024xi32>
      %add3A_173 = arith.constant 128 : i32
      %add3A_174 = vector.broadcast %add3A_173 : i32 to vector<128x1024xi32>
      %add3A_175 = arith.addi %and3A_120, %add3A_174 : vector<128x1024xi32>
      %select_n3A_176 = arith.select %lt3A_172, %add3A_175, %and3A_120 : vector<128x1024xi1>, vector<128x1024xi32>
      %reshape3A_177 = vector.shape_cast %select_n3A_176 : vector<128x1024xi32> to vector<128x1024x1xi32>
      %gather3A_178 = vector.shape_cast %reshape3A_177 : vector<128x1024x1xi32> to vector<128x1024xi32>
      %gather3A_179 = tpu.dynamic_gather %slice3A_169[%gather3A_178] in [1] : vector<128x128xf32>, vector<128x1024xi32> -> vector<128x1024xf32>
      %eq3A_180 = arith.constant 3 : i32
      %eq3A_181 = vector.broadcast %eq3A_180 : i32 to vector<128x1024xi32>
      %eq3A_182 = arith.cmpi eq, %shift_right_arithmetic3A_122, %eq3A_181 : vector<128x1024xi32>
      %select_n3A_183 = arith.select %eq3A_182, %gather3A_179, %select_n3A_168 : vector<128x1024xi1>, vector<128x1024xf32>
      %slice3A_184 = vector.extract_strided_slice %dot_general3A_50 {offsets = [0, 512], sizes = [128, 128], strides = [1, 1]} : vector<128x1024xf32> to vector<128x128xf32>
      %lt3A_185 = arith.constant 0 : i32
      %lt3A_186 = vector.broadcast %lt3A_185 : i32 to vector<128x1024xi32>
      %lt3A_187 = arith.cmpi slt, %and3A_120, %lt3A_186 : vector<128x1024xi32>
      %add3A_188 = arith.constant 128 : i32
      %add3A_189 = vector.broadcast %add3A_188 : i32 to vector<128x1024xi32>
      %add3A_190 = arith.addi %and3A_120, %add3A_189 : vector<128x1024xi32>
      %select_n3A_191 = arith.select %lt3A_187, %add3A_190, %and3A_120 : vector<128x1024xi1>, vector<128x1024xi32>
      %reshape3A_192 = vector.shape_cast %select_n3A_191 : vector<128x1024xi32> to vector<128x1024x1xi32>
      %gather3A_193 = vector.shape_cast %reshape3A_192 : vector<128x1024x1xi32> to vector<128x1024xi32>
      %gather3A_194 = tpu.dynamic_gather %slice3A_184[%gather3A_193] in [1] : vector<128x128xf32>, vector<128x1024xi32> -> vector<128x1024xf32>
      %eq3A_195 = arith.constant 4 : i32
      %eq3A_196 = vector.broadcast %eq3A_195 : i32 to vector<128x1024xi32>
      %eq3A_197 = arith.cmpi eq, %shift_right_arithmetic3A_122, %eq3A_196 : vector<128x1024xi32>
      %select_n3A_198 = arith.select %eq3A_197, %gather3A_194, %select_n3A_183 : vector<128x1024xi1>, vector<128x1024xf32>
      %slice3A_199 = vector.extract_strided_slice %dot_general3A_50 {offsets = [0, 640], sizes = [128, 128], strides = [1, 1]} : vector<128x1024xf32> to vector<128x128xf32>
      %lt3A_200 = arith.constant 0 : i32
      %lt3A_201 = vector.broadcast %lt3A_200 : i32 to vector<128x1024xi32>
      %lt3A_202 = arith.cmpi slt, %and3A_120, %lt3A_201 : vector<128x1024xi32>
      %add3A_203 = arith.constant 128 : i32
      %add3A_204 = vector.broadcast %add3A_203 : i32 to vector<128x1024xi32>
      %add3A_205 = arith.addi %and3A_120, %add3A_204 : vector<128x1024xi32>
      %select_n3A_206 = arith.select %lt3A_202, %add3A_205, %and3A_120 : vector<128x1024xi1>, vector<128x1024xi32>
      %reshape3A_207 = vector.shape_cast %select_n3A_206 : vector<128x1024xi32> to vector<128x1024x1xi32>
      %gather3A_208 = vector.shape_cast %reshape3A_207 : vector<128x1024x1xi32> to vector<128x1024xi32>
      %gather3A_209 = tpu.dynamic_gather %slice3A_199[%gather3A_208] in [1] : vector<128x128xf32>, vector<128x1024xi32> -> vector<128x1024xf32>
      %eq3A_210 = arith.constant 5 : i32
      %eq3A_211 = vector.broadcast %eq3A_210 : i32 to vector<128x1024xi32>
      %eq3A_212 = arith.cmpi eq, %shift_right_arithmetic3A_122, %eq3A_211 : vector<128x1024xi32>
      %select_n3A_213 = arith.select %eq3A_212, %gather3A_209, %select_n3A_198 : vector<128x1024xi1>, vector<128x1024xf32>
      %slice3A_214 = vector.extract_strided_slice %dot_general3A_50 {offsets = [0, 768], sizes = [128, 128], strides = [1, 1]} : vector<128x1024xf32> to vector<128x128xf32>
      %lt3A_215 = arith.constant 0 : i32
      %lt3A_216 = vector.broadcast %lt3A_215 : i32 to vector<128x1024xi32>
      %lt3A_217 = arith.cmpi slt, %and3A_120, %lt3A_216 : vector<128x1024xi32>
      %add3A_218 = arith.constant 128 : i32
      %add3A_219 = vector.broadcast %add3A_218 : i32 to vector<128x1024xi32>
      %add3A_220 = arith.addi %and3A_120, %add3A_219 : vector<128x1024xi32>
      %select_n3A_221 = arith.select %lt3A_217, %add3A_220, %and3A_120 : vector<128x1024xi1>, vector<128x1024xi32>
      %reshape3A_222 = vector.shape_cast %select_n3A_221 : vector<128x1024xi32> to vector<128x1024x1xi32>
      %gather3A_223 = vector.shape_cast %reshape3A_222 : vector<128x1024x1xi32> to vector<128x1024xi32>
      %gather3A_224 = tpu.dynamic_gather %slice3A_214[%gather3A_223] in [1] : vector<128x128xf32>, vector<128x1024xi32> -> vector<128x1024xf32>
      %eq3A_225 = arith.constant 6 : i32
      %eq3A_226 = vector.broadcast %eq3A_225 : i32 to vector<128x1024xi32>
      %eq3A_227 = arith.cmpi eq, %shift_right_arithmetic3A_122, %eq3A_226 : vector<128x1024xi32>
      %select_n3A_228 = arith.select %eq3A_227, %gather3A_224, %select_n3A_213 : vector<128x1024xi1>, vector<128x1024xf32>
      %slice3A_229 = vector.extract_strided_slice %dot_general3A_50 {offsets = [0, 896], sizes = [128, 128], strides = [1, 1]} : vector<128x1024xf32> to vector<128x128xf32>
      %lt3A_230 = arith.constant 0 : i32
      %lt3A_231 = vector.broadcast %lt3A_230 : i32 to vector<128x1024xi32>
      %lt3A_232 = arith.cmpi slt, %and3A_120, %lt3A_231 : vector<128x1024xi32>
      %add3A_233 = arith.constant 128 : i32
      %add3A_234 = vector.broadcast %add3A_233 : i32 to vector<128x1024xi32>
      %add3A_235 = arith.addi %and3A_120, %add3A_234 : vector<128x1024xi32>
      %select_n3A_236 = arith.select %lt3A_232, %add3A_235, %and3A_120 : vector<128x1024xi1>, vector<128x1024xi32>
      %reshape3A_237 = vector.shape_cast %select_n3A_236 : vector<128x1024xi32> to vector<128x1024x1xi32>
      %gather3A_238 = vector.shape_cast %reshape3A_237 : vector<128x1024x1xi32> to vector<128x1024xi32>
      %gather3A_239 = tpu.dynamic_gather %slice3A_229[%gather3A_238] in [1] : vector<128x128xf32>, vector<128x1024xi32> -> vector<128x1024xf32>
      %eq3A_240 = arith.constant 7 : i32
      %eq3A_241 = vector.broadcast %eq3A_240 : i32 to vector<128x1024xi32>
      %eq3A_242 = arith.cmpi eq, %shift_right_arithmetic3A_122, %eq3A_241 : vector<128x1024xi32>
      %select_n3A_243 = arith.select %eq3A_242, %gather3A_239, %select_n3A_228 : vector<128x1024xi1>, vector<128x1024xf32>
      %add3A_244 = arith.addf %select_n3A_243, %dot_general3A_55 : vector<128x1024xf32>
      %add3A_245 = arith.addf %scan3A_98, %add3A_244 : vector<128x1024xf32>
      %mul3A_246 = arith.mulf %add3A_244, %add3A_244 : vector<128x1024xf32>
      %add3A_247 = arith.addf %scan3A_99, %mul3A_246 : vector<128x1024xf32>
      %max3A = arith.maximumf %scan3A_100, %add3A_244 : vector<128x1024xf32>
      %scan3A_248 = arith.constant 1 : i32
      %scan3A_249 = arith.addi %scan3A_97, %scan3A_248 : i32
      %get3A_250 = arith.constant 0 : index
      %get3A_251 = arith.constant 0 : index
      %get3A_252 = vector.load %arg12[%get3A_250, %get3A_251] : memref<1024x1024xf32, #tpu.memory_space<vmem>>, vector<1024x1024xf32>
      %eq3A_253 = vector.broadcast %broadcast_in_dim3A_116 : vector<1x1024xf32> to vector<1024x1024xf32>
      %eq3A_254 = arith.cmpf oeq, %get3A_252, %eq3A_253 : vector<1024x1024xf32>
      %jit3A_255 = arith.constant 1024 : i32
      %broadcast_in_dim3A_256 = vector.broadcast %jit3A_255 : i32 to vector<1024x1024xi32>
      %select_n3A_257 = arith.select %eq3A_254, %iota3A, %broadcast_in_dim3A_256 : vector<1024x1024xi1>, vector<1024x1024xi32>
      %reduce_min3A_258 = arith.constant dense<2147483647> : vector<1024xi32>
      %reduce_min3A_259 = vector.multi_reduction <minsi>, %select_n3A_257, %reduce_min3A_258 [0] : vector<1024x1024xi32> to vector<1024xi32>
      %broadcast_in_dim3A_260 = vector.shape_cast %reduce_min3A_259 : vector<1024xi32> to vector<1x1024xi32>
      %lt3A_261 = vector.broadcast %broadcast_in_dim3A_116 : vector<1x1024xf32> to vector<1024x1024xf32>
      %lt3A_262 = arith.cmpf olt, %get3A_252, %lt3A_261 : vector<1024x1024xf32>
      %jit3A_263 = arith.constant 0xFF800000 : f32
      %broadcast_in_dim3A_264 = vector.broadcast %jit3A_263 : f32 to vector<1024x1024xf32>
      %select_n3A_265 = arith.select %lt3A_262, %get3A_252, %broadcast_in_dim3A_264 : vector<1024x1024xi1>, vector<1024x1024xf32>
      %reduce_max3A_266 = arith.constant dense<0xFF800000> : vector<1024xf32>
      %reduce_max3A_267 = vector.multi_reduction <maximumf>, %select_n3A_265, %reduce_max3A_266 [0] : vector<1024x1024xf32> to vector<1024xf32>
      %broadcast_in_dim3A_268 = vector.shape_cast %reduce_max3A_267 : vector<1024xf32> to vector<1x1024xf32>
      %broadcast_in_dim3A_269 = vector.shape_cast %broadcast_in_dim3A_260 : vector<1x1024xi32> to vector<1x1024xi32>
      %broadcast_in_dim3A_270 = vector.broadcast %broadcast_in_dim3A_269 : vector<1x1024xi32> to vector<128x1024xi32>
      %and3A_271 = arith.constant 127 : i32
      %and3A_272 = vector.broadcast %and3A_271 : i32 to vector<128x1024xi32>
      %and3A_273 = arith.andi %broadcast_in_dim3A_270, %and3A_272 : vector<128x1024xi32>
      %shift_right_arithmetic3A_274 = arith.constant 7 : i32
      %shift_right_arithmetic3A_275 = vector.broadcast %shift_right_arithmetic3A_274 : i32 to vector<128x1024xi32>
      %shift_right_arithmetic3A_276 = arith.shrsi %broadcast_in_dim3A_270, %shift_right_arithmetic3A_275 : vector<128x1024xi32>
      %broadcast_in_dim3A_277 = arith.constant 0.000000e+00 : f32
      %broadcast_in_dim3A_278 = vector.broadcast %broadcast_in_dim3A_277 : f32 to vector<128x1024xf32>
      %slice3A_279 = vector.extract_strided_slice %dot_general3A_50 {offsets = [0, 0], sizes = [128, 128], strides = [1, 1]} : vector<128x1024xf32> to vector<128x128xf32>
      %lt3A_280 = arith.constant 0 : i32
      %lt3A_281 = vector.broadcast %lt3A_280 : i32 to vector<128x1024xi32>
      %lt3A_282 = arith.cmpi slt, %and3A_273, %lt3A_281 : vector<128x1024xi32>
      %add3A_283 = arith.constant 128 : i32
      %add3A_284 = vector.broadcast %add3A_283 : i32 to vector<128x1024xi32>
      %add3A_285 = arith.addi %and3A_273, %add3A_284 : vector<128x1024xi32>
      %select_n3A_286 = arith.select %lt3A_282, %add3A_285, %and3A_273 : vector<128x1024xi1>, vector<128x1024xi32>
      %reshape3A_287 = vector.shape_cast %select_n3A_286 : vector<128x1024xi32> to vector<128x1024x1xi32>
      %gather3A_288 = vector.shape_cast %reshape3A_287 : vector<128x1024x1xi32> to vector<128x1024xi32>
      %gather3A_289 = tpu.dynamic_gather %slice3A_279[%gather3A_288] in [1] : vector<128x128xf32>, vector<128x1024xi32> -> vector<128x1024xf32>
      %eq3A_290 = arith.constant 0 : i32
      %eq3A_291 = vector.broadcast %eq3A_290 : i32 to vector<128x1024xi32>
      %eq3A_292 = arith.cmpi eq, %shift_right_arithmetic3A_276, %eq3A_291 : vector<128x1024xi32>
      %select_n3A_293 = arith.select %eq3A_292, %gather3A_289, %broadcast_in_dim3A_278 : vector<128x1024xi1>, vector<128x1024xf32>
      %slice3A_294 = vector.extract_strided_slice %dot_general3A_50 {offsets = [0, 128], sizes = [128, 128], strides = [1, 1]} : vector<128x1024xf32> to vector<128x128xf32>
      %lt3A_295 = arith.constant 0 : i32
      %lt3A_296 = vector.broadcast %lt3A_295 : i32 to vector<128x1024xi32>
      %lt3A_297 = arith.cmpi slt, %and3A_273, %lt3A_296 : vector<128x1024xi32>
      %add3A_298 = arith.constant 128 : i32
      %add3A_299 = vector.broadcast %add3A_298 : i32 to vector<128x1024xi32>
      %add3A_300 = arith.addi %and3A_273, %add3A_299 : vector<128x1024xi32>
      %select_n3A_301 = arith.select %lt3A_297, %add3A_300, %and3A_273 : vector<128x1024xi1>, vector<128x1024xi32>
      %reshape3A_302 = vector.shape_cast %select_n3A_301 : vector<128x1024xi32> to vector<128x1024x1xi32>
      %gather3A_303 = vector.shape_cast %reshape3A_302 : vector<128x1024x1xi32> to vector<128x1024xi32>
      %gather3A_304 = tpu.dynamic_gather %slice3A_294[%gather3A_303] in [1] : vector<128x128xf32>, vector<128x1024xi32> -> vector<128x1024xf32>
      %eq3A_305 = arith.constant 1 : i32
      %eq3A_306 = vector.broadcast %eq3A_305 : i32 to vector<128x1024xi32>
      %eq3A_307 = arith.cmpi eq, %shift_right_arithmetic3A_276, %eq3A_306 : vector<128x1024xi32>
      %select_n3A_308 = arith.select %eq3A_307, %gather3A_304, %select_n3A_293 : vector<128x1024xi1>, vector<128x1024xf32>
      %slice3A_309 = vector.extract_strided_slice %dot_general3A_50 {offsets = [0, 256], sizes = [128, 128], strides = [1, 1]} : vector<128x1024xf32> to vector<128x128xf32>
      %lt3A_310 = arith.constant 0 : i32
      %lt3A_311 = vector.broadcast %lt3A_310 : i32 to vector<128x1024xi32>
      %lt3A_312 = arith.cmpi slt, %and3A_273, %lt3A_311 : vector<128x1024xi32>
      %add3A_313 = arith.constant 128 : i32
      %add3A_314 = vector.broadcast %add3A_313 : i32 to vector<128x1024xi32>
      %add3A_315 = arith.addi %and3A_273, %add3A_314 : vector<128x1024xi32>
      %select_n3A_316 = arith.select %lt3A_312, %add3A_315, %and3A_273 : vector<128x1024xi1>, vector<128x1024xi32>
      %reshape3A_317 = vector.shape_cast %select_n3A_316 : vector<128x1024xi32> to vector<128x1024x1xi32>
      %gather3A_318 = vector.shape_cast %reshape3A_317 : vector<128x1024x1xi32> to vector<128x1024xi32>
      %gather3A_319 = tpu.dynamic_gather %slice3A_309[%gather3A_318] in [1] : vector<128x128xf32>, vector<128x1024xi32> -> vector<128x1024xf32>
      %eq3A_320 = arith.constant 2 : i32
      %eq3A_321 = vector.broadcast %eq3A_320 : i32 to vector<128x1024xi32>
      %eq3A_322 = arith.cmpi eq, %shift_right_arithmetic3A_276, %eq3A_321 : vector<128x1024xi32>
      %select_n3A_323 = arith.select %eq3A_322, %gather3A_319, %select_n3A_308 : vector<128x1024xi1>, vector<128x1024xf32>
      %slice3A_324 = vector.extract_strided_slice %dot_general3A_50 {offsets = [0, 384], sizes = [128, 128], strides = [1, 1]} : vector<128x1024xf32> to vector<128x128xf32>
      %lt3A_325 = arith.constant 0 : i32
      %lt3A_326 = vector.broadcast %lt3A_325 : i32 to vector<128x1024xi32>
      %lt3A_327 = arith.cmpi slt, %and3A_273, %lt3A_326 : vector<128x1024xi32>
      %add3A_328 = arith.constant 128 : i32
      %add3A_329 = vector.broadcast %add3A_328 : i32 to vector<128x1024xi32>
      %add3A_330 = arith.addi %and3A_273, %add3A_329 : vector<128x1024xi32>
      %select_n3A_331 = arith.select %lt3A_327, %add3A_330, %and3A_273 : vector<128x1024xi1>, vector<128x1024xi32>
      %reshape3A_332 = vector.shape_cast %select_n3A_331 : vector<128x1024xi32> to vector<128x1024x1xi32>
      %gather3A_333 = vector.shape_cast %reshape3A_332 : vector<128x1024x1xi32> to vector<128x1024xi32>
      %gather3A_334 = tpu.dynamic_gather %slice3A_324[%gather3A_333] in [1] : vector<128x128xf32>, vector<128x1024xi32> -> vector<128x1024xf32>
      %eq3A_335 = arith.constant 3 : i32
      %eq3A_336 = vector.broadcast %eq3A_335 : i32 to vector<128x1024xi32>
      %eq3A_337 = arith.cmpi eq, %shift_right_arithmetic3A_276, %eq3A_336 : vector<128x1024xi32>
      %select_n3A_338 = arith.select %eq3A_337, %gather3A_334, %select_n3A_323 : vector<128x1024xi1>, vector<128x1024xf32>
      %slice3A_339 = vector.extract_strided_slice %dot_general3A_50 {offsets = [0, 512], sizes = [128, 128], strides = [1, 1]} : vector<128x1024xf32> to vector<128x128xf32>
      %lt3A_340 = arith.constant 0 : i32
      %lt3A_341 = vector.broadcast %lt3A_340 : i32 to vector<128x1024xi32>
      %lt3A_342 = arith.cmpi slt, %and3A_273, %lt3A_341 : vector<128x1024xi32>
      %add3A_343 = arith.constant 128 : i32
      %add3A_344 = vector.broadcast %add3A_343 : i32 to vector<128x1024xi32>
      %add3A_345 = arith.addi %and3A_273, %add3A_344 : vector<128x1024xi32>
      %select_n3A_346 = arith.select %lt3A_342, %add3A_345, %and3A_273 : vector<128x1024xi1>, vector<128x1024xi32>
      %reshape3A_347 = vector.shape_cast %select_n3A_346 : vector<128x1024xi32> to vector<128x1024x1xi32>
      %gather3A_348 = vector.shape_cast %reshape3A_347 : vector<128x1024x1xi32> to vector<128x1024xi32>
      %gather3A_349 = tpu.dynamic_gather %slice3A_339[%gather3A_348] in [1] : vector<128x128xf32>, vector<128x1024xi32> -> vector<128x1024xf32>
      %eq3A_350 = arith.constant 4 : i32
      %eq3A_351 = vector.broadcast %eq3A_350 : i32 to vector<128x1024xi32>
      %eq3A_352 = arith.cmpi eq, %shift_right_arithmetic3A_276, %eq3A_351 : vector<128x1024xi32>
      %select_n3A_353 = arith.select %eq3A_352, %gather3A_349, %select_n3A_338 : vector<128x1024xi1>, vector<128x1024xf32>
      %slice3A_354 = vector.extract_strided_slice %dot_general3A_50 {offsets = [0, 640], sizes = [128, 128], strides = [1, 1]} : vector<128x1024xf32> to vector<128x128xf32>
      %lt3A_355 = arith.constant 0 : i32
      %lt3A_356 = vector.broadcast %lt3A_355 : i32 to vector<128x1024xi32>
      %lt3A_357 = arith.cmpi slt, %and3A_273, %lt3A_356 : vector<128x1024xi32>
      %add3A_358 = arith.constant 128 : i32
      %add3A_359 = vector.broadcast %add3A_358 : i32 to vector<128x1024xi32>
      %add3A_360 = arith.addi %and3A_273, %add3A_359 : vector<128x1024xi32>
      %select_n3A_361 = arith.select %lt3A_357, %add3A_360, %and3A_273 : vector<128x1024xi1>, vector<128x1024xi32>
      %reshape3A_362 = vector.shape_cast %select_n3A_361 : vector<128x1024xi32> to vector<128x1024x1xi32>
      %gather3A_363 = vector.shape_cast %reshape3A_362 : vector<128x1024x1xi32> to vector<128x1024xi32>
      %gather3A_364 = tpu.dynamic_gather %slice3A_354[%gather3A_363] in [1] : vector<128x128xf32>, vector<128x1024xi32> -> vector<128x1024xf32>
      %eq3A_365 = arith.constant 5 : i32
      %eq3A_366 = vector.broadcast %eq3A_365 : i32 to vector<128x1024xi32>
      %eq3A_367 = arith.cmpi eq, %shift_right_arithmetic3A_276, %eq3A_366 : vector<128x1024xi32>
      %select_n3A_368 = arith.select %eq3A_367, %gather3A_364, %select_n3A_353 : vector<128x1024xi1>, vector<128x1024xf32>
      %slice3A_369 = vector.extract_strided_slice %dot_general3A_50 {offsets = [0, 768], sizes = [128, 128], strides = [1, 1]} : vector<128x1024xf32> to vector<128x128xf32>
      %lt3A_370 = arith.constant 0 : i32
      %lt3A_371 = vector.broadcast %lt3A_370 : i32 to vector<128x1024xi32>
      %lt3A_372 = arith.cmpi slt, %and3A_273, %lt3A_371 : vector<128x1024xi32>
      %add3A_373 = arith.constant 128 : i32
      %add3A_374 = vector.broadcast %add3A_373 : i32 to vector<128x1024xi32>
      %add3A_375 = arith.addi %and3A_273, %add3A_374 : vector<128x1024xi32>
      %select_n3A_376 = arith.select %lt3A_372, %add3A_375, %and3A_273 : vector<128x1024xi1>, vector<128x1024xi32>
      %reshape3A_377 = vector.shape_cast %select_n3A_376 : vector<128x1024xi32> to vector<128x1024x1xi32>
      %gather3A_378 = vector.shape_cast %reshape3A_377 : vector<128x1024x1xi32> to vector<128x1024xi32>
      %gather3A_379 = tpu.dynamic_gather %slice3A_369[%gather3A_378] in [1] : vector<128x128xf32>, vector<128x1024xi32> -> vector<128x1024xf32>
      %eq3A_380 = arith.constant 6 : i32
      %eq3A_381 = vector.broadcast %eq3A_380 : i32 to vector<128x1024xi32>
      %eq3A_382 = arith.cmpi eq, %shift_right_arithmetic3A_276, %eq3A_381 : vector<128x1024xi32>
      %select_n3A_383 = arith.select %eq3A_382, %gather3A_379, %select_n3A_368 : vector<128x1024xi1>, vector<128x1024xf32>
      %slice3A_384 = vector.extract_strided_slice %dot_general3A_50 {offsets = [0, 896], sizes = [128, 128], strides = [1, 1]} : vector<128x1024xf32> to vector<128x128xf32>
      %lt3A_385 = arith.constant 0 : i32
      %lt3A_386 = vector.broadcast %lt3A_385 : i32 to vector<128x1024xi32>
      %lt3A_387 = arith.cmpi slt, %and3A_273, %lt3A_386 : vector<128x1024xi32>
      %add3A_388 = arith.constant 128 : i32
      %add3A_389 = vector.broadcast %add3A_388 : i32 to vector<128x1024xi32>
      %add3A_390 = arith.addi %and3A_273, %add3A_389 : vector<128x1024xi32>
      %select_n3A_391 = arith.select %lt3A_387, %add3A_390, %and3A_273 : vector<128x1024xi1>, vector<128x1024xi32>
      %reshape3A_392 = vector.shape_cast %select_n3A_391 : vector<128x1024xi32> to vector<128x1024x1xi32>
      %gather3A_393 = vector.shape_cast %reshape3A_392 : vector<128x1024x1xi32> to vector<128x1024xi32>
      %gather3A_394 = tpu.dynamic_gather %slice3A_384[%gather3A_393] in [1] : vector<128x128xf32>, vector<128x1024xi32> -> vector<128x1024xf32>
      %eq3A_395 = arith.constant 7 : i32
      %eq3A_396 = vector.broadcast %eq3A_395 : i32 to vector<128x1024xi32>
      %eq3A_397 = arith.cmpi eq, %shift_right_arithmetic3A_276, %eq3A_396 : vector<128x1024xi32>
      %select_n3A_398 = arith.select %eq3A_397, %gather3A_394, %select_n3A_383 : vector<128x1024xi1>, vector<128x1024xf32>
      %add3A_399 = arith.addf %select_n3A_398, %dot_general3A_55 : vector<128x1024xf32>
      %add3A_400 = arith.addf %add3A_245, %add3A_399 : vector<128x1024xf32>
      %mul3A_401 = arith.mulf %add3A_399, %add3A_399 : vector<128x1024xf32>
      %add3A_402 = arith.addf %add3A_247, %mul3A_401 : vector<128x1024xf32>
      %max3A_403 = arith.maximumf %max3A, %add3A_399 : vector<128x1024xf32>
      scf.yield %add3A_400, %add3A_402, %max3A_403, %broadcast_in_dim3A_268 : vector<128x1024xf32>, vector<128x1024xf32>, vector<128x1024xf32>, vector<1x1024xf32>
    }
    %swap3A_70 = arith.constant 0 : index
    %swap3A_71 = arith.constant 0 : index
    %swap3A_72 = arith.constant 0 : index
    %swap3A_73 = vector.load %arg9[%swap3A_70, %swap3A_71, %swap3A_72] : memref<1x128x1024xf32, #tpu.memory_space<vmem>>, vector<1x128x1024xf32>
    %swap3A_74 = vector.shape_cast %swap3A_73 : vector<1x128x1024xf32> to vector<128x1024xf32>
    %swap3A_75 = vector.shape_cast %scan3A_69#2 : vector<128x1024xf32> to vector<1x128x1024xf32>
    tpu.vector_store %arg9[%swap3A_70, %swap3A_71, %swap3A_72], %swap3A_75 {strides = array<i32>} : memref<1x128x1024xf32, #tpu.memory_space<vmem>>, vector<1x128x1024xf32>,
    %reshape3A = vector.shape_cast %scan3A_69#0 : vector<128x1024xf32> to vector<128x8x128xf32>
    %reduce_sum3A_76 = arith.constant dense<0.000000e+00> : vector<128x128xf32>
    %reduce_sum3A_77 = vector.multi_reduction <add>, %reshape3A, %reduce_sum3A_76 [1] : vector<128x8x128xf32> to vector<128x128xf32>
    %reshape3A_78 = vector.shape_cast %scan3A_69#1 : vector<128x1024xf32> to vector<128x8x128xf32>
    %reduce_sum3A_79 = arith.constant dense<0.000000e+00> : vector<128x128xf32>
    %reduce_sum3A_80 = vector.multi_reduction <add>, %reshape3A_78, %reduce_sum3A_79 [1] : vector<128x8x128xf32> to vector<128x128xf32>
    %eq3A = arith.constant 0 : i32
    %eq3A_81 = arith.cmpi eq, %arg0, %eq3A : i32
    %convert_element_type3A = arith.extui %eq3A_81 : i1 to i32
    %cond3A = arith.constant 0 : i32
    %cond3A_82 = arith.cmpi ne, %convert_element_type3A, %cond3A : i32
    scf.if %cond3A_82 {
      %broadcast_in_dim3A_97 = arith.constant 0.000000e+00 : f32
      %broadcast_in_dim3A_98 = vector.broadcast %broadcast_in_dim3A_97 : f32 to vector<128x128xf32>
      %swap3A_99 = arith.constant 0 : index
      %swap3A_100 = arith.constant 0 : index
      %swap3A_101 = vector.load %arg10[%swap3A_99, %swap3A_100] : memref<128x128xf32, #tpu.memory_space<vmem>>, vector<128x128xf32>
      tpu.vector_store %arg10[%swap3A_99, %swap3A_100], %broadcast_in_dim3A_98 {strides = array<i32>} : memref<128x128xf32, #tpu.memory_space<vmem>>, vector<128x128xf32>,
      %broadcast_in_dim3A_102 = arith.constant 0.000000e+00 : f32
      %broadcast_in_dim3A_103 = vector.broadcast %broadcast_in_dim3A_102 : f32 to vector<128x128xf32>
      %swap3A_104 = arith.constant 0 : index
      %swap3A_105 = arith.constant 0 : index
      %swap3A_106 = vector.load %arg11[%swap3A_104, %swap3A_105] : memref<128x128xf32, #tpu.memory_space<vmem>>, vector<128x128xf32>
      tpu.vector_store %arg11[%swap3A_104, %swap3A_105], %broadcast_in_dim3A_103 {strides = array<i32>} : memref<128x128xf32, #tpu.memory_space<vmem>>, vector<128x128xf32>,
    } else {
    }
    %get3A_83 = arith.constant 0 : index
    %get3A_84 = arith.constant 0 : index
    %get3A_85 = vector.load %arg10[%get3A_83, %get3A_84] : memref<128x128xf32, #tpu.memory_space<vmem>>, vector<128x128xf32>
    %add3A_86 = arith.addf %get3A_85, %reduce_sum3A_77 : vector<128x128xf32>
    %swap3A_87 = arith.constant 0 : index
    %swap3A_88 = arith.constant 0 : index
    %swap3A_89 = vector.load %arg10[%swap3A_87, %swap3A_88] : memref<128x128xf32, #tpu.memory_space<vmem>>, vector<128x128xf32>
    tpu.vector_store %arg10[%swap3A_87, %swap3A_88], %add3A_86 {strides = array<i32>} : memref<128x128xf32, #tpu.memory_space<vmem>>, vector<128x128xf32>,
    %get3A_90 = arith.constant 0 : index
    %get3A_91 = arith.constant 0 : index
    %get3A_92 = vector.load %arg11[%get3A_90, %get3A_91] : memref<128x128xf32, #tpu.memory_space<vmem>>, vector<128x128xf32>
    %add3A_93 = arith.addf %get3A_92, %reduce_sum3A_80 : vector<128x128xf32>
    %swap3A_94 = arith.constant 0 : index
    %swap3A_95 = arith.constant 0 : index
    %swap3A_96 = vector.load %arg11[%swap3A_94, %swap3A_95] : memref<128x128xf32, #tpu.memory_space<vmem>>, vector<128x128xf32>
    tpu.vector_store %arg11[%swap3A_94, %swap3A_95], %add3A_93 {strides = array<i32>} : memref<128x128xf32, #tpu.memory_space<vmem>>, vector<128x128xf32>,
    return
  }
  func.func @transform_0(%arg0: i32) -> (i32, i32, i32, i32) {
    %c0_i32 = arith.constant 0 : i32
    %c0_i32_0 = arith.constant 0 : i32
    %c0_i32_1 = arith.constant 0 : i32
    %c0_i32_2 = arith.constant 0 : i32
    return %arg0, %c0_i32, %c0_i32_0, %c0_i32_1 : i32, i32, i32, i32
  }
  func.func @transform_1(%arg0: i32) -> (i32, i32, i32, i32) {
    %c0_i32 = arith.constant 0 : i32
    %c0_i32_0 = arith.constant 0 : i32
    %c0_i32_1 = arith.constant 0 : i32
    %c0_i32_2 = arith.constant 0 : i32
    return %arg0, %c0_i32, %c0_i32_0, %c0_i32_1 : i32, i32, i32, i32
  }
  func.func @transform_2(%arg0: i32) -> (i32, i32) {
    %c0_i32 = arith.constant 0 : i32
    %c0_i32_0 = arith.constant 0 : i32
    %c0_i32_1 = arith.constant 0 : i32
    return %c0_i32, %c0_i32_0 : i32, i32
  }
  func.func @transform_3(%arg0: i32) -> (i32, i32) {
    %c0_i32 = arith.constant 0 : i32
    %c0_i32_0 = arith.constant 0 : i32
    %c0_i32_1 = arith.constant 0 : i32
    return %c0_i32, %c0_i32_0 : i32, i32
  }
  func.func @transform_4(%arg0: i32) -> (i32, i32) {
    %c0_i32 = arith.constant 0 : i32
    %c0_i32_0 = arith.constant 0 : i32
    %c0_i32_1 = arith.constant 0 : i32
    return %c0_i32, %c0_i32_0 : i32, i32
  }
  func.func @transform_5(%arg0: i32) -> (i32, i32) {
    %c0_i32 = arith.constant 0 : i32
    %c0_i32_0 = arith.constant 0 : i32
    %c0_i32_1 = arith.constant 0 : i32
    return %c0_i32, %c0_i32_0 : i32, i32
  }
  func.func @transform_6(%arg0: i32) -> (i32, i32) {
    %c0_i32 = arith.constant 0 : i32
    %c0_i32_0 = arith.constant 0 : i32
    %c0_i32_1 = arith.constant 0 : i32
    return %c0_i32, %c0_i32_0 : i32, i32
  }
  func.func @transform_7(%arg0: i32) -> (i32, i32) {
    %c0_i32 = arith.constant 0 : i32
    %c0_i32_0 = arith.constant 0 : i32
    %c0_i32_1 = arith.constant 0 : i32
    return %c0_i32, %c0_i32_0 : i32, i32
  }
  func.func @transform_8(%arg0: i32) -> (i32, i32, i32) {
    %c0_i32 = arith.constant 0 : i32
    %c0_i32_0 = arith.constant 0 : i32
    %c0_i32_1 = arith.constant 0 : i32
    return %arg0, %c0_i32, %c0_i32_0 : i32, i32, i32
  }
  func.func @transform_9(%arg0: i32) -> (i32, i32) {
    %c0_i32 = arith.constant 0 : i32
    %c0_i32_0 = arith.constant 0 : i32
    %c0_i32_1 = arith.constant 0 : i32
    return %c0_i32, %c0_i32_0 : i32, i32
  }
  func.func @transform_10(%arg0: i32) -> (i32, i32) {
    %c0_i32 = arith.constant 0 : i32
    %c0_i32_0 = arith.constant 0 : i32
    %c0_i32_1 = arith.constant 0 : i32
    return %c0_i32, %c0_i32_0 : i32, i32
  }
}

module attributes {stable_mosaic.version = 14 : i64} {
  func.func @_f4_kernel(%arg0: i32, %arg1: memref<1x128x1024xf32, #tpu.memory_space<vmem>>, %arg2: memref<128x128xf32, #tpu.memory_space<vmem>>, %arg3: memref<128x128xf32, #tpu.memory_space<vmem>>, %arg4: memref<128x1xf32, #tpu.memory_space<vmem>>, %arg5: memref<128x1xf32, #tpu.memory_space<vmem>>, %arg6: memref<1x128x1xf32, #tpu.memory_space<vmem>>) attributes {dimension_semantics = [#tpu.dimension_semantics<arbitrary>], iteration_bounds = array<i64: 32>, scalar_prefetch = 0 : i64, scratch_operands = 0 : i64, tpu.core_type = #tpu.core_type<tc>, window_params = [{transform_indices = @transform_0, window_bounds = array<i64: 1, 128, 1024>}, {pipeline_mode = #tpu.pipeline_mode<synchronous>, transform_indices = @transform_1, window_bounds = array<i64: 128, 128>}, {pipeline_mode = #tpu.pipeline_mode<synchronous>, transform_indices = @transform_2, window_bounds = array<i64: 128, 128>}, {pipeline_mode = #tpu.pipeline_mode<synchronous>, transform_indices = @transform_3, window_bounds = array<i64: 128, 1>}, {pipeline_mode = #tpu.pipeline_mode<synchronous>, transform_indices = @transform_4, window_bounds = array<i64: 128, 1>}, {transform_indices = @transform_5, window_bounds = array<i64: 1, 128, 1>}]} {
    %get3A = arith.constant 0 : index
    %get3A_0 = arith.constant 0 : index
    %get3A_1 = vector.load %arg2[%get3A, %get3A_0] : memref<128x128xf32, #tpu.memory_space<vmem>>, vector<128x128xf32>
    %reduce_sum3A = arith.constant dense<0.000000e+00> : vector<128xf32>
    %reduce_sum3A_2 = vector.multi_reduction <add>, %get3A_1, %reduce_sum3A [1] : vector<128x128xf32> to vector<128xf32>
    %broadcast_in_dim3A = vector.shape_cast %reduce_sum3A_2 : vector<128xf32> to vector<128x1xf32>
    %mul3A = arith.constant 1.52587893E-6 : f32
    %mul3A_3 = vector.broadcast %mul3A : f32 to vector<128x1xf32>
    %mul3A_4 = arith.mulf %broadcast_in_dim3A, %mul3A_3 : vector<128x1xf32>
    %get3A_5 = arith.constant 0 : index
    %get3A_6 = arith.constant 0 : index
    %get3A_7 = vector.load %arg3[%get3A_5, %get3A_6] : memref<128x128xf32, #tpu.memory_space<vmem>>, vector<128x128xf32>
    %reduce_sum3A_8 = arith.constant dense<0.000000e+00> : vector<128xf32>
    %reduce_sum3A_9 = vector.multi_reduction <add>, %get3A_7, %reduce_sum3A_8 [1] : vector<128x128xf32> to vector<128xf32>
    %broadcast_in_dim3A_10 = vector.shape_cast %reduce_sum3A_9 : vector<128xf32> to vector<128x1xf32>
    %mul3A_11 = arith.constant 1.52587893E-6 : f32
    %mul3A_12 = vector.broadcast %mul3A_11 : f32 to vector<128x1xf32>
    %mul3A_13 = arith.mulf %broadcast_in_dim3A_10, %mul3A_12 : vector<128x1xf32>
    %mul3A_14 = arith.mulf %mul3A_4, %mul3A_4 : vector<128x1xf32>
    %sub3A = arith.subf %mul3A_13, %mul3A_14 : vector<128x1xf32>
    %add3A = arith.constant 9.99999974E-6 : f32
    %add3A_15 = vector.broadcast %add3A : f32 to vector<128x1xf32>
    %add3A_16 = arith.addf %sub3A, %add3A_15 : vector<128x1xf32>
    %rsqrt3A = math.rsqrt %add3A_16 : vector<128x1xf32>
    %get3A_17 = arith.constant 0 : index
    %get3A_18 = arith.constant 0 : index
    %get3A_19 = vector.load %arg4[%get3A_17, %get3A_18] : memref<128x1xf32, #tpu.memory_space<vmem>>, vector<128x1xf32>
    %mul3A_20 = arith.mulf %get3A_19, %rsqrt3A : vector<128x1xf32>
    %get3A_21 = arith.constant 0 : index
    %get3A_22 = arith.constant 0 : index
    %get3A_23 = vector.load %arg5[%get3A_21, %get3A_22] : memref<128x1xf32, #tpu.memory_space<vmem>>, vector<128x1xf32>
    %mul3A_24 = arith.mulf %mul3A_4, %mul3A_20 : vector<128x1xf32>
    %sub3A_25 = arith.subf %get3A_23, %mul3A_24 : vector<128x1xf32>
    %get3A_26 = arith.constant 0 : index
    %get3A_27 = arith.constant 0 : index
    %get3A_28 = arith.constant 0 : index
    %get3A_29 = vector.load %arg1[%get3A_26, %get3A_27, %get3A_28] : memref<1x128x1024xf32, #tpu.memory_space<vmem>>, vector<1x128x1024xf32>
    %get3A_30 = vector.shape_cast %get3A_29 : vector<1x128x1024xf32> to vector<128x1024xf32>
    %mul3A_31 = vector.broadcast %mul3A_20 : vector<128x1xf32> to vector<128x1024xf32>
    %mul3A_32 = arith.mulf %get3A_30, %mul3A_31 : vector<128x1024xf32>
    %add3A_33 = vector.broadcast %sub3A_25 : vector<128x1xf32> to vector<128x1024xf32>
    %add3A_34 = arith.addf %mul3A_32, %add3A_33 : vector<128x1024xf32>
    %ge3A = arith.constant 0.000000e+00 : f32
    %ge3A_35 = vector.broadcast %ge3A : f32 to vector<128x1024xf32>
    %ge3A_36 = arith.cmpf oge, %add3A_34, %ge3A_35 : vector<128x1024xf32>
    %mul3A_37 = arith.constant 2.000000e-01 : f32
    %mul3A_38 = vector.broadcast %mul3A_37 : f32 to vector<128x1024xf32>
    %mul3A_39 = arith.mulf %mul3A_38, %add3A_34 : vector<128x1024xf32>
    %select_n3A = arith.select %ge3A_36, %add3A_34, %mul3A_39 : vector<128x1024xi1>, vector<128x1024xf32>
    %reduce_sum3A_40 = arith.constant dense<0.000000e+00> : vector<128xf32>
    %reduce_sum3A_41 = vector.multi_reduction <add>, %select_n3A, %reduce_sum3A_40 [1] : vector<128x1024xf32> to vector<128xf32>
    %broadcast_in_dim3A_42 = vector.shape_cast %reduce_sum3A_41 : vector<128xf32> to vector<128x1xf32>
    %div3A = arith.constant 1.024000e+03 : f32
    %div3A_43 = vector.broadcast %div3A : f32 to vector<128x1xf32>
    %div3A_44 = arith.divf %broadcast_in_dim3A_42, %div3A_43 : vector<128x1xf32>
    %swap3A = arith.constant 0 : index
    %swap3A_45 = arith.constant 0 : index
    %swap3A_46 = arith.constant 0 : index
    %swap3A_47 = vector.load %arg6[%swap3A, %swap3A_45, %swap3A_46] : memref<1x128x1xf32, #tpu.memory_space<vmem>>, vector<1x128x1xf32>
    %swap3A_48 = vector.shape_cast %swap3A_47 : vector<1x128x1xf32> to vector<128x1xf32>
    %swap3A_49 = vector.shape_cast %div3A_44 : vector<128x1xf32> to vector<1x128x1xf32>
    tpu.vector_store %arg6[%swap3A, %swap3A_45, %swap3A_46], %swap3A_49 {strides = array<i32>} : memref<1x128x1xf32, #tpu.memory_space<vmem>>, vector<1x128x1xf32>,
    return
  }
  func.func @transform_0(%arg0: i32) -> (i32, i32, i32) {
    %c0_i32 = arith.constant 0 : i32
    %c0_i32_0 = arith.constant 0 : i32
    %c0_i32_1 = arith.constant 0 : i32
    return %arg0, %c0_i32, %c0_i32_0 : i32, i32, i32
  }
  func.func @transform_1(%arg0: i32) -> (i32, i32) {
    %c0_i32 = arith.constant 0 : i32
    %c0_i32_0 = arith.constant 0 : i32
    %c0_i32_1 = arith.constant 0 : i32
    return %c0_i32, %c0_i32_0 : i32, i32
  }
  func.func @transform_2(%arg0: i32) -> (i32, i32) {
    %c0_i32 = arith.constant 0 : i32
    %c0_i32_0 = arith.constant 0 : i32
    %c0_i32_1 = arith.constant 0 : i32
    return %c0_i32, %c0_i32_0 : i32, i32
  }
  func.func @transform_3(%arg0: i32) -> (i32, i32) {
    %c0_i32 = arith.constant 0 : i32
    %c0_i32_0 = arith.constant 0 : i32
    %c0_i32_1 = arith.constant 0 : i32
    return %c0_i32, %c0_i32_0 : i32, i32
  }
  func.func @transform_4(%arg0: i32) -> (i32, i32) {
    %c0_i32 = arith.constant 0 : i32
    %c0_i32_0 = arith.constant 0 : i32
    %c0_i32_1 = arith.constant 0 : i32
    return %c0_i32, %c0_i32_0 : i32, i32
  }
  func.func @transform_5(%arg0: i32) -> (i32, i32, i32) {
    %c0_i32 = arith.constant 0 : i32
    %c0_i32_0 = arith.constant 0 : i32
    %c0_i32_1 = arith.constant 0 : i32
    return %arg0, %c0_i32, %c0_i32_0 : i32, i32, i32
  }
}

module attributes {stable_mosaic.version = 14 : i64} {
  func.func @_f5_kernel(%arg0: memref<32x128xf32, #tpu.memory_space<vmem>>, %arg1: memref<40x128xf32, #tpu.memory_space<vmem>>, %arg2: memref<8x40xf32, #tpu.memory_space<vmem>>, %arg3: memref<32x40xf32, #tpu.memory_space<vmem>>) attributes {dimension_semantics = [], scalar_prefetch = 0 : i64, scratch_operands = 0 : i64, tpu.core_type = #tpu.core_type<tc>} {
    %get3A = arith.constant 0 : index
    %get3A_0 = arith.constant 0 : index
    %get3A_1 = vector.load %arg0[%get3A, %get3A_0] : memref<32x128xf32, #tpu.memory_space<vmem>>, vector<32x128xf32>
    %get3A_2 = arith.constant 0 : index
    %get3A_3 = arith.constant 0 : index
    %get3A_4 = vector.load %arg1[%get3A_2, %get3A_3] : memref<40x128xf32, #tpu.memory_space<vmem>>, vector<40x128xf32>
    %dot_general3A = arith.constant dense<0.000000e+00> : vector<32x40xf32>
    %dot_general3A_5 = tpu.matmul %get3A_1, %get3A_4, %dot_general3A {dimension_numbers = #tpu.dot_dimension_numbers<[1], [1], [0], [0], [0, 0, 1, 0], [], []>, precision = #tpu.contract_precision<fp32>, transpose_lhs_hint = false} : vector<32x128xf32>, vector<40x128xf32>, vector<32x40xf32> -> vector<32x40xf32>
    %get3A_6 = arith.constant 0 : index
    %get3A_7 = arith.constant 0 : index
    %get3A_8 = vector.load %arg2[%get3A_6, %get3A_7] : memref<8x40xf32, #tpu.memory_space<vmem>>, vector<1x40xf32>
    %add3A = vector.broadcast %get3A_8 : vector<1x40xf32> to vector<32x40xf32>
    %add3A_9 = arith.addf %dot_general3A_5, %add3A : vector<32x40xf32>
    %reduce_max3A = arith.constant dense<0xFF800000> : vector<32xf32>
    %reduce_max3A_10 = vector.multi_reduction <maximumf>, %add3A_9, %reduce_max3A [1] : vector<32x40xf32> to vector<32xf32>
    %broadcast_in_dim3A = vector.shape_cast %reduce_max3A_10 : vector<32xf32> to vector<32x1xf32>
    %sub3A = vector.broadcast %broadcast_in_dim3A : vector<32x1xf32> to vector<32x40xf32>
    %sub3A_11 = arith.subf %add3A_9, %sub3A : vector<32x40xf32>
    %exp3A = math.exp %sub3A_11 : vector<32x40xf32>
    %reduce_sum3A = arith.constant dense<0.000000e+00> : vector<32xf32>
    %reduce_sum3A_12 = vector.multi_reduction <add>, %exp3A, %reduce_sum3A [1] : vector<32x40xf32> to vector<32xf32>
    %broadcast_in_dim3A_13 = vector.shape_cast %reduce_sum3A_12 : vector<32xf32> to vector<32x1xf32>
    %log3A = math.log %broadcast_in_dim3A_13 : vector<32x1xf32>
    %sub3A_14 = vector.broadcast %log3A : vector<32x1xf32> to vector<32x40xf32>
    %sub3A_15 = arith.subf %sub3A_11, %sub3A_14 : vector<32x40xf32>
    %swap3A = arith.constant 0 : index
    %swap3A_16 = arith.constant 0 : index
    %swap3A_17 = vector.load %arg3[%swap3A, %swap3A_16] : memref<32x40xf32, #tpu.memory_space<vmem>>, vector<32x40xf32>
    tpu.vector_store %arg3[%swap3A, %swap3A_16], %sub3A_15 {strides = array<i32>} : memref<32x40xf32, #tpu.memory_space<vmem>>, vector<32x40xf32>,
    return
  }
}

</mosaic_0001>

<sc_bundles>
// kernel: kernel.10.cloned.1.call-start
scs
__scs_entry_jumppad:
0x0: {  	(pc) =	sbr.rel $0x88, $3  }
0x1: {  	(tag) =	ssettag $0x0;
	lr =	simm.s32 $0x1  }
0x2: {  	[smem:$0x3F91] =	sst lr;
	_ =	strace $0xD0000000  }
0x3: {  	_ = 	snop  }
0x4: {  	_ = 	snop  }
0x5: {  	_ = 	snop  }
0x6: {  	_ = 	snop  }
0x7: {  	_ = 	snop  }
__scs_overlays_trampoline_lowered:
0x8: {  	[smem:$0x3FA0] =	sst s0  }
0x9: {  	[smem:$0x3FA1] =	sst s1  }
0xa: {  	[smem:$0x3FA2] =	sst s2  }
0xb: {  	[smem:$0x3FA3] =	sst s3  }
0xc: {  	[smem:$0x3FA4] =	sst s4  }
0xd: {  	[smem:$0x3FA5] =	sst s5  }
0xe: {  	[smem:$0x3FA6] =	sst s6  }
0xf: {  	[smem:$0x3FA7] =	sst s7  }
0x10: {  	[smem:$0x3FA8] =	sst s8  }
0x11: {  	[smem:$0x3FA9] =	sst s9;
	s0 =	simm.s32 @!p0 $0x0  }
0x12: {  	s1 =	sld [smem:$0x3F8F];
	s0 =	simm.s32 @p0 $0x1  }
0x13: {  	[smem:$0x3FAA] =	sst s0;
	s0 =	simm.s32 @!p1 $0x0  }
0x14: {  	s2 =	sld [smem:$0x3F8E];
	s0 =	simm.s32 @p1 $0x1  }
0x15: {  	[smem:$0x3FAB] =	sst s0;
	s0 =	simm.s32 @!p2 $0x0  }
0x16: {  	s3 =	sld [smem:$0x3FDB];
	s0 =	simm.s32 @p2 $0x1  }
0x17: {  	s4 =	simm.s32 $0x1BF5;
	[smem:$0x3FAD] =	sst s0  }
0x18: {  	s0 =	sld [smem:$0x3F90];
	_ =	swait.ge [sflag:s4], $0x0  }
0x19: {  	s7 =	sld [smem:$0x3F91]  }
0x1a: {  	s8 =	sadd.s32 $0xFFFFE003, lr  }
0x1b: {  	s9 =	sadd.s32 $0xFFFFFEF7, lr;
	s5 =	simm.s32 $0xFFFFFFFF;
	p2 =	slt.u32 s8, $0xFFFFF086  }
0x1c: {  	p1 =	slt.u32 s9, $0xF7A;
	s5 =	simm.s32 @!p2 $0x0  }
0x1d: {  	s5 =	simm.s32 @p1 $0x1;
	p0 =	seq.s32 s7, s2  }
0x1e: {  	s7 =	smul.u32 @!p0 $0xF7A, s2;
	p2 =	seq.s32 @!p0 s5, $0x0  }
0x1f: {  	s9 =	smul.u32 $0xF7A, s1;
	s8 =	simm.s32 @!p0 $0x1BF5;
	p2 =	por !p2, p0  }
0x20: {  	[sflag:s8] =	ssyncset.s32 @!p0 $0xFFFFF086;
	s6 =	sadd.s32 @!p0 s3, s7;
	s7 =	simm.s32 @!p0 $0x108  }
0x21: {  	s3 =	sadd.s32 s3, s9;
	s6 =	sadd.s32 @!p0 $0x88, s6;
	s7 =	simm.s32 @p2 $0x1082  }
0x22: {  	[simem:s7], [sflag:s8] =	dma.local @!p0 [hbm:s6], $0xF7A  }
0x23: {  	s9 =	sor.u32 $0xD0000000, s2;
	s6 =	simm.s32 $0x108;
	_ =	swait.ge @!p0 [sflag:s8], $0x0  }
0x24: {  	s3 =	sadd.s32 $0x88, s3;
	s6 =	simm.s32 @!p1 $0x1082;
	[sflag:s4] =	ssyncset.s32 $0xFFFFF086  }
0x25: {  	[simem:s6], [sflag:s4] =	dma.local [hbm:s3], $0xF7A  }
0x26: {  	[smem:$0x3F91] =	sst s1;
	(tag) =	ssettag s2;
	_ =	strace s9  }
0x27: {  	s1 =	sld [smem:$0x3FA1]  }
0x28: {  	s2 =	sld [smem:$0x3FA2]  }
0x29: {  	s4 =	sld [smem:$0x3FA4]  }
0x2a: {  	p0 =	seq.s32 s5, $0x0;
	s5 =	sld [smem:$0x3FA5]  }
0x2b: {  	s6 =	sld [smem:$0x3FA6]  }
0x2c: {  	s7 =	sld [smem:$0x3FA7]  }
0x2d: {  	s3 =	simm.s32 $0x108;
	s8 =	sld [smem:$0x3FA8]  }
0x2e: {  	s3 =	simm.s32 @!p0 $0x1082;
	s9 =	sld [smem:$0x3FA9]  }
0x2f: {  	lr =	sadd.s32 s0, s3;
	s0 =	sld [smem:$0x3FA0]  }
0x30: {  	s3 =	sld [smem:$0x3FA3]  }
0x31: {  	[smem:$0x3FAC] =	sst s10  }
0x32: {  	s10 =	sld [smem:$0x3FAA];
	_ =	sdelay $0x3  }
0x33: {  	p0 =	seq.s32 s10, $0x1;
	s10 =	sld [smem:$0x3FAC];
	_ =	sdelay $0x3  }
0x34: {  	[smem:$0x3FAC] =	sst s10  }
0x35: {  	s10 =	sld [smem:$0x3FAB];
	_ =	sdelay $0x3  }
0x36: {  	p1 =	seq.s32 s10, $0x1;
	s10 =	sld [smem:$0x3FAC];
	_ =	sdelay $0x3  }
0x37: {  	[smem:$0x3FAC] =	sst s10  }
0x38: {  	s10 =	sld [smem:$0x3FAD]  }
0x39: {  	_ = 	snop;
	(pc) =	sbr.ind lr, $3  }
0x3a: {  	_ = 	snop  }
0x3b: {  	_ = 	snop  }
0x3c: {  	p2 =	seq.s32 s10, $0x1;
	s10 =	sld [smem:$0x3FAC]  }
0x3d: {  	_ =	shalt  }
0x3e: {  	_ =	shalt  }
0x3f: {  	_ =	shalt  }
0x40: {  	_ =	shalt  }
0x41: {  	_ =	shalt  }
0x42: {  	_ =	shalt  }
0x43: {  	_ =	shalt  }
0x44: {  	_ =	shalt  }
0x45: {  	_ =	shalt  }
0x46: {  	_ =	shalt  }
0x47: {  	_ =	shalt  }
0x48: {  	_ =	shalt  }
0x49: {  	_ =	shalt  }
0x4a: {  	_ =	shalt  }
0x4b: {  	_ =	shalt  }
0x4c: {  	_ =	shalt  }
0x4d: {  	_ =	shalt  }
0x4e: {  	_ =	shalt  }
0x4f: {  	_ =	shalt  }
0x50: {  	_ =	shalt  }
0x51: {  	_ =	shalt  }
0x52: {  	_ =	shalt  }
0x53: {  	_ =	shalt  }
0x54: {  	_ =	shalt  }
0x55: {  	_ =	shalt  }
0x56: {  	_ =	shalt  }
0x57: {  	_ =	shalt  }
0x58: {  	_ =	shalt  }
0x59: {  	_ =	shalt  }
0x5a: {  	_ =	shalt  }
0x5b: {  	_ =	shalt  }
0x5c: {  	_ =	shalt  }
0x5d: {  	_ =	shalt  }
0x5e: {  	_ =	shalt  }
0x5f: {  	_ =	shalt  }
0x60: {  	_ =	shalt  }
0x61: {  	_ =	shalt  }
0x62: {  	_ =	shalt  }
0x63: {  	_ =	shalt  }
0x64: {  	_ =	shalt  }
0x65: {  	_ =	shalt  }
0x66: {  	_ =	shalt  }
0x67: {  	_ =	shalt  }
0x68: {  	_ =	shalt  }
0x69: {  	_ =	shalt  }
0x6a: {  	_ =	shalt  }
0x6b: {  	_ =	shalt  }
0x6c: {  	_ =	shalt  }
0x6d: {  	_ =	shalt  }
0x6e: {  	_ =	shalt  }
0x6f: {  	_ =	shalt  }
0x70: {  	_ =	shalt  }
0x71: {  	_ =	shalt  }
0x72: {  	_ =	shalt  }
0x73: {  	_ =	shalt  }
0x74: {  	_ =	shalt  }
0x75: {  	_ =	shalt  }
0x76: {  	_ =	shalt  }
0x77: {  	_ =	shalt  }
0x78: {  	_ =	shalt  }
0x79: {  	_ =	shalt  }
0x7a: {  	_ =	shalt  }
0x7b: {  	_ =	shalt  }
0x7c: {  	_ =	shalt  }
0x7d: {  	_ =	shalt  }
0x7e: {  	_ =	shalt  }
0x7f: {  	_ =	shalt  }
0x80: {  	_ =	shalt  }
0x81: {  	_ =	shalt  }
0x82: {  	_ =	shalt  }
0x83: {  	_ =	shalt  }
0x84: {  	_ =	shalt  }
0x85: {  	_ =	shalt  }
0x86: {  	_ =	shalt  }
0x87: {  	_ =	shalt  }
.Lfunc_end0:
.L_simem_size_0:
called_computation_lowered:
.L_overlay_start_0:
0x88: {  	s2 =	sld [smem:$0x3FD9]  }
0x89: {  	s3 =	sld [smem:$0x3FFE];
	_ =	sdelay $0x1  }
0x8a: {  	s1 =	srdreg.scid  }
0x8b: {  	s0 =	sand.u32 $0x1, s1  }
0x8c: {  	s16 =	sshll.u32 s0, $0xA;
	s2 =	sadd.s32 s3, s2  }
0x8d: {  	s2 =	sadd.s32 s2, s16  }
0x8e: {  	[smem:$0x3FB8] =	sst s2  }
0x8f: {  	_ = 	snop  }
0x90: {  	(tm) =	ssettm $0x1  }
0x91: {  	s17 =	sld [smem:$0x3FFB];
	_ =	sdelay $0x3  }
0x92: {  	_ =	strace s17  }
0x93: {  	s2 =	sld [smem:$0x3FFC];
	_ =	sdelay $0x3  }
0x94: {  	_ =	strace s2  }
0x95: {  	s2 =	sld [smem:$0x3FFD];
	_ =	sdelay $0x3  }
0x96: {  	_ =	strace s2  }
0x97: {  	_ =	strace $0x8FFFFFFF  }
0x98: {  	s18 =	sld [smem:$0x3FDB];
	_ =	sdelay $0x1  }
0x99: {  	s19 =	simm.s32 $_scs_section_size  }
0x9a: {  	s4 =	simm.s32 $_size__tile_overlayer_lowered;
	s5 =	simm.s32 $_tile_overlayer_lowered  }
0x9b: {  	s22 =	simm.s32 $0x1BFF;
	s21 =	sshll.u32 s5, $0x1;
	s2 =	sadd.s32 s19, s18  }
0x9c: {  	s6 =	simm.s32 $0x0;
	s20 =	sshll.u32 s4, $0x1;
	s4 =	sadd.s32 s21, s2  }
0x9d: {  	[timem:s6], [sflag:s22] =	dma.local [hbm:s4], s20  }
0x9e: {  	_ =	swait.ge [sflag:s22], s20  }
0x9f: {  	s3 =	ssub.s32 $0x0, s20;
	[sflag:s22] =	ssyncset.done $0x0  }
0xa0: {  	[sflag:s22] =	ssyncadd.s32 s3;
	_ =	sdelay $0x1  }
0xa1: {  	s23 =	simm.s32 $0x1B8B  }
0xa2: {  	_ =	swait.ge [sflag:s23], $0x1  }
0xa3: {  	[sflag:s23] =	ssyncset.done $0x0  }
0xa4: {  	s25 =	simm.s32 $0x1B8E;
	s24 =	sld [smem:$0x3FFE];
	[sflag:s23] =	ssyncadd.s32 $0xFFFFFFFF  }
0xa5: {  	s26 =	simm.s32 $execute0_lowered;
	[smem:$0x3FD2] =	sst s25  }
0xa6: {  	s4 =	sshll.u32 s26, $0x1;
	_ =	strace $0x80000046;
	[dreg:$0x1] =	wrdreg $0xFFFFFFFF  }
0xa7: {  	s28 =	simm.s32 $_size_execute0_lowered;
	s2 =	sadd.s32 s2, s4;
	[dreg:$0x0] =	wrdreg $0x0  }
0xa8: {  	s4 =	sshll.u32 s28, $0x1;
	[dreg:$0x2] =	wrdreg s2  }
0xa9: {  	[dreg:$0x3] =	wrdreg s4  }
0xaa: {  	[dreg:$0x4] =	wrdreg $0xC0  }
0xab: {  	_ =	task [dreg:s6], $0x5FFFF  }
0xac: {  	[dreg:$0x1] =	wrdreg $0xFFFFFFFF  }
0xad: {  	[dreg:$0x0] =	wrdreg $0x60  }
0xae: {  	[dreg:$0x2] =	wrdreg s24  }
0xaf: {  	[dreg:$0x3] =	wrdreg $0x9  }
0xb0: {  	_ =	task.clear_ibuf [dreg:s6], $0x4FFFF;
	_ =	strace $0x90000046  }
0xb1: {  	s29 =	simm.s32 $0x9;
	_ =	strace $0x80000048  }
0xb2: {  	_ =	swait.ge [sflag:s29], $0x1  }
0xb3: {  	[sflag:s29] =	ssyncadd.s32 $0xFFFFFFFF  }
0xb4: {  	_ =	strace $0x90000048  }
0xb5: {  	_ =	sfence  }
0xb6: {  	s30 =	sld [smem:$0x0];
	_ =	sdelay $0x2  }
0xb7: {  	s31 =	sshll.u32 s1, $0xD;
	s1 =	sshrl.u32 s1, $0x2  }
0xb8: {  	s3 =	sand.u32 $0x4000, s31;
	s1 =	sadd.s32 s1, s30  }
0xb9: {  	s0 =	sor.u32 s3, s0;
	s1 =	sshll.u32 s1, $0x11  }
0xba: {  	s0 =	sor.u32 s1, s0  }
0xbb: {  	s0 =	sadd.s32 $0x8F2B, s0  }
0xbc: {  	[sflag:s0] =	ssyncadd.remote.s32 $0x1  }
0xbd: {  	_ =	sfence.sel $0xFFFF  }
0xbe: {  	[dreg:$0x0] =	wrdreg $0xFFFFFFFF;
	(pc) =	sbr.abs _section_cstart, $3  }
0xbf: {  	[dreg:$0x1] =	wrdreg $0xFFFFFFFF  }
0xc0: {  	_ =	task.clear_ibuf [dreg:s6], $0x2FFFF;
	_ =	strace $0x9FFFFFFF  }
0xc1: {  	(tm) =	ssettm $0x7FFFFFFF  }
tec
execute0_lowered:
.L_overlay_start_1:
0x0: {  	(tag) =	ssettag $0x1  }
0x1: {  	s1 =	srdreg.scid;
	s0 =	stileid.u32  }
0x2: {  	s14 =	sand.u32 $0x1, s1;
	s28 =	sshll.u32 s0, $0x1  }
0x3: {  	s8 =	sor.u32 s14, s28  }
0x4: {  	s9 =	rddreg [dreg:$0x0];
	s13 =	smul.u32 $0x5000, s8  }
0x5: {  	s2 =	simm.s32 $0x0;
	s1 =	rddreg [dreg:$0x1]  }
0x6: {  	[smem:$0x7FF] =	sst s2;
	s15 =	sadd.s32 $0x4800, s9;
	s3 =	sshrl.u32 s13, $0x3  }
0x7: {  	_ =	strace $0x80000047;
	s4 =	sadd.s32 s15, s3;
	s3 =	simm.s32 $0x2  }
0x8: {  	[tilespmem:s2], [sflag:$0x2] =	stream.linear.gather [hbm4b:s4+s2], $0x1400, $0x38;
	[tilespmem:$0x15400] =	vst v63  }
0x9: {  	_ =	swait.ge [sflag:s3], $0x1400  }
0xa: {  	s6 =	simm.s32 $0x1400;
	[sflag:s3] =	ssyncset.done $0x0  }
0xb: {  	s7 =	simm.s32 $0x1;
	s5 =	sadd.s32 $0x28800, s9;
	[sflag:s3] =	ssyncadd.s32 $0xFFFFEC00  }
0xc: {  	[tilespmem:s6], [sflag:$0x1] =	stream.indirect.gather [hbm4b:s5+s6], $0x10, s2, s6, $0xb8;
	[tilespmem:$0x15400] =	vst v63  }
0xd: {  	s8 =	smul.u32 $0xA000, s8;
	_ =	swait.ge [sflag:s7], $0x14000  }
0xe: {  	s16 =	sadd.s32 $0x284800, s9;
	[sflag:s7] =	ssyncset.done $0x0  }
0xf: {  	s8 =	sadd.s32 s16, s8;
	[sflag:s7] =	ssyncadd.s32 $0xFFFEC000  }
0x10: {  	[hbm4b:s8+s2] =	stream.linear.scatter [tilespmem:s6], [sflag:$0x2], $0x14000, $0x38;
	[tilespmem:$0x15400] =	vst v63  }
0x11: {  	s10 =	sadd.s32 $0x1400, s13;
	_ =	swait.ge [sflag:s3], $0x14000  }
0x12: {  	s29 =	sshrl.u32 s10, $0x3;
	[sflag:s3] =	ssyncset.done $0x0  }
0x13: {  	s9 =	sadd.s32 s15, s29;
	[sflag:s3] =	ssyncadd.s32 $0xFFFEC000  }
0x14: {  	[tilespmem:s2], [sflag:$0x2] =	stream.linear.gather [hbm4b:s9+s2], $0x1400, $0x38;
	[tilespmem:$0x15400] =	vst v63  }
0x15: {  	_ =	swait.ge [sflag:s3], $0x1400  }
0x16: {  	[sflag:s3] =	ssyncset.done $0x0  }
0x17: {  	[sflag:s3] =	ssyncadd.s32 $0xFFFFEC00  }
0x18: {  	[tilespmem:s6], [sflag:$0x1] =	stream.indirect.gather [hbm4b:s5+s6], $0x10, s2, s6, $0xb8;
	[tilespmem:$0x15400] =	vst v63  }
0x19: {  	_ =	swait.ge [sflag:s7], $0x14000  }
0x1a: {  	s10 =	sshll.u32 s10, $0x1;
	[sflag:s7] =	ssyncset.done $0x0  }
0x1b: {  	s10 =	sadd.s32 s16, s10;
	[sflag:s7] =	ssyncadd.s32 $0xFFFEC000  }
0x1c: {  	[hbm4b:s10+s2] =	stream.linear.scatter [tilespmem:s6], [sflag:$0x2], $0x14000, $0x38;
	[tilespmem:$0x15400] =	vst v63  }
0x1d: {  	s12 =	sadd.s32 $0x2800, s13;
	_ =	swait.ge [sflag:s3], $0x14000  }
0x1e: {  	s11 =	sshrl.u32 s12, $0x3;
	[sflag:s3] =	ssyncset.done $0x0  }
0x1f: {  	s11 =	sadd.s32 s15, s11;
	[sflag:s3] =	ssyncadd.s32 $0xFFFEC000  }
0x20: {  	[tilespmem:s2], [sflag:$0x2] =	stream.linear.gather [hbm4b:s11+s2], $0x1400, $0x38;
	[tilespmem:$0x15400] =	vst v63  }
0x21: {  	_ =	swait.ge [sflag:s3], $0x1400  }
0x22: {  	[sflag:s3] =	ssyncset.done $0x0  }
0x23: {  	[sflag:s3] =	ssyncadd.s32 $0xFFFFEC00  }
0x24: {  	[tilespmem:s6], [sflag:$0x1] =	stream.indirect.gather [hbm4b:s5+s6], $0x10, s2, s6, $0xb8;
	[tilespmem:$0x15400] =	vst v63  }
0x25: {  	_ =	swait.ge [sflag:s7], $0x14000  }
0x26: {  	s12 =	sshll.u32 s12, $0x1;
	[sflag:s7] =	ssyncset.done $0x0  }
0x27: {  	s12 =	sadd.s32 s16, s12;
	[sflag:s7] =	ssyncadd.s32 $0xFFFEC000  }
0x28: {  	[hbm4b:s12+s2] =	stream.linear.scatter [tilespmem:s6], [sflag:$0x2], $0x14000, $0x38;
	[tilespmem:$0x15400] =	vst v63  }
0x29: {  	s17 =	sadd.s32 $0x3C00, s13;
	_ =	swait.ge [sflag:s3], $0x14000  }
0x2a: {  	s13 =	sshrl.u32 s17, $0x3;
	[sflag:s3] =	ssyncset.done $0x0  }
0x2b: {  	s14 =	ssub.s32 $0x2, s14;
	s13 =	sadd.s32 s15, s13;
	[sflag:s3] =	ssyncadd.s32 $0xFFFEC000  }
0x2c: {  	[tilespmem:s2], [sflag:$0x2] =	stream.linear.gather [hbm4b:s13+s2], $0x1400, $0x38;
	[tilespmem:$0x15400] =	vst v63  }
0x2d: {  	s30 =	sshrl.u32 s14, $0x1;
	_ =	swait.ge [sflag:s3], $0x1400  }
0x2e: {  	s15 =	ssub.s32 s14, s30;
	[sflag:s3] =	ssyncset.done $0x0  }
0x2f: {  	s15 =	smax.u32 s15, $0x1;
	[sflag:s3] =	ssyncadd.s32 $0xFFFFEC00  }
0x30: {  	[tilespmem:s6], [sflag:$0x1] =	stream.indirect.gather [hbm4b:s5+s6], $0x10, s2, s6, $0xb8;
	[tilespmem:$0x15400] =	vst v63  }
0x31: {  	p0 =	sne.s32 s15, $0x1;
	_ =	swait.ge [sflag:s7], $0x14000  }
.Ltmp0:
0x32: {  	s31 =	sshll.u32 s17, $0x1;
	[sflag:s7] =	ssyncset.done $0x0;
	(pc) =	sbr.rel @!p0 .LBB2_2-.Ltmp0, $4  }
0x33: {  	s14 =	sadd.s32 s16, s31;
	[sflag:s7] =	ssyncadd.s32 $0xFFFEC000  }
0x34: {  	[hbm4b:s14+s2] =	stream.linear.scatter [tilespmem:s6], [sflag:$0x2], $0x14000, $0x38;
	[tilespmem:$0x15400] =	vst v63  }
0x35: {  	_ =	swait.ge [sflag:s3], $0x14000  }
0x36: {  	s15 =	sadd.s32 $0xFFFFFFFF, s15;
	[sflag:s3] =	ssyncset.done $0x0  }
.LBB2_1:
0x37: {  	p0 =	sne.s32 s15, $0x1;
	s15 =	sadd.s32 $0xFFFFFFFF, s15;
	[sflag:s3] =	ssyncadd.s32 $0xFFFEC000  }
0x38: {  	[tilespmem:s2], [sflag:$0x2] =	stream.linear.gather [hbm4b:s4+s2], $0x1400, $0x38;
	[tilespmem:$0x15400] =	vst v63  }
0x39: {  	_ =	swait.ge [sflag:s3], $0x1400  }
0x3a: {  	[sflag:s3] =	ssyncset.done $0x0  }
0x3b: {  	[sflag:s3] =	ssyncadd.s32 $0xFFFFEC00  }
0x3c: {  	[tilespmem:s6], [sflag:$0x1] =	stream.indirect.gather [hbm4b:s5+s6], $0x10, s2, s6, $0xb8;
	[tilespmem:$0x15400] =	vst v63  }
0x3d: {  	_ =	swait.ge [sflag:s7], $0x14000  }
0x3e: {  	[sflag:s7] =	ssyncset.done $0x0  }
0x3f: {  	[sflag:s7] =	ssyncadd.s32 $0xFFFEC000  }
0x40: {  	[hbm4b:s8+s2] =	stream.linear.scatter [tilespmem:s6], [sflag:$0x2], $0x14000, $0x38;
	[tilespmem:$0x15400] =	vst v63  }
0x41: {  	_ =	swait.ge [sflag:s3], $0x14000  }
0x42: {  	[sflag:s3] =	ssyncset.done $0x0  }
0x43: {  	[sflag:s3] =	ssyncadd.s32 $0xFFFEC000  }
0x44: {  	[tilespmem:s2], [sflag:$0x2] =	stream.linear.gather [hbm4b:s9+s2], $0x1400, $0x38;
	[tilespmem:$0x15400] =	vst v63  }
0x45: {  	_ =	swait.ge [sflag:s3], $0x1400  }
0x46: {  	[sflag:s3] =	ssyncset.done $0x0  }
0x47: {  	[sflag:s3] =	ssyncadd.s32 $0xFFFFEC00  }
0x48: {  	[tilespmem:s6], [sflag:$0x1] =	stream.indirect.gather [hbm4b:s5+s6], $0x10, s2, s6, $0xb8;
	[tilespmem:$0x15400] =	vst v63  }
0x49: {  	_ =	swait.ge [sflag:s7], $0x14000  }
0x4a: {  	[sflag:s7] =	ssyncset.done $0x0  }
0x4b: {  	[sflag:s7] =	ssyncadd.s32 $0xFFFEC000  }
0x4c: {  	[hbm4b:s10+s2] =	stream.linear.scatter [tilespmem:s6], [sflag:$0x2], $0x14000, $0x38;
	[tilespmem:$0x15400] =	vst v63  }
0x4d: {  	_ =	swait.ge [sflag:s3], $0x14000  }
0x4e: {  	[sflag:s3] =	ssyncset.done $0x0  }
0x4f: {  	[sflag:s3] =	ssyncadd.s32 $0xFFFEC000  }
0x50: {  	[tilespmem:s2], [sflag:$0x2] =	stream.linear.gather [hbm4b:s11+s2], $0x1400, $0x38;
	[tilespmem:$0x15400] =	vst v63  }
0x51: {  	_ =	swait.ge [sflag:s3], $0x1400  }
0x52: {  	[sflag:s3] =	ssyncset.done $0x0  }
0x53: {  	[sflag:s3] =	ssyncadd.s32 $0xFFFFEC00  }
0x54: {  	[tilespmem:s6], [sflag:$0x1] =	stream.indirect.gather [hbm4b:s5+s6], $0x10, s2, s6, $0xb8;
	[tilespmem:$0x15400] =	vst v63  }
0x55: {  	_ =	swait.ge [sflag:s7], $0x14000  }
0x56: {  	[sflag:s7] =	ssyncset.done $0x0  }
0x57: {  	[sflag:s7] =	ssyncadd.s32 $0xFFFEC000  }
0x58: {  	[hbm4b:s12+s2] =	stream.linear.scatter [tilespmem:s6], [sflag:$0x2], $0x14000, $0x38;
	[tilespmem:$0x15400] =	vst v63  }
0x59: {  	_ =	swait.ge [sflag:s3], $0x14000  }
0x5a: {  	[sflag:s3] =	ssyncset.done $0x0  }
0x5b: {  	[sflag:s3] =	ssyncadd.s32 $0xFFFEC000  }
0x5c: {  	[tilespmem:s2], [sflag:$0x2] =	stream.linear.gather [hbm4b:s13+s2], $0x1400, $0x38;
	[tilespmem:$0x15400] =	vst v63  }
0x5d: {  	_ =	swait.ge [sflag:s3], $0x1400  }
0x5e: {  	[sflag:s3] =	ssyncset.done $0x0  }
0x5f: {  	[sflag:s3] =	ssyncadd.s32 $0xFFFFEC00  }
0x60: {  	[tilespmem:s6], [sflag:$0x1] =	stream.indirect.gather [hbm4b:s5+s6], $0x10, s2, s6, $0xb8;
	[tilespmem:$0x15400] =	vst v63  }
0x61: {  	_ =	swait.ge [sflag:s7], $0x14000  }
.Ltmp1:
0x62: {  	[sflag:s7] =	ssyncset.done $0x0;
	(pc) =	sbr.rel @p0 .LBB2_1-.Ltmp1, $4  }
0x63: {  	[sflag:s7] =	ssyncadd.s32 $0xFFFEC000  }
0x64: {  	[hbm4b:s14+s2] =	stream.linear.scatter [tilespmem:s6], [sflag:$0x2], $0x14000, $0x38;
	[tilespmem:$0x15400] =	vst v63  }
0x65: {  	_ =	swait.ge [sflag:s3], $0x14000  }
0x66: {  	[sflag:s3] =	ssyncset.done $0x0  }
.LBB2_2:
0x67: {  	[sflag:s3] =	ssyncadd.s32 $0xFFFEC000  }
0x68: {  	_ =	sfence.sel $0x180000  }
0x69: {  	[bflag:$0x0] =	sbarrier.arrive $0xFFFF  }
0x6a: {  	p0 =	sne.s32 s0, $0x0;
	_ =	strace $0x90000047  }
0x6b: {  	s0 =	sadd.s32 @!p0 $0x100000, s1;
	[bflag:$0x2] =	sbarrier.arrive $0xFFFF  }
0x6c: {  	[sflag:s0] =	ssyncadd.tile.s32 @!p0 $0x1;
	_ =	shalt  }
.Lfunc_end2:
_tile_overlayer_lowered:
.L_overlay_start_2:
0x6d: {  	(tag) =	ssettag $0x2  }
0x6e: {  	s0 =	rddreg [dreg:$0x0];
	s2 =	stileid.u32  }
0x6f: {  	s1 =	rddreg [dreg:$0x1];
	p0 =	sne.s32 s2, $0x0  }
0x70: {  	s3 =	rddreg [dreg:$0x2];
	[bflag:$0x3] =	sbarrier.arrive $0xFFFF;
	s2 =	simm.s32 @!p0 $0x1C02  }
0x71: {  	[timem:s3], [sflag:s2] =	dma.local @!p0 [hbm:s0], s1  }
0x72: {  	s0 =	simm.s32 @!p0 $0x2  }
0x73: {  	_ =	swait.ge @!p0 [sflag:s0], s1  }
0x74: {  	s1 =	ssub.s32 @!p0 $0x0, s1;
	[sflag:s0] =	ssyncset.done @!p0 $0x0  }
0x75: {  	[sflag:s0] =	ssyncadd.s32 @!p0 s1  }
0x76: {  	[bflag:$0x3] =	sbarrier.arrive $0xFFFF  }
0x77: {  	_ =	shalt  }

</sc_bundles>
